<compile_context>
chip_gen: v7x
topology: tpu7x:2x2x1
jax: 0.10.2.dev20260603
libtpu: 0.0.44.dev20260713+nightly
codegen_flags: <defaults>
</compile_context>

<pallas_src>
import functools

import jax
import jax.numpy as jnp
from jax import lax
from jax.experimental import pallas as pl
from jax.experimental.pallas import tpu as pltpu
from jax.experimental.pallas import tpu_sc as plsc

_L = 16
_SC_TOKENS = 1024
_TC_BT = 64
_PRE_BT = 512


def _softmax_matvec_body(logits_ref, cent_ref, probs_ref, ta_ref):
    l = logits_ref[...]
    m = jnp.max(l, axis=-1, keepdims=True)
    e = jnp.exp(l - m)
    s = jnp.sum(e, axis=-1, keepdims=True)
    p = e / s
    probs_ref[...] = p
    ta_ref[...] = lax.dot_general(
        p, cent_ref[...], (((1,), (1,)), ((), ())),
        preferred_element_type=jnp.float32,
    )


@functools.lru_cache(maxsize=None)
def _make_tc_softmax(sc_tokens: int, p_dim: int, nc: int, ndv: int, bt: int):
    grid = sc_tokens // bt
    return pl.pallas_call(
        _softmax_matvec_body,
        grid=(grid,),
        in_specs=[
            pl.BlockSpec((bt, nc), lambda i: (i, 0)),
            pl.BlockSpec((ndv, nc), lambda i: (0, 0)),
        ],
        out_specs=[
            pl.BlockSpec((bt, nc), lambda i: (i, 0)),
            pl.BlockSpec((bt, ndv), lambda i: (i, 0)),
        ],
        out_shape=[
            jax.ShapeDtypeStruct((sc_tokens, nc), jnp.float32),
            jax.ShapeDtypeStruct((sc_tokens, ndv), jnp.float32),
        ],
    )


def _tc_full_body(row_ref, cent_ref, out_ref):
    bt = row_ref.shape[0]
    ndv = cent_ref.shape[0]
    nc = cent_ref.shape[1]
    per_lane = 128 // ndv
    row = row_ref[...]
    logits = row[:, :nc]
    m = jnp.max(logits, axis=-1, keepdims=True)
    e = jnp.exp(logits - m)
    p = e / jnp.sum(e, axis=-1, keepdims=True)
    nmacro = nc // 128
    width = 128 * 128 // per_lane
    kk = lax.broadcasted_iota(jnp.int32, (128, width), 0)
    cc = lax.broadcasted_iota(jnp.int32, (128, width), 1)
    sel = (kk == (cc // 128) * per_lane + (cc % 128) // ndv).astype(jnp.float32)
    acc = jnp.zeros((bt, 128), jnp.float32)
    for q in range(nmacro):
        pq = p[:, 128 * q : 128 * (q + 1)]
        pb = jnp.dot(pq, sel, preferred_element_type=jnp.float32)
        muq = row[:, nc + width * q : nc + width * (q + 1)]
        acc = acc + jnp.sum((pb * muq).reshape(bt, width // 128, 128), axis=1)
    red = acc[:, :ndv]
    for j in range(1, per_lane):
        red = red + acc[:, ndv * j : ndv * (j + 1)]
    out_ref[...] = red + lax.dot_general(
        p, cent_ref[...], (((1,), (1,)), ((), ())),
        preferred_element_type=jnp.float32,
    )


@functools.lru_cache(maxsize=None)
def _make_tc_full(tokens: int, p_dim: int, nc: int, ndv: int, start: int, bt: int):
    grid = tokens // bt
    blk0 = start // bt
    return pl.pallas_call(
        _tc_full_body,
        grid=(grid,),
        in_specs=[
            pl.BlockSpec((bt, p_dim), lambda i: (i + blk0, 0)),
            pl.BlockSpec((ndv, nc), lambda i: (0, 0)),
        ],
        out_specs=pl.BlockSpec((bt, ndv), lambda i: (i, 0)),
        out_shape=jax.ShapeDtypeStruct((tokens, ndv), jnp.float32),
    )


@functools.lru_cache(maxsize=None)
def _make_sc_weighted_sum(sc_tokens: int, p_dim: int, nc: int, ndv: int):
    info = plsc.get_sparse_core_info()
    ncores, nsub = info.num_cores, info.num_subcores
    nw = ncores * nsub
    tpw = sc_tokens // nw
    assert tpw % 2 == 0
    mu_off = nc
    mu_len = nc * ndv
    nchunk = nc // _L
    mesh = plsc.VectorSubcoreMesh(core_axis_name="c", subcore_axis_name="s")

    @functools.partial(
        pl.kernel,
        out_type=jax.ShapeDtypeStruct((sc_tokens, ndv), jnp.float32),
        mesh=mesh,
        scratch_types=[
            pltpu.VMEM((2, mu_len), jnp.float32),
            pltpu.VMEM((tpw, nc), jnp.float32),
            pltpu.VMEM((tpw, ndv), jnp.float32),
            pltpu.SemaphoreType.DMA,
            pltpu.SemaphoreType.DMA,
            pltpu.SemaphoreType.DMA,
        ],
    )
    def sc_kernel(params_hbm, probs_hbm, out_hbm, mu_v, pr_v, out_v, sem0, sem1, semp):
        wid = lax.axis_index("s") * ncores + lax.axis_index("c")
        base = wid * tpw
        sems = (sem0, sem1)

        pr_cp = pltpu.make_async_copy(probs_hbm.at[pl.ds(base, tpw)], pr_v, semp)
        pr_cp.start()

        def mu_cp(tok, b):
            return pltpu.make_async_copy(
                params_hbm.at[tok, pl.ds(mu_off, mu_len)], mu_v.at[b], sems[b]
            )

        def compute(tok_local, b):
            mu = mu_v.at[b]

            def kc_body(kc, accs):
                a0, a1, b0, b1 = accs
                e = pr_v[tok_local, pl.ds(kc * _L, _L)]
                for j in range(_L):
                    pb = e[j]
                    row = (kc * _L + j) * ndv
                    if j % 2 == 0:
                        a0 = a0 + pb * mu[pl.ds(row, _L)]
                        a1 = a1 + pb * mu[pl.ds(row + _L, _L)]
                    else:
                        b0 = b0 + pb * mu[pl.ds(row, _L)]
                        b1 = b1 + pb * mu[pl.ds(row + _L, _L)]
                return a0, a1, b0, b1

            zeros = jnp.zeros((_L,), jnp.float32)
            a0, a1, b0, b1 = lax.fori_loop(
                0, nchunk, kc_body, (zeros, zeros, zeros, zeros)
            )
            out_v[tok_local, pl.ds(0, _L)] = a0 + b0
            out_v[tok_local, pl.ds(_L, _L)] = a1 + b1

        nbuf = 2
        for b in range(nbuf):
            mu_cp(base + b, b).start()
        pr_cp.wait()

        def outer(i, carry):
            t = base + nbuf * i
            for b in range(nbuf):
                mu_cp(t + b, b).wait()
                compute(nbuf * i + b, b)
                mu_cp(t + b + nbuf, b).start()
            return carry

        lax.fori_loop(0, tpw // nbuf - 1, outer, 0)
        for b in range(nbuf):
            mu_cp(base + tpw - nbuf + b, b).wait()
            compute(tpw - nbuf + b, b)
        pltpu.sync_copy(out_v, out_hbm.at[pl.ds(base, tpw)])

    return sc_kernel


def kernel(params, centres):
    B, T, p_dim = params.shape
    nc, ndv = centres.shape
    tokens = B * T
    s = _SC_TOKENS
    p2 = params.reshape(tokens, p_dim)
    cent = centres.T
    probs, term_a = _make_tc_softmax(s, p_dim, nc, ndv, _PRE_BT)(p2, cent)
    term_b = _make_sc_weighted_sum(s, p_dim, nc, ndv)(p2, probs)
    out_sc = term_a + term_b
    out_tc = _make_tc_full(tokens - s, p_dim, nc, ndv, s, _TC_BT)(p2, cent)
    out = jnp.concatenate([out_sc, out_tc], axis=0)
    return out.reshape(B, T, ndv)

# --- scband reference (transcript-rebuilt; emitter-appended) ---
"""Pipeline reference for scband-discrete-continuous-distribution-module-60086592471043 (READ-ONLY COPY).

The authoritative reference and input builder live on the scoring server;
editing this copy changes nothing except your own understanding.
"""

import jax, jax.numpy as jnp
import numpy as np

NC = 512
NDV = 32
B = 8
T = 256


def setup_inputs(seed: int = 0) -> dict:
    key = jax.random.key(seed)
    k1, k2 = jax.random.split(key)
    params = jax.random.normal(k1, (B, T, NC * (NDV + 2)), dtype=jnp.float32)
    centres = jax.random.normal(k2, (NC, NDV), dtype=jnp.float32)
    return {"params": params, "centres": centres}


def reference(params, centres):
    # Faithful translation of DiscreteContinuousDistributionModule.forward:
    # constructs DiscreteContinuousDistribution(params, centres) and evaluates
    # its mean() (the canonical tensor-valued readout of the distribution).
    nc, ndv = centres.shape
    probs_logits, mu, log_var = jnp.split(params, [nc, nc + nc * ndv], axis=-1)
    mu = mu.reshape(params.shape[:-1] + (nc, ndv))
    probs = jax.nn.softmax(probs_logits, axis=-1)
    # mean(): sum_k probs_k * (centre_k + mu_k)
    p = probs.reshape(-1, nc, 1)
    c = centres.reshape(1, nc, ndv)
    deltas = mu.reshape(-1, nc, ndv)
    vals = jnp.sum(p * (c + deltas), axis=-2)
    vals = vals.reshape(probs.shape[:-1] + (ndv,))
    return vals

if __name__ == "__main__":
    import jax
    _d = setup_inputs()
    print(jax.jit(kernel)(*tuple(_d.values())))

</pallas_src>

<mosaic_0001>
#map = affine_map<(d0, d1) -> (0, 0)>
module attributes {stable_mosaic.version = 14 : i64} {
  func.func @sc_kernel(%arg0: i32, %arg1: i32, %arg2: memref<2048x17408xf32, #tpu.memory_space<hbm>>, %arg3: memref<1024x512xf32, #tpu.memory_space<hbm>>, %arg4: memref<1024x32xf32, #tpu.memory_space<hbm>>, %arg5: memref<2x16384xf32, #tpu.memory_space<vmem>>, %arg6: memref<32x512xf32, #tpu.memory_space<vmem>>, %arg7: memref<32x32xf32, #tpu.memory_space<vmem>>, %arg8: memref<!tpu.dma_semaphore, #tpu.memory_space<semaphore_mem>>, %arg9: memref<!tpu.dma_semaphore, #tpu.memory_space<semaphore_mem>>, %arg10: memref<!tpu.dma_semaphore, #tpu.memory_space<semaphore_mem>>) attributes {dimension_semantics = [#tpu.dimension_semantics<core_parallel>, #tpu.dimension_semantics<subcore_parallel>], iteration_bounds = array<i64: 2, 16>, scalar_prefetch = 0 : i64, scratch_operands = 6 : i64, tpu.core_type = #tpu.core_type<sc_vector_subcore>, window_params = [{transform_indices = #map}, {transform_indices = #map}, {transform_indices = #map}]} {
    %mul3A = arith.constant 2 : i32
    %mul3A_0 = arith.muli %arg1, %mul3A : i32
    %add3A = arith.addi %mul3A_0, %arg0 : i32
    %mul3A_1 = arith.constant 32 : i32
    %mul3A_2 = arith.muli %add3A, %mul3A_1 : i32
    %dma_start3A = arith.constant 0 : i32
    %dma_start3A_3 = tpu.memref_slice %arg3[%mul3A_2, %dma_start3A] : memref<1024x512xf32, #tpu.memory_space<hbm>> -> memref<32x512xf32, #tpu.memory_space<hbm>>
    %dma_start3A_4 = arith.constant 0 : i32
    %dma_start3A_5 = tpu.memref_slice %arg3[%mul3A_2, %dma_start3A_4] : memref<1024x512xf32, #tpu.memory_space<hbm>> -> memref<32x512xf32, #tpu.memory_space<hbm>>
    tpu.enqueue_dma source(%dma_start3A_5 : memref<32x512xf32, #tpu.memory_space<hbm>>) target(%arg6 : memref<32x512xf32, #tpu.memory_space<vmem>>) target_semaphore(%arg10 : memref<!tpu.dma_semaphore, #tpu.memory_space<semaphore_mem>>)
    %add3A_6 = arith.constant 0 : i32
    %add3A_7 = arith.addi %mul3A_2, %add3A_6 : i32
    %dma_start3A_8 = arith.constant 0 : i32
    %dma_start3A_9 = arith.constant 0 : i32
    %dma_start3A_10 = tpu.memref_slice %arg5[%dma_start3A_8, %dma_start3A_9] : memref<2x16384xf32, #tpu.memory_space<vmem>> -> memref<1x16384xf32, #tpu.memory_space<vmem>>
    %dma_start3A_11 = tpu.memref_squeeze %dma_start3A_10 : memref<1x16384xf32, #tpu.memory_space<vmem>> -> memref<16384xf32, #tpu.memory_space<vmem>>
    %dma_start3A_12 = arith.constant 512 : i32
    %dma_start3A_13 = tpu.memref_slice %arg2[%add3A_7, %dma_start3A_12] : memref<2048x17408xf32, #tpu.memory_space<hbm>> -> memref<1x16384xf32, #tpu.memory_space<hbm>>
    %dma_start3A_14 = tpu.memref_squeeze %dma_start3A_13 : memref<1x16384xf32, #tpu.memory_space<hbm>> -> memref<16384xf32, #tpu.memory_space<hbm>>
    %dma_start3A_15 = arith.constant 0 : i32
    %dma_start3A_16 = tpu.memref_slice %arg5[%dma_start3A_8, %dma_start3A_15] : memref<2x16384xf32, #tpu.memory_space<vmem>> -> memref<1x16384xf32, #tpu.memory_space<vmem>>
    %dma_start3A_17 = tpu.memref_squeeze %dma_start3A_16 : memref<1x16384xf32, #tpu.memory_space<vmem>> -> memref<16384xf32, #tpu.memory_space<vmem>>
    %dma_start3A_18 = arith.constant 512 : i32
    %dma_start3A_19 = tpu.memref_slice %arg2[%add3A_7, %dma_start3A_18] : memref<2048x17408xf32, #tpu.memory_space<hbm>> -> memref<1x16384xf32, #tpu.memory_space<hbm>>
    %dma_start3A_20 = tpu.memref_squeeze %dma_start3A_19 : memref<1x16384xf32, #tpu.memory_space<hbm>> -> memref<16384xf32, #tpu.memory_space<hbm>>
    tpu.enqueue_dma source(%dma_start3A_20 : memref<16384xf32, #tpu.memory_space<hbm>>) target(%dma_start3A_17 : memref<16384xf32, #tpu.memory_space<vmem>>) target_semaphore(%arg8 : memref<!tpu.dma_semaphore, #tpu.memory_space<semaphore_mem>>)
    %add3A_21 = arith.constant 1 : i32
    %add3A_22 = arith.addi %mul3A_2, %add3A_21 : i32
    %dma_start3A_23 = arith.constant 1 : i32
    %dma_start3A_24 = arith.constant 0 : i32
    %dma_start3A_25 = tpu.memref_slice %arg5[%dma_start3A_23, %dma_start3A_24] : memref<2x16384xf32, #tpu.memory_space<vmem>> -> memref<1x16384xf32, #tpu.memory_space<vmem>>
    %dma_start3A_26 = tpu.memref_squeeze %dma_start3A_25 : memref<1x16384xf32, #tpu.memory_space<vmem>> -> memref<16384xf32, #tpu.memory_space<vmem>>
    %dma_start3A_27 = arith.constant 512 : i32
    %dma_start3A_28 = tpu.memref_slice %arg2[%add3A_22, %dma_start3A_27] : memref<2048x17408xf32, #tpu.memory_space<hbm>> -> memref<1x16384xf32, #tpu.memory_space<hbm>>
    %dma_start3A_29 = tpu.memref_squeeze %dma_start3A_28 : memref<1x16384xf32, #tpu.memory_space<hbm>> -> memref<16384xf32, #tpu.memory_space<hbm>>
    %dma_start3A_30 = arith.constant 0 : i32
    %dma_start3A_31 = tpu.memref_slice %arg5[%dma_start3A_23, %dma_start3A_30] : memref<2x16384xf32, #tpu.memory_space<vmem>> -> memref<1x16384xf32, #tpu.memory_space<vmem>>
    %dma_start3A_32 = tpu.memref_squeeze %dma_start3A_31 : memref<1x16384xf32, #tpu.memory_space<vmem>> -> memref<16384xf32, #tpu.memory_space<vmem>>
    %dma_start3A_33 = arith.constant 512 : i32
    %dma_start3A_34 = tpu.memref_slice %arg2[%add3A_22, %dma_start3A_33] : memref<2048x17408xf32, #tpu.memory_space<hbm>> -> memref<1x16384xf32, #tpu.memory_space<hbm>>
    %dma_start3A_35 = tpu.memref_squeeze %dma_start3A_34 : memref<1x16384xf32, #tpu.memory_space<hbm>> -> memref<16384xf32, #tpu.memory_space<hbm>>
    tpu.enqueue_dma source(%dma_start3A_35 : memref<16384xf32, #tpu.memory_space<hbm>>) target(%dma_start3A_32 : memref<16384xf32, #tpu.memory_space<vmem>>) target_semaphore(%arg9 : memref<!tpu.dma_semaphore, #tpu.memory_space<semaphore_mem>>)
    %dma_wait3A = arith.constant 0 : i32
    %dma_wait3A_36 = tpu.memref_slice %arg3[%mul3A_2, %dma_wait3A] : memref<1024x512xf32, #tpu.memory_space<hbm>> -> memref<32x512xf32, #tpu.memory_space<hbm>>
    %dma_wait3A_37 = arith.constant 0 : i32
    %dma_wait3A_38 = tpu.memref_slice %arg3[%mul3A_2, %dma_wait3A_37] : memref<1024x512xf32, #tpu.memory_space<hbm>> -> memref<32x512xf32, #tpu.memory_space<hbm>>
    tpu.wait_dma2 semaphore(%arg10 : memref<!tpu.dma_semaphore, #tpu.memory_space<semaphore_mem>>) src(%dma_wait3A_38 : memref<32x512xf32, #tpu.memory_space<hbm>>) dst(%arg6 : memref<32x512xf32, #tpu.memory_space<vmem>>)
    %scan3A = arith.constant 0 : i32
    %scan3A_39 = arith.constant 0 : i32
    %scan3A_40 = arith.constant 15 : i32
    %scan3A_41 = arith.addi %scan3A_39, %scan3A_40 : i32
    %scan3A_42 = arith.constant 1 : i32
    scf.for %scan3A_125 = %scan3A_39 to %scan3A_41 step %scan3A_42  : i32 {
      %mul3A_126 = arith.constant 2 : i32
      %mul3A_127 = arith.muli %mul3A_126, %scan3A_125 : i32
      %add3A_128 = arith.addi %mul3A_2, %mul3A_127 : i32
      %add3A_129 = arith.constant 0 : i32
      %add3A_130 = arith.addi %add3A_128, %add3A_129 : i32
      %dma_wait3A_131 = arith.constant 0 : i32
      %dma_wait3A_132 = arith.constant 0 : i32
      %dma_wait3A_133 = tpu.memref_slice %arg5[%dma_wait3A_131, %dma_wait3A_132] : memref<2x16384xf32, #tpu.memory_space<vmem>> -> memref<1x16384xf32, #tpu.memory_space<vmem>>
      %dma_wait3A_134 = tpu.memref_squeeze %dma_wait3A_133 : memref<1x16384xf32, #tpu.memory_space<vmem>> -> memref<16384xf32, #tpu.memory_space<vmem>>
      %dma_wait3A_135 = arith.constant 512 : i32
      %dma_wait3A_136 = tpu.memref_slice %arg2[%add3A_130, %dma_wait3A_135] : memref<2048x17408xf32, #tpu.memory_space<hbm>> -> memref<1x16384xf32, #tpu.memory_space<hbm>>
      %dma_wait3A_137 = tpu.memref_squeeze %dma_wait3A_136 : memref<1x16384xf32, #tpu.memory_space<hbm>> -> memref<16384xf32, #tpu.memory_space<hbm>>
      %dma_wait3A_138 = arith.constant 0 : i32
      %dma_wait3A_139 = tpu.memref_slice %arg5[%dma_wait3A_131, %dma_wait3A_138] : memref<2x16384xf32, #tpu.memory_space<vmem>> -> memref<1x16384xf32, #tpu.memory_space<vmem>>
      %dma_wait3A_140 = tpu.memref_squeeze %dma_wait3A_139 : memref<1x16384xf32, #tpu.memory_space<vmem>> -> memref<16384xf32, #tpu.memory_space<vmem>>
      %dma_wait3A_141 = arith.constant 512 : i32
      %dma_wait3A_142 = tpu.memref_slice %arg2[%add3A_130, %dma_wait3A_141] : memref<2048x17408xf32, #tpu.memory_space<hbm>> -> memref<1x16384xf32, #tpu.memory_space<hbm>>
      %dma_wait3A_143 = tpu.memref_squeeze %dma_wait3A_142 : memref<1x16384xf32, #tpu.memory_space<hbm>> -> memref<16384xf32, #tpu.memory_space<hbm>>
      tpu.wait_dma2 semaphore(%arg8 : memref<!tpu.dma_semaphore, #tpu.memory_space<semaphore_mem>>) src(%dma_wait3A_143 : memref<16384xf32, #tpu.memory_space<hbm>>) dst(%dma_wait3A_140 : memref<16384xf32, #tpu.memory_space<vmem>>)
      %mul3A_144 = arith.constant 2 : i32
      %mul3A_145 = arith.muli %mul3A_144, %scan3A_125 : i32
      %add3A_146 = arith.constant 0 : i32
      %add3A_147 = arith.addi %mul3A_145, %add3A_146 : i32
      %broadcast_in_dim3A_148 = arith.constant 0.000000e+00 : f32
      %broadcast_in_dim3A_149 = vector.broadcast %broadcast_in_dim3A_148 : f32 to vector<16xf32>
      %scan3A_150 = arith.constant 0 : i32
      %scan3A_151 = arith.constant 0 : i32
      %scan3A_152 = arith.constant 32 : i32
      %scan3A_153 = arith.addi %scan3A_151, %scan3A_152 : i32
      %scan3A_154 = arith.constant 1 : i32
      %scan3A_155:4 = scf.for %scan3A_243 = %scan3A_151 to %scan3A_153 step %scan3A_154 iter_args(%scan3A_244 = %broadcast_in_dim3A_149, %scan3A_245 = %broadcast_in_dim3A_149, %scan3A_246 = %broadcast_in_dim3A_149, %scan3A_247 = %broadcast_in_dim3A_149) -> (vector<16xf32>, vector<16xf32>, vector<16xf32>, vector<16xf32>)  : i32 {
        %mul3A_248 = arith.constant 16 : i32
        %mul3A_249 = arith.muli %scan3A_243, %mul3A_248 : i32
        %get3A = arith.index_cast %add3A_147 : i32 to index
        %get3A_250 = arith.index_cast %mul3A_249 : i32 to index
        %get3A_251 = tpu.vector_load %arg6[%get3A, %get3A_250] {strides = array<i32>} : memref<32x512xf32, #tpu.memory_space<vmem>>, vector<1x16xf32>,
        %get3A_252 = vector.shape_cast %get3A_251 : vector<1x16xf32> to vector<16xf32>
        %slice3A = vector.extract_strided_slice %get3A_252 {offsets = [0], sizes = [1], strides = [1]} : vector<16xf32> to vector<1xf32>
        %squeeze3A = vector.extract %slice3A[0] : f32 from vector<1xf32>
        %mul3A_253 = arith.constant 16 : i32
        %mul3A_254 = arith.muli %scan3A_243, %mul3A_253 : i32
        %add3A_255 = arith.constant 0 : i32
        %add3A_256 = arith.addi %mul3A_254, %add3A_255 : i32
        %mul3A_257 = arith.constant 32 : i32
        %mul3A_258 = arith.muli %add3A_256, %mul3A_257 : i32
        %get3A_259 = arith.constant 0 : i32
        %get3A_260 = tpu.memref_slice %arg5[%scan3A_150, %get3A_259] : memref<2x16384xf32, #tpu.memory_space<vmem>> -> memref<1x16384xf32, #tpu.memory_space<vmem>>
        %get3A_261 = tpu.memref_squeeze %get3A_260 : memref<1x16384xf32, #tpu.memory_space<vmem>> -> memref<16384xf32, #tpu.memory_space<vmem>>
        %get3A_262 = arith.index_cast %mul3A_258 : i32 to index
        %get3A_263 = tpu.vector_load %get3A_261[%get3A_262] {strides = array<i32>} : memref<16384xf32, #tpu.memory_space<vmem>>, vector<16xf32>,
        %get3A_264 = vector.shape_cast %get3A_263 : vector<16xf32> to vector<16xf32>
        %mul3A_265 = vector.broadcast %squeeze3A : f32 to vector<16xf32>
        %mul3A_266 = arith.mulf %mul3A_265, %get3A_264 : vector<16xf32>
        %add3A_267 = arith.addf %scan3A_244, %mul3A_266 : vector<16xf32>
        %add3A_268 = arith.constant 16 : i32
        %add3A_269 = arith.addi %mul3A_258, %add3A_268 : i32
        %get3A_270 = arith.constant 0 : i32
        %get3A_271 = tpu.memref_slice %arg5[%scan3A_150, %get3A_270] : memref<2x16384xf32, #tpu.memory_space<vmem>> -> memref<1x16384xf32, #tpu.memory_space<vmem>>
        %get3A_272 = tpu.memref_squeeze %get3A_271 : memref<1x16384xf32, #tpu.memory_space<vmem>> -> memref<16384xf32, #tpu.memory_space<vmem>>
        %get3A_273 = arith.index_cast %add3A_269 : i32 to index
        %get3A_274 = tpu.vector_load %get3A_272[%get3A_273] {strides = array<i32>} : memref<16384xf32, #tpu.memory_space<vmem>>, vector<16xf32>,
        %get3A_275 = vector.shape_cast %get3A_274 : vector<16xf32> to vector<16xf32>
        %mul3A_276 = vector.broadcast %squeeze3A : f32 to vector<16xf32>
        %mul3A_277 = arith.mulf %mul3A_276, %get3A_275 : vector<16xf32>
        %add3A_278 = arith.addf %scan3A_245, %mul3A_277 : vector<16xf32>
        %slice3A_279 = vector.extract_strided_slice %get3A_252 {offsets = [1], sizes = [1], strides = [1]} : vector<16xf32> to vector<1xf32>
        %squeeze3A_280 = vector.extract %slice3A_279[0] : f32 from vector<1xf32>
        %mul3A_281 = arith.constant 16 : i32
        %mul3A_282 = arith.muli %scan3A_243, %mul3A_281 : i32
        %add3A_283 = arith.constant 1 : i32
        %add3A_284 = arith.addi %mul3A_282, %add3A_283 : i32
        %mul3A_285 = arith.constant 32 : i32
        %mul3A_286 = arith.muli %add3A_284, %mul3A_285 : i32
        %get3A_287 = arith.constant 0 : i32
        %get3A_288 = tpu.memref_slice %arg5[%scan3A_150, %get3A_287] : memref<2x16384xf32, #tpu.memory_space<vmem>> -> memref<1x16384xf32, #tpu.memory_space<vmem>>
        %get3A_289 = tpu.memref_squeeze %get3A_288 : memref<1x16384xf32, #tpu.memory_space<vmem>> -> memref<16384xf32, #tpu.memory_space<vmem>>
        %get3A_290 = arith.index_cast %mul3A_286 : i32 to index
        %get3A_291 = tpu.vector_load %get3A_289[%get3A_290] {strides = array<i32>} : memref<16384xf32, #tpu.memory_space<vmem>>, vector<16xf32>,
        %get3A_292 = vector.shape_cast %get3A_291 : vector<16xf32> to vector<16xf32>
        %mul3A_293 = vector.broadcast %squeeze3A_280 : f32 to vector<16xf32>
        %mul3A_294 = arith.mulf %mul3A_293, %get3A_292 : vector<16xf32>
        %add3A_295 = arith.addf %scan3A_246, %mul3A_294 : vector<16xf32>
        %add3A_296 = arith.constant 16 : i32
        %add3A_297 = arith.addi %mul3A_286, %add3A_296 : i32
        %get3A_298 = arith.constant 0 : i32
        %get3A_299 = tpu.memref_slice %arg5[%scan3A_150, %get3A_298] : memref<2x16384xf32, #tpu.memory_space<vmem>> -> memref<1x16384xf32, #tpu.memory_space<vmem>>
        %get3A_300 = tpu.memref_squeeze %get3A_299 : memref<1x16384xf32, #tpu.memory_space<vmem>> -> memref<16384xf32, #tpu.memory_space<vmem>>
        %get3A_301 = arith.index_cast %add3A_297 : i32 to index
        %get3A_302 = tpu.vector_load %get3A_300[%get3A_301] {strides = array<i32>} : memref<16384xf32, #tpu.memory_space<vmem>>, vector<16xf32>,
        %get3A_303 = vector.shape_cast %get3A_302 : vector<16xf32> to vector<16xf32>
        %mul3A_304 = vector.broadcast %squeeze3A_280 : f32 to vector<16xf32>
        %mul3A_305 = arith.mulf %mul3A_304, %get3A_303 : vector<16xf32>
        %add3A_306 = arith.addf %scan3A_247, %mul3A_305 : vector<16xf32>
        %slice3A_307 = vector.extract_strided_slice %get3A_252 {offsets = [2], sizes = [1], strides = [1]} : vector<16xf32> to vector<1xf32>
        %squeeze3A_308 = vector.extract %slice3A_307[0] : f32 from vector<1xf32>
        %mul3A_309 = arith.constant 16 : i32
        %mul3A_310 = arith.muli %scan3A_243, %mul3A_309 : i32
        %add3A_311 = arith.constant 2 : i32
        %add3A_312 = arith.addi %mul3A_310, %add3A_311 : i32
        %mul3A_313 = arith.constant 32 : i32
        %mul3A_314 = arith.muli %add3A_312, %mul3A_313 : i32
        %get3A_315 = arith.constant 0 : i32
        %get3A_316 = tpu.memref_slice %arg5[%scan3A_150, %get3A_315] : memref<2x16384xf32, #tpu.memory_space<vmem>> -> memref<1x16384xf32, #tpu.memory_space<vmem>>
        %get3A_317 = tpu.memref_squeeze %get3A_316 : memref<1x16384xf32, #tpu.memory_space<vmem>> -> memref<16384xf32, #tpu.memory_space<vmem>>
        %get3A_318 = arith.index_cast %mul3A_314 : i32 to index
        %get3A_319 = tpu.vector_load %get3A_317[%get3A_318] {strides = array<i32>} : memref<16384xf32, #tpu.memory_space<vmem>>, vector<16xf32>,
        %get3A_320 = vector.shape_cast %get3A_319 : vector<16xf32> to vector<16xf32>
        %mul3A_321 = vector.broadcast %squeeze3A_308 : f32 to vector<16xf32>
        %mul3A_322 = arith.mulf %mul3A_321, %get3A_320 : vector<16xf32>
        %add3A_323 = arith.addf %add3A_267, %mul3A_322 : vector<16xf32>
        %add3A_324 = arith.constant 16 : i32
        %add3A_325 = arith.addi %mul3A_314, %add3A_324 : i32
        %get3A_326 = arith.constant 0 : i32
        %get3A_327 = tpu.memref_slice %arg5[%scan3A_150, %get3A_326] : memref<2x16384xf32, #tpu.memory_space<vmem>> -> memref<1x16384xf32, #tpu.memory_space<vmem>>
        %get3A_328 = tpu.memref_squeeze %get3A_327 : memref<1x16384xf32, #tpu.memory_space<vmem>> -> memref<16384xf32, #tpu.memory_space<vmem>>
        %get3A_329 = arith.index_cast %add3A_325 : i32 to index
        %get3A_330 = tpu.vector_load %get3A_328[%get3A_329] {strides = array<i32>} : memref<16384xf32, #tpu.memory_space<vmem>>, vector<16xf32>,
        %get3A_331 = vector.shape_cast %get3A_330 : vector<16xf32> to vector<16xf32>
        %mul3A_332 = vector.broadcast %squeeze3A_308 : f32 to vector<16xf32>
        %mul3A_333 = arith.mulf %mul3A_332, %get3A_331 : vector<16xf32>
        %add3A_334 = arith.addf %add3A_278, %mul3A_333 : vector<16xf32>
        %slice3A_335 = vector.extract_strided_slice %get3A_252 {offsets = [3], sizes = [1], strides = [1]} : vector<16xf32> to vector<1xf32>
        %squeeze3A_336 = vector.extract %slice3A_335[0] : f32 from vector<1xf32>
        %mul3A_337 = arith.constant 16 : i32
        %mul3A_338 = arith.muli %scan3A_243, %mul3A_337 : i32
        %add3A_339 = arith.constant 3 : i32
        %add3A_340 = arith.addi %mul3A_338, %add3A_339 : i32
        %mul3A_341 = arith.constant 32 : i32
        %mul3A_342 = arith.muli %add3A_340, %mul3A_341 : i32
        %get3A_343 = arith.constant 0 : i32
        %get3A_344 = tpu.memref_slice %arg5[%scan3A_150, %get3A_343] : memref<2x16384xf32, #tpu.memory_space<vmem>> -> memref<1x16384xf32, #tpu.memory_space<vmem>>
        %get3A_345 = tpu.memref_squeeze %get3A_344 : memref<1x16384xf32, #tpu.memory_space<vmem>> -> memref<16384xf32, #tpu.memory_space<vmem>>
        %get3A_346 = arith.index_cast %mul3A_342 : i32 to index
        %get3A_347 = tpu.vector_load %get3A_345[%get3A_346] {strides = array<i32>} : memref<16384xf32, #tpu.memory_space<vmem>>, vector<16xf32>,
        %get3A_348 = vector.shape_cast %get3A_347 : vector<16xf32> to vector<16xf32>
        %mul3A_349 = vector.broadcast %squeeze3A_336 : f32 to vector<16xf32>
        %mul3A_350 = arith.mulf %mul3A_349, %get3A_348 : vector<16xf32>
        %add3A_351 = arith.addf %add3A_295, %mul3A_350 : vector<16xf32>
        %add3A_352 = arith.constant 16 : i32
        %add3A_353 = arith.addi %mul3A_342, %add3A_352 : i32
        %get3A_354 = arith.constant 0 : i32
        %get3A_355 = tpu.memref_slice %arg5[%scan3A_150, %get3A_354] : memref<2x16384xf32, #tpu.memory_space<vmem>> -> memref<1x16384xf32, #tpu.memory_space<vmem>>
        %get3A_356 = tpu.memref_squeeze %get3A_355 : memref<1x16384xf32, #tpu.memory_space<vmem>> -> memref<16384xf32, #tpu.memory_space<vmem>>
        %get3A_357 = arith.index_cast %add3A_353 : i32 to index
        %get3A_358 = tpu.vector_load %get3A_356[%get3A_357] {strides = array<i32>} : memref<16384xf32, #tpu.memory_space<vmem>>, vector<16xf32>,
        %get3A_359 = vector.shape_cast %get3A_358 : vector<16xf32> to vector<16xf32>
        %mul3A_360 = vector.broadcast %squeeze3A_336 : f32 to vector<16xf32>
        %mul3A_361 = arith.mulf %mul3A_360, %get3A_359 : vector<16xf32>
        %add3A_362 = arith.addf %add3A_306, %mul3A_361 : vector<16xf32>
        %slice3A_363 = vector.extract_strided_slice %get3A_252 {offsets = [4], sizes = [1], strides = [1]} : vector<16xf32> to vector<1xf32>
        %squeeze3A_364 = vector.extract %slice3A_363[0] : f32 from vector<1xf32>
        %mul3A_365 = arith.constant 16 : i32
        %mul3A_366 = arith.muli %scan3A_243, %mul3A_365 : i32
        %add3A_367 = arith.constant 4 : i32
        %add3A_368 = arith.addi %mul3A_366, %add3A_367 : i32
        %mul3A_369 = arith.constant 32 : i32
        %mul3A_370 = arith.muli %add3A_368, %mul3A_369 : i32
        %get3A_371 = arith.constant 0 : i32
        %get3A_372 = tpu.memref_slice %arg5[%scan3A_150, %get3A_371] : memref<2x16384xf32, #tpu.memory_space<vmem>> -> memref<1x16384xf32, #tpu.memory_space<vmem>>
        %get3A_373 = tpu.memref_squeeze %get3A_372 : memref<1x16384xf32, #tpu.memory_space<vmem>> -> memref<16384xf32, #tpu.memory_space<vmem>>
        %get3A_374 = arith.index_cast %mul3A_370 : i32 to index
        %get3A_375 = tpu.vector_load %get3A_373[%get3A_374] {strides = array<i32>} : memref<16384xf32, #tpu.memory_space<vmem>>, vector<16xf32>,
        %get3A_376 = vector.shape_cast %get3A_375 : vector<16xf32> to vector<16xf32>
        %mul3A_377 = vector.broadcast %squeeze3A_364 : f32 to vector<16xf32>
        %mul3A_378 = arith.mulf %mul3A_377, %get3A_376 : vector<16xf32>
        %add3A_379 = arith.addf %add3A_323, %mul3A_378 : vector<16xf32>
        %add3A_380 = arith.constant 16 : i32
        %add3A_381 = arith.addi %mul3A_370, %add3A_380 : i32
        %get3A_382 = arith.constant 0 : i32
        %get3A_383 = tpu.memref_slice %arg5[%scan3A_150, %get3A_382] : memref<2x16384xf32, #tpu.memory_space<vmem>> -> memref<1x16384xf32, #tpu.memory_space<vmem>>
        %get3A_384 = tpu.memref_squeeze %get3A_383 : memref<1x16384xf32, #tpu.memory_space<vmem>> -> memref<16384xf32, #tpu.memory_space<vmem>>
        %get3A_385 = arith.index_cast %add3A_381 : i32 to index
        %get3A_386 = tpu.vector_load %get3A_384[%get3A_385] {strides = array<i32>} : memref<16384xf32, #tpu.memory_space<vmem>>, vector<16xf32>,
        %get3A_387 = vector.shape_cast %get3A_386 : vector<16xf32> to vector<16xf32>
        %mul3A_388 = vector.broadcast %squeeze3A_364 : f32 to vector<16xf32>
        %mul3A_389 = arith.mulf %mul3A_388, %get3A_387 : vector<16xf32>
        %add3A_390 = arith.addf %add3A_334, %mul3A_389 : vector<16xf32>
        %slice3A_391 = vector.extract_strided_slice %get3A_252 {offsets = [5], sizes = [1], strides = [1]} : vector<16xf32> to vector<1xf32>
        %squeeze3A_392 = vector.extract %slice3A_391[0] : f32 from vector<1xf32>
        %mul3A_393 = arith.constant 16 : i32
        %mul3A_394 = arith.muli %scan3A_243, %mul3A_393 : i32
        %add3A_395 = arith.constant 5 : i32
        %add3A_396 = arith.addi %mul3A_394, %add3A_395 : i32
        %mul3A_397 = arith.constant 32 : i32
        %mul3A_398 = arith.muli %add3A_396, %mul3A_397 : i32
        %get3A_399 = arith.constant 0 : i32
        %get3A_400 = tpu.memref_slice %arg5[%scan3A_150, %get3A_399] : memref<2x16384xf32, #tpu.memory_space<vmem>> -> memref<1x16384xf32, #tpu.memory_space<vmem>>
        %get3A_401 = tpu.memref_squeeze %get3A_400 : memref<1x16384xf32, #tpu.memory_space<vmem>> -> memref<16384xf32, #tpu.memory_space<vmem>>
        %get3A_402 = arith.index_cast %mul3A_398 : i32 to index
        %get3A_403 = tpu.vector_load %get3A_401[%get3A_402] {strides = array<i32>} : memref<16384xf32, #tpu.memory_space<vmem>>, vector<16xf32>,
        %get3A_404 = vector.shape_cast %get3A_403 : vector<16xf32> to vector<16xf32>
        %mul3A_405 = vector.broadcast %squeeze3A_392 : f32 to vector<16xf32>
        %mul3A_406 = arith.mulf %mul3A_405, %get3A_404 : vector<16xf32>
        %add3A_407 = arith.addf %add3A_351, %mul3A_406 : vector<16xf32>
        %add3A_408 = arith.constant 16 : i32
        %add3A_409 = arith.addi %mul3A_398, %add3A_408 : i32
        %get3A_410 = arith.constant 0 : i32
        %get3A_411 = tpu.memref_slice %arg5[%scan3A_150, %get3A_410] : memref<2x16384xf32, #tpu.memory_space<vmem>> -> memref<1x16384xf32, #tpu.memory_space<vmem>>
        %get3A_412 = tpu.memref_squeeze %get3A_411 : memref<1x16384xf32, #tpu.memory_space<vmem>> -> memref<16384xf32, #tpu.memory_space<vmem>>
        %get3A_413 = arith.index_cast %add3A_409 : i32 to index
        %get3A_414 = tpu.vector_load %get3A_412[%get3A_413] {strides = array<i32>} : memref<16384xf32, #tpu.memory_space<vmem>>, vector<16xf32>,
        %get3A_415 = vector.shape_cast %get3A_414 : vector<16xf32> to vector<16xf32>
        %mul3A_416 = vector.broadcast %squeeze3A_392 : f32 to vector<16xf32>
        %mul3A_417 = arith.mulf %mul3A_416, %get3A_415 : vector<16xf32>
        %add3A_418 = arith.addf %add3A_362, %mul3A_417 : vector<16xf32>
        %slice3A_419 = vector.extract_strided_slice %get3A_252 {offsets = [6], sizes = [1], strides = [1]} : vector<16xf32> to vector<1xf32>
        %squeeze3A_420 = vector.extract %slice3A_419[0] : f32 from vector<1xf32>
        %mul3A_421 = arith.constant 16 : i32
        %mul3A_422 = arith.muli %scan3A_243, %mul3A_421 : i32
        %add3A_423 = arith.constant 6 : i32
        %add3A_424 = arith.addi %mul3A_422, %add3A_423 : i32
        %mul3A_425 = arith.constant 32 : i32
        %mul3A_426 = arith.muli %add3A_424, %mul3A_425 : i32
        %get3A_427 = arith.constant 0 : i32
        %get3A_428 = tpu.memref_slice %arg5[%scan3A_150, %get3A_427] : memref<2x16384xf32, #tpu.memory_space<vmem>> -> memref<1x16384xf32, #tpu.memory_space<vmem>>
        %get3A_429 = tpu.memref_squeeze %get3A_428 : memref<1x16384xf32, #tpu.memory_space<vmem>> -> memref<16384xf32, #tpu.memory_space<vmem>>
        %get3A_430 = arith.index_cast %mul3A_426 : i32 to index
        %get3A_431 = tpu.vector_load %get3A_429[%get3A_430] {strides = array<i32>} : memref<16384xf32, #tpu.memory_space<vmem>>, vector<16xf32>,
        %get3A_432 = vector.shape_cast %get3A_431 : vector<16xf32> to vector<16xf32>
        %mul3A_433 = vector.broadcast %squeeze3A_420 : f32 to vector<16xf32>
        %mul3A_434 = arith.mulf %mul3A_433, %get3A_432 : vector<16xf32>
        %add3A_435 = arith.addf %add3A_379, %mul3A_434 : vector<16xf32>
        %add3A_436 = arith.constant 16 : i32
        %add3A_437 = arith.addi %mul3A_426, %add3A_436 : i32
        %get3A_438 = arith.constant 0 : i32
        %get3A_439 = tpu.memref_slice %arg5[%scan3A_150, %get3A_438] : memref<2x16384xf32, #tpu.memory_space<vmem>> -> memref<1x16384xf32, #tpu.memory_space<vmem>>
        %get3A_440 = tpu.memref_squeeze %get3A_439 : memref<1x16384xf32, #tpu.memory_space<vmem>> -> memref<16384xf32, #tpu.memory_space<vmem>>
        %get3A_441 = arith.index_cast %add3A_437 : i32 to index
        %get3A_442 = tpu.vector_load %get3A_440[%get3A_441] {strides = array<i32>} : memref<16384xf32, #tpu.memory_space<vmem>>, vector<16xf32>,
        %get3A_443 = vector.shape_cast %get3A_442 : vector<16xf32> to vector<16xf32>
        %mul3A_444 = vector.broadcast %squeeze3A_420 : f32 to vector<16xf32>
        %mul3A_445 = arith.mulf %mul3A_444, %get3A_443 : vector<16xf32>
        %add3A_446 = arith.addf %add3A_390, %mul3A_445 : vector<16xf32>
        %slice3A_447 = vector.extract_strided_slice %get3A_252 {offsets = [7], sizes = [1], strides = [1]} : vector<16xf32> to vector<1xf32>
        %squeeze3A_448 = vector.extract %slice3A_447[0] : f32 from vector<1xf32>
        %mul3A_449 = arith.constant 16 : i32
        %mul3A_450 = arith.muli %scan3A_243, %mul3A_449 : i32
        %add3A_451 = arith.constant 7 : i32
        %add3A_452 = arith.addi %mul3A_450, %add3A_451 : i32
        %mul3A_453 = arith.constant 32 : i32
        %mul3A_454 = arith.muli %add3A_452, %mul3A_453 : i32
        %get3A_455 = arith.constant 0 : i32
        %get3A_456 = tpu.memref_slice %arg5[%scan3A_150, %get3A_455] : memref<2x16384xf32, #tpu.memory_space<vmem>> -> memref<1x16384xf32, #tpu.memory_space<vmem>>
        %get3A_457 = tpu.memref_squeeze %get3A_456 : memref<1x16384xf32, #tpu.memory_space<vmem>> -> memref<16384xf32, #tpu.memory_space<vmem>>
        %get3A_458 = arith.index_cast %mul3A_454 : i32 to index
        %get3A_459 = tpu.vector_load %get3A_457[%get3A_458] {strides = array<i32>} : memref<16384xf32, #tpu.memory_space<vmem>>, vector<16xf32>,
        %get3A_460 = vector.shape_cast %get3A_459 : vector<16xf32> to vector<16xf32>
        %mul3A_461 = vector.broadcast %squeeze3A_448 : f32 to vector<16xf32>
        %mul3A_462 = arith.mulf %mul3A_461, %get3A_460 : vector<16xf32>
        %add3A_463 = arith.addf %add3A_407, %mul3A_462 : vector<16xf32>
        %add3A_464 = arith.constant 16 : i32
        %add3A_465 = arith.addi %mul3A_454, %add3A_464 : i32
        %get3A_466 = arith.constant 0 : i32
        %get3A_467 = tpu.memref_slice %arg5[%scan3A_150, %get3A_466] : memref<2x16384xf32, #tpu.memory_space<vmem>> -> memref<1x16384xf32, #tpu.memory_space<vmem>>
        %get3A_468 = tpu.memref_squeeze %get3A_467 : memref<1x16384xf32, #tpu.memory_space<vmem>> -> memref<16384xf32, #tpu.memory_space<vmem>>
        %get3A_469 = arith.index_cast %add3A_465 : i32 to index
        %get3A_470 = tpu.vector_load %get3A_468[%get3A_469] {strides = array<i32>} : memref<16384xf32, #tpu.memory_space<vmem>>, vector<16xf32>,
        %get3A_471 = vector.shape_cast %get3A_470 : vector<16xf32> to vector<16xf32>
        %mul3A_472 = vector.broadcast %squeeze3A_448 : f32 to vector<16xf32>
        %mul3A_473 = arith.mulf %mul3A_472, %get3A_471 : vector<16xf32>
        %add3A_474 = arith.addf %add3A_418, %mul3A_473 : vector<16xf32>
        %slice3A_475 = vector.extract_strided_slice %get3A_252 {offsets = [8], sizes = [1], strides = [1]} : vector<16xf32> to vector<1xf32>
        %squeeze3A_476 = vector.extract %slice3A_475[0] : f32 from vector<1xf32>
        %mul3A_477 = arith.constant 16 : i32
        %mul3A_478 = arith.muli %scan3A_243, %mul3A_477 : i32
        %add3A_479 = arith.constant 8 : i32
        %add3A_480 = arith.addi %mul3A_478, %add3A_479 : i32
        %mul3A_481 = arith.constant 32 : i32
        %mul3A_482 = arith.muli %add3A_480, %mul3A_481 : i32
        %get3A_483 = arith.constant 0 : i32
        %get3A_484 = tpu.memref_slice %arg5[%scan3A_150, %get3A_483] : memref<2x16384xf32, #tpu.memory_space<vmem>> -> memref<1x16384xf32, #tpu.memory_space<vmem>>
        %get3A_485 = tpu.memref_squeeze %get3A_484 : memref<1x16384xf32, #tpu.memory_space<vmem>> -> memref<16384xf32, #tpu.memory_space<vmem>>
        %get3A_486 = arith.index_cast %mul3A_482 : i32 to index
        %get3A_487 = tpu.vector_load %get3A_485[%get3A_486] {strides = array<i32>} : memref<16384xf32, #tpu.memory_space<vmem>>, vector<16xf32>,
        %get3A_488 = vector.shape_cast %get3A_487 : vector<16xf32> to vector<16xf32>
        %mul3A_489 = vector.broadcast %squeeze3A_476 : f32 to vector<16xf32>
        %mul3A_490 = arith.mulf %mul3A_489, %get3A_488 : vector<16xf32>
        %add3A_491 = arith.addf %add3A_435, %mul3A_490 : vector<16xf32>
        %add3A_492 = arith.constant 16 : i32
        %add3A_493 = arith.addi %mul3A_482, %add3A_492 : i32
        %get3A_494 = arith.constant 0 : i32
        %get3A_495 = tpu.memref_slice %arg5[%scan3A_150, %get3A_494] : memref<2x16384xf32, #tpu.memory_space<vmem>> -> memref<1x16384xf32, #tpu.memory_space<vmem>>
        %get3A_496 = tpu.memref_squeeze %get3A_495 : memref<1x16384xf32, #tpu.memory_space<vmem>> -> memref<16384xf32, #tpu.memory_space<vmem>>
        %get3A_497 = arith.index_cast %add3A_493 : i32 to index
        %get3A_498 = tpu.vector_load %get3A_496[%get3A_497] {strides = array<i32>} : memref<16384xf32, #tpu.memory_space<vmem>>, vector<16xf32>,
        %get3A_499 = vector.shape_cast %get3A_498 : vector<16xf32> to vector<16xf32>
        %mul3A_500 = vector.broadcast %squeeze3A_476 : f32 to vector<16xf32>
        %mul3A_501 = arith.mulf %mul3A_500, %get3A_499 : vector<16xf32>
        %add3A_502 = arith.addf %add3A_446, %mul3A_501 : vector<16xf32>
        %slice3A_503 = vector.extract_strided_slice %get3A_252 {offsets = [9], sizes = [1], strides = [1]} : vector<16xf32> to vector<1xf32>
        %squeeze3A_504 = vector.extract %slice3A_503[0] : f32 from vector<1xf32>
        %mul3A_505 = arith.constant 16 : i32
        %mul3A_506 = arith.muli %scan3A_243, %mul3A_505 : i32
        %add3A_507 = arith.constant 9 : i32
        %add3A_508 = arith.addi %mul3A_506, %add3A_507 : i32
        %mul3A_509 = arith.constant 32 : i32
        %mul3A_510 = arith.muli %add3A_508, %mul3A_509 : i32
        %get3A_511 = arith.constant 0 : i32
        %get3A_512 = tpu.memref_slice %arg5[%scan3A_150, %get3A_511] : memref<2x16384xf32, #tpu.memory_space<vmem>> -> memref<1x16384xf32, #tpu.memory_space<vmem>>
        %get3A_513 = tpu.memref_squeeze %get3A_512 : memref<1x16384xf32, #tpu.memory_space<vmem>> -> memref<16384xf32, #tpu.memory_space<vmem>>
        %get3A_514 = arith.index_cast %mul3A_510 : i32 to index
        %get3A_515 = tpu.vector_load %get3A_513[%get3A_514] {strides = array<i32>} : memref<16384xf32, #tpu.memory_space<vmem>>, vector<16xf32>,
        %get3A_516 = vector.shape_cast %get3A_515 : vector<16xf32> to vector<16xf32>
        %mul3A_517 = vector.broadcast %squeeze3A_504 : f32 to vector<16xf32>
        %mul3A_518 = arith.mulf %mul3A_517, %get3A_516 : vector<16xf32>
        %add3A_519 = arith.addf %add3A_463, %mul3A_518 : vector<16xf32>
        %add3A_520 = arith.constant 16 : i32
        %add3A_521 = arith.addi %mul3A_510, %add3A_520 : i32
        %get3A_522 = arith.constant 0 : i32
        %get3A_523 = tpu.memref_slice %arg5[%scan3A_150, %get3A_522] : memref<2x16384xf32, #tpu.memory_space<vmem>> -> memref<1x16384xf32, #tpu.memory_space<vmem>>
        %get3A_524 = tpu.memref_squeeze %get3A_523 : memref<1x16384xf32, #tpu.memory_space<vmem>> -> memref<16384xf32, #tpu.memory_space<vmem>>
        %get3A_525 = arith.index_cast %add3A_521 : i32 to index
        %get3A_526 = tpu.vector_load %get3A_524[%get3A_525] {strides = array<i32>} : memref<16384xf32, #tpu.memory_space<vmem>>, vector<16xf32>,
        %get3A_527 = vector.shape_cast %get3A_526 : vector<16xf32> to vector<16xf32>
        %mul3A_528 = vector.broadcast %squeeze3A_504 : f32 to vector<16xf32>
        %mul3A_529 = arith.mulf %mul3A_528, %get3A_527 : vector<16xf32>
        %add3A_530 = arith.addf %add3A_474, %mul3A_529 : vector<16xf32>
        %slice3A_531 = vector.extract_strided_slice %get3A_252 {offsets = [10], sizes = [1], strides = [1]} : vector<16xf32> to vector<1xf32>
        %squeeze3A_532 = vector.extract %slice3A_531[0] : f32 from vector<1xf32>
        %mul3A_533 = arith.constant 16 : i32
        %mul3A_534 = arith.muli %scan3A_243, %mul3A_533 : i32
        %add3A_535 = arith.constant 10 : i32
        %add3A_536 = arith.addi %mul3A_534, %add3A_535 : i32
        %mul3A_537 = arith.constant 32 : i32
        %mul3A_538 = arith.muli %add3A_536, %mul3A_537 : i32
        %get3A_539 = arith.constant 0 : i32
        %get3A_540 = tpu.memref_slice %arg5[%scan3A_150, %get3A_539] : memref<2x16384xf32, #tpu.memory_space<vmem>> -> memref<1x16384xf32, #tpu.memory_space<vmem>>
        %get3A_541 = tpu.memref_squeeze %get3A_540 : memref<1x16384xf32, #tpu.memory_space<vmem>> -> memref<16384xf32, #tpu.memory_space<vmem>>
        %get3A_542 = arith.index_cast %mul3A_538 : i32 to index
        %get3A_543 = tpu.vector_load %get3A_541[%get3A_542] {strides = array<i32>} : memref<16384xf32, #tpu.memory_space<vmem>>, vector<16xf32>,
        %get3A_544 = vector.shape_cast %get3A_543 : vector<16xf32> to vector<16xf32>
        %mul3A_545 = vector.broadcast %squeeze3A_532 : f32 to vector<16xf32>
        %mul3A_546 = arith.mulf %mul3A_545, %get3A_544 : vector<16xf32>
        %add3A_547 = arith.addf %add3A_491, %mul3A_546 : vector<16xf32>
        %add3A_548 = arith.constant 16 : i32
        %add3A_549 = arith.addi %mul3A_538, %add3A_548 : i32
        %get3A_550 = arith.constant 0 : i32
        %get3A_551 = tpu.memref_slice %arg5[%scan3A_150, %get3A_550] : memref<2x16384xf32, #tpu.memory_space<vmem>> -> memref<1x16384xf32, #tpu.memory_space<vmem>>
        %get3A_552 = tpu.memref_squeeze %get3A_551 : memref<1x16384xf32, #tpu.memory_space<vmem>> -> memref<16384xf32, #tpu.memory_space<vmem>>
        %get3A_553 = arith.index_cast %add3A_549 : i32 to index
        %get3A_554 = tpu.vector_load %get3A_552[%get3A_553] {strides = array<i32>} : memref<16384xf32, #tpu.memory_space<vmem>>, vector<16xf32>,
        %get3A_555 = vector.shape_cast %get3A_554 : vector<16xf32> to vector<16xf32>
        %mul3A_556 = vector.broadcast %squeeze3A_532 : f32 to vector<16xf32>
        %mul3A_557 = arith.mulf %mul3A_556, %get3A_555 : vector<16xf32>
        %add3A_558 = arith.addf %add3A_502, %mul3A_557 : vector<16xf32>
        %slice3A_559 = vector.extract_strided_slice %get3A_252 {offsets = [11], sizes = [1], strides = [1]} : vector<16xf32> to vector<1xf32>
        %squeeze3A_560 = vector.extract %slice3A_559[0] : f32 from vector<1xf32>
        %mul3A_561 = arith.constant 16 : i32
        %mul3A_562 = arith.muli %scan3A_243, %mul3A_561 : i32
        %add3A_563 = arith.constant 11 : i32
        %add3A_564 = arith.addi %mul3A_562, %add3A_563 : i32
        %mul3A_565 = arith.constant 32 : i32
        %mul3A_566 = arith.muli %add3A_564, %mul3A_565 : i32
        %get3A_567 = arith.constant 0 : i32
        %get3A_568 = tpu.memref_slice %arg5[%scan3A_150, %get3A_567] : memref<2x16384xf32, #tpu.memory_space<vmem>> -> memref<1x16384xf32, #tpu.memory_space<vmem>>
        %get3A_569 = tpu.memref_squeeze %get3A_568 : memref<1x16384xf32, #tpu.memory_space<vmem>> -> memref<16384xf32, #tpu.memory_space<vmem>>
        %get3A_570 = arith.index_cast %mul3A_566 : i32 to index
        %get3A_571 = tpu.vector_load %get3A_569[%get3A_570] {strides = array<i32>} : memref<16384xf32, #tpu.memory_space<vmem>>, vector<16xf32>,
        %get3A_572 = vector.shape_cast %get3A_571 : vector<16xf32> to vector<16xf32>
        %mul3A_573 = vector.broadcast %squeeze3A_560 : f32 to vector<16xf32>
        %mul3A_574 = arith.mulf %mul3A_573, %get3A_572 : vector<16xf32>
        %add3A_575 = arith.addf %add3A_519, %mul3A_574 : vector<16xf32>
        %add3A_576 = arith.constant 16 : i32
        %add3A_577 = arith.addi %mul3A_566, %add3A_576 : i32
        %get3A_578 = arith.constant 0 : i32
        %get3A_579 = tpu.memref_slice %arg5[%scan3A_150, %get3A_578] : memref<2x16384xf32, #tpu.memory_space<vmem>> -> memref<1x16384xf32, #tpu.memory_space<vmem>>
        %get3A_580 = tpu.memref_squeeze %get3A_579 : memref<1x16384xf32, #tpu.memory_space<vmem>> -> memref<16384xf32, #tpu.memory_space<vmem>>
        %get3A_581 = arith.index_cast %add3A_577 : i32 to index
        %get3A_582 = tpu.vector_load %get3A_580[%get3A_581] {strides = array<i32>} : memref<16384xf32, #tpu.memory_space<vmem>>, vector<16xf32>,
        %get3A_583 = vector.shape_cast %get3A_582 : vector<16xf32> to vector<16xf32>
        %mul3A_584 = vector.broadcast %squeeze3A_560 : f32 to vector<16xf32>
        %mul3A_585 = arith.mulf %mul3A_584, %get3A_583 : vector<16xf32>
        %add3A_586 = arith.addf %add3A_530, %mul3A_585 : vector<16xf32>
        %slice3A_587 = vector.extract_strided_slice %get3A_252 {offsets = [12], sizes = [1], strides = [1]} : vector<16xf32> to vector<1xf32>
        %squeeze3A_588 = vector.extract %slice3A_587[0] : f32 from vector<1xf32>
        %mul3A_589 = arith.constant 16 : i32
        %mul3A_590 = arith.muli %scan3A_243, %mul3A_589 : i32
        %add3A_591 = arith.constant 12 : i32
        %add3A_592 = arith.addi %mul3A_590, %add3A_591 : i32
        %mul3A_593 = arith.constant 32 : i32
        %mul3A_594 = arith.muli %add3A_592, %mul3A_593 : i32
        %get3A_595 = arith.constant 0 : i32
        %get3A_596 = tpu.memref_slice %arg5[%scan3A_150, %get3A_595] : memref<2x16384xf32, #tpu.memory_space<vmem>> -> memref<1x16384xf32, #tpu.memory_space<vmem>>
        %get3A_597 = tpu.memref_squeeze %get3A_596 : memref<1x16384xf32, #tpu.memory_space<vmem>> -> memref<16384xf32, #tpu.memory_space<vmem>>
        %get3A_598 = arith.index_cast %mul3A_594 : i32 to index
        %get3A_599 = tpu.vector_load %get3A_597[%get3A_598] {strides = array<i32>} : memref<16384xf32, #tpu.memory_space<vmem>>, vector<16xf32>,
        %get3A_600 = vector.shape_cast %get3A_599 : vector<16xf32> to vector<16xf32>
        %mul3A_601 = vector.broadcast %squeeze3A_588 : f32 to vector<16xf32>
        %mul3A_602 = arith.mulf %mul3A_601, %get3A_600 : vector<16xf32>
        %add3A_603 = arith.addf %add3A_547, %mul3A_602 : vector<16xf32>
        %add3A_604 = arith.constant 16 : i32
        %add3A_605 = arith.addi %mul3A_594, %add3A_604 : i32
        %get3A_606 = arith.constant 0 : i32
        %get3A_607 = tpu.memref_slice %arg5[%scan3A_150, %get3A_606] : memref<2x16384xf32, #tpu.memory_space<vmem>> -> memref<1x16384xf32, #tpu.memory_space<vmem>>
        %get3A_608 = tpu.memref_squeeze %get3A_607 : memref<1x16384xf32, #tpu.memory_space<vmem>> -> memref<16384xf32, #tpu.memory_space<vmem>>
        %get3A_609 = arith.index_cast %add3A_605 : i32 to index
        %get3A_610 = tpu.vector_load %get3A_608[%get3A_609] {strides = array<i32>} : memref<16384xf32, #tpu.memory_space<vmem>>, vector<16xf32>,
        %get3A_611 = vector.shape_cast %get3A_610 : vector<16xf32> to vector<16xf32>
        %mul3A_612 = vector.broadcast %squeeze3A_588 : f32 to vector<16xf32>
        %mul3A_613 = arith.mulf %mul3A_612, %get3A_611 : vector<16xf32>
        %add3A_614 = arith.addf %add3A_558, %mul3A_613 : vector<16xf32>
        %slice3A_615 = vector.extract_strided_slice %get3A_252 {offsets = [13], sizes = [1], strides = [1]} : vector<16xf32> to vector<1xf32>
        %squeeze3A_616 = vector.extract %slice3A_615[0] : f32 from vector<1xf32>
        %mul3A_617 = arith.constant 16 : i32
        %mul3A_618 = arith.muli %scan3A_243, %mul3A_617 : i32
        %add3A_619 = arith.constant 13 : i32
        %add3A_620 = arith.addi %mul3A_618, %add3A_619 : i32
        %mul3A_621 = arith.constant 32 : i32
        %mul3A_622 = arith.muli %add3A_620, %mul3A_621 : i32
        %get3A_623 = arith.constant 0 : i32
        %get3A_624 = tpu.memref_slice %arg5[%scan3A_150, %get3A_623] : memref<2x16384xf32, #tpu.memory_space<vmem>> -> memref<1x16384xf32, #tpu.memory_space<vmem>>
        %get3A_625 = tpu.memref_squeeze %get3A_624 : memref<1x16384xf32, #tpu.memory_space<vmem>> -> memref<16384xf32, #tpu.memory_space<vmem>>
        %get3A_626 = arith.index_cast %mul3A_622 : i32 to index
        %get3A_627 = tpu.vector_load %get3A_625[%get3A_626] {strides = array<i32>} : memref<16384xf32, #tpu.memory_space<vmem>>, vector<16xf32>,
        %get3A_628 = vector.shape_cast %get3A_627 : vector<16xf32> to vector<16xf32>
        %mul3A_629 = vector.broadcast %squeeze3A_616 : f32 to vector<16xf32>
        %mul3A_630 = arith.mulf %mul3A_629, %get3A_628 : vector<16xf32>
        %add3A_631 = arith.addf %add3A_575, %mul3A_630 : vector<16xf32>
        %add3A_632 = arith.constant 16 : i32
        %add3A_633 = arith.addi %mul3A_622, %add3A_632 : i32
        %get3A_634 = arith.constant 0 : i32
        %get3A_635 = tpu.memref_slice %arg5[%scan3A_150, %get3A_634] : memref<2x16384xf32, #tpu.memory_space<vmem>> -> memref<1x16384xf32, #tpu.memory_space<vmem>>
        %get3A_636 = tpu.memref_squeeze %get3A_635 : memref<1x16384xf32, #tpu.memory_space<vmem>> -> memref<16384xf32, #tpu.memory_space<vmem>>
        %get3A_637 = arith.index_cast %add3A_633 : i32 to index
        %get3A_638 = tpu.vector_load %get3A_636[%get3A_637] {strides = array<i32>} : memref<16384xf32, #tpu.memory_space<vmem>>, vector<16xf32>,
        %get3A_639 = vector.shape_cast %get3A_638 : vector<16xf32> to vector<16xf32>
        %mul3A_640 = vector.broadcast %squeeze3A_616 : f32 to vector<16xf32>
        %mul3A_641 = arith.mulf %mul3A_640, %get3A_639 : vector<16xf32>
        %add3A_642 = arith.addf %add3A_586, %mul3A_641 : vector<16xf32>
        %slice3A_643 = vector.extract_strided_slice %get3A_252 {offsets = [14], sizes = [1], strides = [1]} : vector<16xf32> to vector<1xf32>
        %squeeze3A_644 = vector.extract %slice3A_643[0] : f32 from vector<1xf32>
        %mul3A_645 = arith.constant 16 : i32
        %mul3A_646 = arith.muli %scan3A_243, %mul3A_645 : i32
        %add3A_647 = arith.constant 14 : i32
        %add3A_648 = arith.addi %mul3A_646, %add3A_647 : i32
        %mul3A_649 = arith.constant 32 : i32
        %mul3A_650 = arith.muli %add3A_648, %mul3A_649 : i32
        %get3A_651 = arith.constant 0 : i32
        %get3A_652 = tpu.memref_slice %arg5[%scan3A_150, %get3A_651] : memref<2x16384xf32, #tpu.memory_space<vmem>> -> memref<1x16384xf32, #tpu.memory_space<vmem>>
        %get3A_653 = tpu.memref_squeeze %get3A_652 : memref<1x16384xf32, #tpu.memory_space<vmem>> -> memref<16384xf32, #tpu.memory_space<vmem>>
        %get3A_654 = arith.index_cast %mul3A_650 : i32 to index
        %get3A_655 = tpu.vector_load %get3A_653[%get3A_654] {strides = array<i32>} : memref<16384xf32, #tpu.memory_space<vmem>>, vector<16xf32>,
        %get3A_656 = vector.shape_cast %get3A_655 : vector<16xf32> to vector<16xf32>
        %mul3A_657 = vector.broadcast %squeeze3A_644 : f32 to vector<16xf32>
        %mul3A_658 = arith.mulf %mul3A_657, %get3A_656 : vector<16xf32>
        %add3A_659 = arith.addf %add3A_603, %mul3A_658 : vector<16xf32>
        %add3A_660 = arith.constant 16 : i32
        %add3A_661 = arith.addi %mul3A_650, %add3A_660 : i32
        %get3A_662 = arith.constant 0 : i32
        %get3A_663 = tpu.memref_slice %arg5[%scan3A_150, %get3A_662] : memref<2x16384xf32, #tpu.memory_space<vmem>> -> memref<1x16384xf32, #tpu.memory_space<vmem>>
        %get3A_664 = tpu.memref_squeeze %get3A_663 : memref<1x16384xf32, #tpu.memory_space<vmem>> -> memref<16384xf32, #tpu.memory_space<vmem>>
        %get3A_665 = arith.index_cast %add3A_661 : i32 to index
        %get3A_666 = tpu.vector_load %get3A_664[%get3A_665] {strides = array<i32>} : memref<16384xf32, #tpu.memory_space<vmem>>, vector<16xf32>,
        %get3A_667 = vector.shape_cast %get3A_666 : vector<16xf32> to vector<16xf32>
        %mul3A_668 = vector.broadcast %squeeze3A_644 : f32 to vector<16xf32>
        %mul3A_669 = arith.mulf %mul3A_668, %get3A_667 : vector<16xf32>
        %add3A_670 = arith.addf %add3A_614, %mul3A_669 : vector<16xf32>
        %slice3A_671 = vector.extract_strided_slice %get3A_252 {offsets = [15], sizes = [1], strides = [1]} : vector<16xf32> to vector<1xf32>
        %squeeze3A_672 = vector.extract %slice3A_671[0] : f32 from vector<1xf32>
        %mul3A_673 = arith.constant 16 : i32
        %mul3A_674 = arith.muli %scan3A_243, %mul3A_673 : i32
        %add3A_675 = arith.constant 15 : i32
        %add3A_676 = arith.addi %mul3A_674, %add3A_675 : i32
        %mul3A_677 = arith.constant 32 : i32
        %mul3A_678 = arith.muli %add3A_676, %mul3A_677 : i32
        %get3A_679 = arith.constant 0 : i32
        %get3A_680 = tpu.memref_slice %arg5[%scan3A_150, %get3A_679] : memref<2x16384xf32, #tpu.memory_space<vmem>> -> memref<1x16384xf32, #tpu.memory_space<vmem>>
        %get3A_681 = tpu.memref_squeeze %get3A_680 : memref<1x16384xf32, #tpu.memory_space<vmem>> -> memref<16384xf32, #tpu.memory_space<vmem>>
        %get3A_682 = arith.index_cast %mul3A_678 : i32 to index
        %get3A_683 = tpu.vector_load %get3A_681[%get3A_682] {strides = array<i32>} : memref<16384xf32, #tpu.memory_space<vmem>>, vector<16xf32>,
        %get3A_684 = vector.shape_cast %get3A_683 : vector<16xf32> to vector<16xf32>
        %mul3A_685 = vector.broadcast %squeeze3A_672 : f32 to vector<16xf32>
        %mul3A_686 = arith.mulf %mul3A_685, %get3A_684 : vector<16xf32>
        %add3A_687 = arith.addf %add3A_631, %mul3A_686 : vector<16xf32>
        %add3A_688 = arith.constant 16 : i32
        %add3A_689 = arith.addi %mul3A_678, %add3A_688 : i32
        %get3A_690 = arith.constant 0 : i32
        %get3A_691 = tpu.memref_slice %arg5[%scan3A_150, %get3A_690] : memref<2x16384xf32, #tpu.memory_space<vmem>> -> memref<1x16384xf32, #tpu.memory_space<vmem>>
        %get3A_692 = tpu.memref_squeeze %get3A_691 : memref<1x16384xf32, #tpu.memory_space<vmem>> -> memref<16384xf32, #tpu.memory_space<vmem>>
        %get3A_693 = arith.index_cast %add3A_689 : i32 to index
        %get3A_694 = tpu.vector_load %get3A_692[%get3A_693] {strides = array<i32>} : memref<16384xf32, #tpu.memory_space<vmem>>, vector<16xf32>,
        %get3A_695 = vector.shape_cast %get3A_694 : vector<16xf32> to vector<16xf32>
        %mul3A_696 = vector.broadcast %squeeze3A_672 : f32 to vector<16xf32>
        %mul3A_697 = arith.mulf %mul3A_696, %get3A_695 : vector<16xf32>
        %add3A_698 = arith.addf %add3A_642, %mul3A_697 : vector<16xf32>
        scf.yield %add3A_659, %add3A_670, %add3A_687, %add3A_698 : vector<16xf32>, vector<16xf32>, vector<16xf32>, vector<16xf32>
      }
      %scan3A_156 = arith.constant 32 : i32
      %add3A_157 = arith.addf %scan3A_155#0, %scan3A_155#2 : vector<16xf32>
      %swap3A_158 = arith.index_cast %add3A_147 : i32 to index
      %swap3A_159 = arith.constant 0 : index
      %swap3A_160 = tpu.vector_load %arg7[%swap3A_158, %swap3A_159] {strides = array<i32>} : memref<32x32xf32, #tpu.memory_space<vmem>>, vector<1x16xf32>,
      %swap3A_161 = vector.shape_cast %swap3A_160 : vector<1x16xf32> to vector<16xf32>
      %swap3A_162 = vector.shape_cast %add3A_157 : vector<16xf32> to vector<1x16xf32>
      tpu.vector_store %arg7[%swap3A_158, %swap3A_159], %swap3A_162 {strides = array<i32>} : memref<32x32xf32, #tpu.memory_space<vmem>>, vector<1x16xf32>,
      %add3A_163 = arith.addf %scan3A_155#1, %scan3A_155#3 : vector<16xf32>
      %swap3A_164 = arith.index_cast %add3A_147 : i32 to index
      %swap3A_165 = arith.constant 16 : index
      %swap3A_166 = tpu.vector_load %arg7[%swap3A_164, %swap3A_165] {strides = array<i32>} : memref<32x32xf32, #tpu.memory_space<vmem>>, vector<1x16xf32>,
      %swap3A_167 = vector.shape_cast %swap3A_166 : vector<1x16xf32> to vector<16xf32>
      %swap3A_168 = vector.shape_cast %add3A_163 : vector<16xf32> to vector<1x16xf32>
      tpu.vector_store %arg7[%swap3A_164, %swap3A_165], %swap3A_168 {strides = array<i32>} : memref<32x32xf32, #tpu.memory_space<vmem>>, vector<1x16xf32>,
      %add3A_169 = arith.constant 0 : i32
      %add3A_170 = arith.addi %add3A_128, %add3A_169 : i32
      %add3A_171 = arith.constant 2 : i32
      %add3A_172 = arith.addi %add3A_170, %add3A_171 : i32
      %dma_start3A_173 = arith.constant 0 : i32
      %dma_start3A_174 = arith.constant 0 : i32
      %dma_start3A_175 = tpu.memref_slice %arg5[%dma_start3A_173, %dma_start3A_174] : memref<2x16384xf32, #tpu.memory_space<vmem>> -> memref<1x16384xf32, #tpu.memory_space<vmem>>
      %dma_start3A_176 = tpu.memref_squeeze %dma_start3A_175 : memref<1x16384xf32, #tpu.memory_space<vmem>> -> memref<16384xf32, #tpu.memory_space<vmem>>
      %dma_start3A_177 = arith.constant 512 : i32
      %dma_start3A_178 = tpu.memref_slice %arg2[%add3A_172, %dma_start3A_177] : memref<2048x17408xf32, #tpu.memory_space<hbm>> -> memref<1x16384xf32, #tpu.memory_space<hbm>>
      %dma_start3A_179 = tpu.memref_squeeze %dma_start3A_178 : memref<1x16384xf32, #tpu.memory_space<hbm>> -> memref<16384xf32, #tpu.memory_space<hbm>>
      %dma_start3A_180 = arith.constant 0 : i32
      %dma_start3A_181 = tpu.memref_slice %arg5[%dma_start3A_173, %dma_start3A_180] : memref<2x16384xf32, #tpu.memory_space<vmem>> -> memref<1x16384xf32, #tpu.memory_space<vmem>>
      %dma_start3A_182 = tpu.memref_squeeze %dma_start3A_181 : memref<1x16384xf32, #tpu.memory_space<vmem>> -> memref<16384xf32, #tpu.memory_space<vmem>>
      %dma_start3A_183 = arith.constant 512 : i32
      %dma_start3A_184 = tpu.memref_slice %arg2[%add3A_172, %dma_start3A_183] : memref<2048x17408xf32, #tpu.memory_space<hbm>> -> memref<1x16384xf32, #tpu.memory_space<hbm>>
      %dma_start3A_185 = tpu.memref_squeeze %dma_start3A_184 : memref<1x16384xf32, #tpu.memory_space<hbm>> -> memref<16384xf32, #tpu.memory_space<hbm>>
      tpu.enqueue_dma source(%dma_start3A_185 : memref<16384xf32, #tpu.memory_space<hbm>>) target(%dma_start3A_182 : memref<16384xf32, #tpu.memory_space<vmem>>) target_semaphore(%arg8 : memref<!tpu.dma_semaphore, #tpu.memory_space<semaphore_mem>>)
      %add3A_186 = arith.constant 1 : i32
      %add3A_187 = arith.addi %add3A_128, %add3A_186 : i32
      %dma_wait3A_188 = arith.constant 1 : i32
      %dma_wait3A_189 = arith.constant 0 : i32
      %dma_wait3A_190 = tpu.memref_slice %arg5[%dma_wait3A_188, %dma_wait3A_189] : memref<2x16384xf32, #tpu.memory_space<vmem>> -> memref<1x16384xf32, #tpu.memory_space<vmem>>
      %dma_wait3A_191 = tpu.memref_squeeze %dma_wait3A_190 : memref<1x16384xf32, #tpu.memory_space<vmem>> -> memref<16384xf32, #tpu.memory_space<vmem>>
      %dma_wait3A_192 = arith.constant 512 : i32
      %dma_wait3A_193 = tpu.memref_slice %arg2[%add3A_187, %dma_wait3A_192] : memref<2048x17408xf32, #tpu.memory_space<hbm>> -> memref<1x16384xf32, #tpu.memory_space<hbm>>
      %dma_wait3A_194 = tpu.memref_squeeze %dma_wait3A_193 : memref<1x16384xf32, #tpu.memory_space<hbm>> -> memref<16384xf32, #tpu.memory_space<hbm>>
      %dma_wait3A_195 = arith.constant 0 : i32
      %dma_wait3A_196 = tpu.memref_slice %arg5[%dma_wait3A_188, %dma_wait3A_195] : memref<2x16384xf32, #tpu.memory_space<vmem>> -> memref<1x16384xf32, #tpu.memory_space<vmem>>
      %dma_wait3A_197 = tpu.memref_squeeze %dma_wait3A_196 : memref<1x16384xf32, #tpu.memory_space<vmem>> -> memref<16384xf32, #tpu.memory_space<vmem>>
      %dma_wait3A_198 = arith.constant 512 : i32
      %dma_wait3A_199 = tpu.memref_slice %arg2[%add3A_187, %dma_wait3A_198] : memref<2048x17408xf32, #tpu.memory_space<hbm>> -> memref<1x16384xf32, #tpu.memory_space<hbm>>
      %dma_wait3A_200 = tpu.memref_squeeze %dma_wait3A_199 : memref<1x16384xf32, #tpu.memory_space<hbm>> -> memref<16384xf32, #tpu.memory_space<hbm>>
      tpu.wait_dma2 semaphore(%arg9 : memref<!tpu.dma_semaphore, #tpu.memory_space<semaphore_mem>>) src(%dma_wait3A_200 : memref<16384xf32, #tpu.memory_space<hbm>>) dst(%dma_wait3A_197 : memref<16384xf32, #tpu.memory_space<vmem>>)
      %mul3A_201 = arith.constant 2 : i32
      %mul3A_202 = arith.muli %mul3A_201, %scan3A_125 : i32
      %add3A_203 = arith.constant 1 : i32
      %add3A_204 = arith.addi %mul3A_202, %add3A_203 : i32
      %broadcast_in_dim3A_205 = arith.constant 0.000000e+00 : f32
      %broadcast_in_dim3A_206 = vector.broadcast %broadcast_in_dim3A_205 : f32 to vector<16xf32>
      %scan3A_207 = arith.constant 1 : i32
      %scan3A_208 = arith.constant 0 : i32
      %scan3A_209 = arith.constant 32 : i32
      %scan3A_210 = arith.addi %scan3A_208, %scan3A_209 : i32
      %scan3A_211 = arith.constant 1 : i32
      %scan3A_212:4 = scf.for %scan3A_243 = %scan3A_208 to %scan3A_210 step %scan3A_211 iter_args(%scan3A_244 = %broadcast_in_dim3A_206, %scan3A_245 = %broadcast_in_dim3A_206, %scan3A_246 = %broadcast_in_dim3A_206, %scan3A_247 = %broadcast_in_dim3A_206) -> (vector<16xf32>, vector<16xf32>, vector<16xf32>, vector<16xf32>)  : i32 {
        %mul3A_248 = arith.constant 16 : i32
        %mul3A_249 = arith.muli %scan3A_243, %mul3A_248 : i32
        %get3A = arith.index_cast %add3A_204 : i32 to index
        %get3A_250 = arith.index_cast %mul3A_249 : i32 to index
        %get3A_251 = tpu.vector_load %arg6[%get3A, %get3A_250] {strides = array<i32>} : memref<32x512xf32, #tpu.memory_space<vmem>>, vector<1x16xf32>,
        %get3A_252 = vector.shape_cast %get3A_251 : vector<1x16xf32> to vector<16xf32>
        %slice3A = vector.extract_strided_slice %get3A_252 {offsets = [0], sizes = [1], strides = [1]} : vector<16xf32> to vector<1xf32>
        %squeeze3A = vector.extract %slice3A[0] : f32 from vector<1xf32>
        %mul3A_253 = arith.constant 16 : i32
        %mul3A_254 = arith.muli %scan3A_243, %mul3A_253 : i32
        %add3A_255 = arith.constant 0 : i32
        %add3A_256 = arith.addi %mul3A_254, %add3A_255 : i32
        %mul3A_257 = arith.constant 32 : i32
        %mul3A_258 = arith.muli %add3A_256, %mul3A_257 : i32
        %get3A_259 = arith.constant 0 : i32
        %get3A_260 = tpu.memref_slice %arg5[%scan3A_207, %get3A_259] : memref<2x16384xf32, #tpu.memory_space<vmem>> -> memref<1x16384xf32, #tpu.memory_space<vmem>>
        %get3A_261 = tpu.memref_squeeze %get3A_260 : memref<1x16384xf32, #tpu.memory_space<vmem>> -> memref<16384xf32, #tpu.memory_space<vmem>>
        %get3A_262 = arith.index_cast %mul3A_258 : i32 to index
        %get3A_263 = tpu.vector_load %get3A_261[%get3A_262] {strides = array<i32>} : memref<16384xf32, #tpu.memory_space<vmem>>, vector<16xf32>,
        %get3A_264 = vector.shape_cast %get3A_263 : vector<16xf32> to vector<16xf32>
        %mul3A_265 = vector.broadcast %squeeze3A : f32 to vector<16xf32>
        %mul3A_266 = arith.mulf %mul3A_265, %get3A_264 : vector<16xf32>
        %add3A_267 = arith.addf %scan3A_244, %mul3A_266 : vector<16xf32>
        %add3A_268 = arith.constant 16 : i32
        %add3A_269 = arith.addi %mul3A_258, %add3A_268 : i32
        %get3A_270 = arith.constant 0 : i32
        %get3A_271 = tpu.memref_slice %arg5[%scan3A_207, %get3A_270] : memref<2x16384xf32, #tpu.memory_space<vmem>> -> memref<1x16384xf32, #tpu.memory_space<vmem>>
        %get3A_272 = tpu.memref_squeeze %get3A_271 : memref<1x16384xf32, #tpu.memory_space<vmem>> -> memref<16384xf32, #tpu.memory_space<vmem>>
        %get3A_273 = arith.index_cast %add3A_269 : i32 to index
        %get3A_274 = tpu.vector_load %get3A_272[%get3A_273] {strides = array<i32>} : memref<16384xf32, #tpu.memory_space<vmem>>, vector<16xf32>,
        %get3A_275 = vector.shape_cast %get3A_274 : vector<16xf32> to vector<16xf32>
        %mul3A_276 = vector.broadcast %squeeze3A : f32 to vector<16xf32>
        %mul3A_277 = arith.mulf %mul3A_276, %get3A_275 : vector<16xf32>
        %add3A_278 = arith.addf %scan3A_245, %mul3A_277 : vector<16xf32>
        %slice3A_279 = vector.extract_strided_slice %get3A_252 {offsets = [1], sizes = [1], strides = [1]} : vector<16xf32> to vector<1xf32>
        %squeeze3A_280 = vector.extract %slice3A_279[0] : f32 from vector<1xf32>
        %mul3A_281 = arith.constant 16 : i32
        %mul3A_282 = arith.muli %scan3A_243, %mul3A_281 : i32
        %add3A_283 = arith.constant 1 : i32
        %add3A_284 = arith.addi %mul3A_282, %add3A_283 : i32
        %mul3A_285 = arith.constant 32 : i32
        %mul3A_286 = arith.muli %add3A_284, %mul3A_285 : i32
        %get3A_287 = arith.constant 0 : i32
        %get3A_288 = tpu.memref_slice %arg5[%scan3A_207, %get3A_287] : memref<2x16384xf32, #tpu.memory_space<vmem>> -> memref<1x16384xf32, #tpu.memory_space<vmem>>
        %get3A_289 = tpu.memref_squeeze %get3A_288 : memref<1x16384xf32, #tpu.memory_space<vmem>> -> memref<16384xf32, #tpu.memory_space<vmem>>
        %get3A_290 = arith.index_cast %mul3A_286 : i32 to index
        %get3A_291 = tpu.vector_load %get3A_289[%get3A_290] {strides = array<i32>} : memref<16384xf32, #tpu.memory_space<vmem>>, vector<16xf32>,
        %get3A_292 = vector.shape_cast %get3A_291 : vector<16xf32> to vector<16xf32>
        %mul3A_293 = vector.broadcast %squeeze3A_280 : f32 to vector<16xf32>
        %mul3A_294 = arith.mulf %mul3A_293, %get3A_292 : vector<16xf32>
        %add3A_295 = arith.addf %scan3A_246, %mul3A_294 : vector<16xf32>
        %add3A_296 = arith.constant 16 : i32
        %add3A_297 = arith.addi %mul3A_286, %add3A_296 : i32
        %get3A_298 = arith.constant 0 : i32
        %get3A_299 = tpu.memref_slice %arg5[%scan3A_207, %get3A_298] : memref<2x16384xf32, #tpu.memory_space<vmem>> -> memref<1x16384xf32, #tpu.memory_space<vmem>>
        %get3A_300 = tpu.memref_squeeze %get3A_299 : memref<1x16384xf32, #tpu.memory_space<vmem>> -> memref<16384xf32, #tpu.memory_space<vmem>>
        %get3A_301 = arith.index_cast %add3A_297 : i32 to index
        %get3A_302 = tpu.vector_load %get3A_300[%get3A_301] {strides = array<i32>} : memref<16384xf32, #tpu.memory_space<vmem>>, vector<16xf32>,
        %get3A_303 = vector.shape_cast %get3A_302 : vector<16xf32> to vector<16xf32>
        %mul3A_304 = vector.broadcast %squeeze3A_280 : f32 to vector<16xf32>
        %mul3A_305 = arith.mulf %mul3A_304, %get3A_303 : vector<16xf32>
        %add3A_306 = arith.addf %scan3A_247, %mul3A_305 : vector<16xf32>
        %slice3A_307 = vector.extract_strided_slice %get3A_252 {offsets = [2], sizes = [1], strides = [1]} : vector<16xf32> to vector<1xf32>
        %squeeze3A_308 = vector.extract %slice3A_307[0] : f32 from vector<1xf32>
        %mul3A_309 = arith.constant 16 : i32
        %mul3A_310 = arith.muli %scan3A_243, %mul3A_309 : i32
        %add3A_311 = arith.constant 2 : i32
        %add3A_312 = arith.addi %mul3A_310, %add3A_311 : i32
        %mul3A_313 = arith.constant 32 : i32
        %mul3A_314 = arith.muli %add3A_312, %mul3A_313 : i32
        %get3A_315 = arith.constant 0 : i32
        %get3A_316 = tpu.memref_slice %arg5[%scan3A_207, %get3A_315] : memref<2x16384xf32, #tpu.memory_space<vmem>> -> memref<1x16384xf32, #tpu.memory_space<vmem>>
        %get3A_317 = tpu.memref_squeeze %get3A_316 : memref<1x16384xf32, #tpu.memory_space<vmem>> -> memref<16384xf32, #tpu.memory_space<vmem>>
        %get3A_318 = arith.index_cast %mul3A_314 : i32 to index
        %get3A_319 = tpu.vector_load %get3A_317[%get3A_318] {strides = array<i32>} : memref<16384xf32, #tpu.memory_space<vmem>>, vector<16xf32>,
        %get3A_320 = vector.shape_cast %get3A_319 : vector<16xf32> to vector<16xf32>
        %mul3A_321 = vector.broadcast %squeeze3A_308 : f32 to vector<16xf32>
        %mul3A_322 = arith.mulf %mul3A_321, %get3A_320 : vector<16xf32>
        %add3A_323 = arith.addf %add3A_267, %mul3A_322 : vector<16xf32>
        %add3A_324 = arith.constant 16 : i32
        %add3A_325 = arith.addi %mul3A_314, %add3A_324 : i32
        %get3A_326 = arith.constant 0 : i32
        %get3A_327 = tpu.memref_slice %arg5[%scan3A_207, %get3A_326] : memref<2x16384xf32, #tpu.memory_space<vmem>> -> memref<1x16384xf32, #tpu.memory_space<vmem>>
        %get3A_328 = tpu.memref_squeeze %get3A_327 : memref<1x16384xf32, #tpu.memory_space<vmem>> -> memref<16384xf32, #tpu.memory_space<vmem>>
        %get3A_329 = arith.index_cast %add3A_325 : i32 to index
        %get3A_330 = tpu.vector_load %get3A_328[%get3A_329] {strides = array<i32>} : memref<16384xf32, #tpu.memory_space<vmem>>, vector<16xf32>,
        %get3A_331 = vector.shape_cast %get3A_330 : vector<16xf32> to vector<16xf32>
        %mul3A_332 = vector.broadcast %squeeze3A_308 : f32 to vector<16xf32>
        %mul3A_333 = arith.mulf %mul3A_332, %get3A_331 : vector<16xf32>
        %add3A_334 = arith.addf %add3A_278, %mul3A_333 : vector<16xf32>
        %slice3A_335 = vector.extract_strided_slice %get3A_252 {offsets = [3], sizes = [1], strides = [1]} : vector<16xf32> to vector<1xf32>
        %squeeze3A_336 = vector.extract %slice3A_335[0] : f32 from vector<1xf32>
        %mul3A_337 = arith.constant 16 : i32
        %mul3A_338 = arith.muli %scan3A_243, %mul3A_337 : i32
        %add3A_339 = arith.constant 3 : i32
        %add3A_340 = arith.addi %mul3A_338, %add3A_339 : i32
        %mul3A_341 = arith.constant 32 : i32
        %mul3A_342 = arith.muli %add3A_340, %mul3A_341 : i32
        %get3A_343 = arith.constant 0 : i32
        %get3A_344 = tpu.memref_slice %arg5[%scan3A_207, %get3A_343] : memref<2x16384xf32, #tpu.memory_space<vmem>> -> memref<1x16384xf32, #tpu.memory_space<vmem>>
        %get3A_345 = tpu.memref_squeeze %get3A_344 : memref<1x16384xf32, #tpu.memory_space<vmem>> -> memref<16384xf32, #tpu.memory_space<vmem>>
        %get3A_346 = arith.index_cast %mul3A_342 : i32 to index
        %get3A_347 = tpu.vector_load %get3A_345[%get3A_346] {strides = array<i32>} : memref<16384xf32, #tpu.memory_space<vmem>>, vector<16xf32>,
        %get3A_348 = vector.shape_cast %get3A_347 : vector<16xf32> to vector<16xf32>
        %mul3A_349 = vector.broadcast %squeeze3A_336 : f32 to vector<16xf32>
        %mul3A_350 = arith.mulf %mul3A_349, %get3A_348 : vector<16xf32>
        %add3A_351 = arith.addf %add3A_295, %mul3A_350 : vector<16xf32>
        %add3A_352 = arith.constant 16 : i32
        %add3A_353 = arith.addi %mul3A_342, %add3A_352 : i32
        %get3A_354 = arith.constant 0 : i32
        %get3A_355 = tpu.memref_slice %arg5[%scan3A_207, %get3A_354] : memref<2x16384xf32, #tpu.memory_space<vmem>> -> memref<1x16384xf32, #tpu.memory_space<vmem>>
        %get3A_356 = tpu.memref_squeeze %get3A_355 : memref<1x16384xf32, #tpu.memory_space<vmem>> -> memref<16384xf32, #tpu.memory_space<vmem>>
        %get3A_357 = arith.index_cast %add3A_353 : i32 to index
        %get3A_358 = tpu.vector_load %get3A_356[%get3A_357] {strides = array<i32>} : memref<16384xf32, #tpu.memory_space<vmem>>, vector<16xf32>,
        %get3A_359 = vector.shape_cast %get3A_358 : vector<16xf32> to vector<16xf32>
        %mul3A_360 = vector.broadcast %squeeze3A_336 : f32 to vector<16xf32>
        %mul3A_361 = arith.mulf %mul3A_360, %get3A_359 : vector<16xf32>
        %add3A_362 = arith.addf %add3A_306, %mul3A_361 : vector<16xf32>
        %slice3A_363 = vector.extract_strided_slice %get3A_252 {offsets = [4], sizes = [1], strides = [1]} : vector<16xf32> to vector<1xf32>
        %squeeze3A_364 = vector.extract %slice3A_363[0] : f32 from vector<1xf32>
        %mul3A_365 = arith.constant 16 : i32
        %mul3A_366 = arith.muli %scan3A_243, %mul3A_365 : i32
        %add3A_367 = arith.constant 4 : i32
        %add3A_368 = arith.addi %mul3A_366, %add3A_367 : i32
        %mul3A_369 = arith.constant 32 : i32
        %mul3A_370 = arith.muli %add3A_368, %mul3A_369 : i32
        %get3A_371 = arith.constant 0 : i32
        %get3A_372 = tpu.memref_slice %arg5[%scan3A_207, %get3A_371] : memref<2x16384xf32, #tpu.memory_space<vmem>> -> memref<1x16384xf32, #tpu.memory_space<vmem>>
        %get3A_373 = tpu.memref_squeeze %get3A_372 : memref<1x16384xf32, #tpu.memory_space<vmem>> -> memref<16384xf32, #tpu.memory_space<vmem>>
        %get3A_374 = arith.index_cast %mul3A_370 : i32 to index
        %get3A_375 = tpu.vector_load %get3A_373[%get3A_374] {strides = array<i32>} : memref<16384xf32, #tpu.memory_space<vmem>>, vector<16xf32>,
        %get3A_376 = vector.shape_cast %get3A_375 : vector<16xf32> to vector<16xf32>
        %mul3A_377 = vector.broadcast %squeeze3A_364 : f32 to vector<16xf32>
        %mul3A_378 = arith.mulf %mul3A_377, %get3A_376 : vector<16xf32>
        %add3A_379 = arith.addf %add3A_323, %mul3A_378 : vector<16xf32>
        %add3A_380 = arith.constant 16 : i32
        %add3A_381 = arith.addi %mul3A_370, %add3A_380 : i32
        %get3A_382 = arith.constant 0 : i32
        %get3A_383 = tpu.memref_slice %arg5[%scan3A_207, %get3A_382] : memref<2x16384xf32, #tpu.memory_space<vmem>> -> memref<1x16384xf32, #tpu.memory_space<vmem>>
        %get3A_384 = tpu.memref_squeeze %get3A_383 : memref<1x16384xf32, #tpu.memory_space<vmem>> -> memref<16384xf32, #tpu.memory_space<vmem>>
        %get3A_385 = arith.index_cast %add3A_381 : i32 to index
        %get3A_386 = tpu.vector_load %get3A_384[%get3A_385] {strides = array<i32>} : memref<16384xf32, #tpu.memory_space<vmem>>, vector<16xf32>,
        %get3A_387 = vector.shape_cast %get3A_386 : vector<16xf32> to vector<16xf32>
        %mul3A_388 = vector.broadcast %squeeze3A_364 : f32 to vector<16xf32>
        %mul3A_389 = arith.mulf %mul3A_388, %get3A_387 : vector<16xf32>
        %add3A_390 = arith.addf %add3A_334, %mul3A_389 : vector<16xf32>
        %slice3A_391 = vector.extract_strided_slice %get3A_252 {offsets = [5], sizes = [1], strides = [1]} : vector<16xf32> to vector<1xf32>
        %squeeze3A_392 = vector.extract %slice3A_391[0] : f32 from vector<1xf32>
        %mul3A_393 = arith.constant 16 : i32
        %mul3A_394 = arith.muli %scan3A_243, %mul3A_393 : i32
        %add3A_395 = arith.constant 5 : i32
        %add3A_396 = arith.addi %mul3A_394, %add3A_395 : i32
        %mul3A_397 = arith.constant 32 : i32
        %mul3A_398 = arith.muli %add3A_396, %mul3A_397 : i32
        %get3A_399 = arith.constant 0 : i32
        %get3A_400 = tpu.memref_slice %arg5[%scan3A_207, %get3A_399] : memref<2x16384xf32, #tpu.memory_space<vmem>> -> memref<1x16384xf32, #tpu.memory_space<vmem>>
        %get3A_401 = tpu.memref_squeeze %get3A_400 : memref<1x16384xf32, #tpu.memory_space<vmem>> -> memref<16384xf32, #tpu.memory_space<vmem>>
        %get3A_402 = arith.index_cast %mul3A_398 : i32 to index
        %get3A_403 = tpu.vector_load %get3A_401[%get3A_402] {strides = array<i32>} : memref<16384xf32, #tpu.memory_space<vmem>>, vector<16xf32>,
        %get3A_404 = vector.shape_cast %get3A_403 : vector<16xf32> to vector<16xf32>
        %mul3A_405 = vector.broadcast %squeeze3A_392 : f32 to vector<16xf32>
        %mul3A_406 = arith.mulf %mul3A_405, %get3A_404 : vector<16xf32>
        %add3A_407 = arith.addf %add3A_351, %mul3A_406 : vector<16xf32>
        %add3A_408 = arith.constant 16 : i32
        %add3A_409 = arith.addi %mul3A_398, %add3A_408 : i32
        %get3A_410 = arith.constant 0 : i32
        %get3A_411 = tpu.memref_slice %arg5[%scan3A_207, %get3A_410] : memref<2x16384xf32, #tpu.memory_space<vmem>> -> memref<1x16384xf32, #tpu.memory_space<vmem>>
        %get3A_412 = tpu.memref_squeeze %get3A_411 : memref<1x16384xf32, #tpu.memory_space<vmem>> -> memref<16384xf32, #tpu.memory_space<vmem>>
        %get3A_413 = arith.index_cast %add3A_409 : i32 to index
        %get3A_414 = tpu.vector_load %get3A_412[%get3A_413] {strides = array<i32>} : memref<16384xf32, #tpu.memory_space<vmem>>, vector<16xf32>,
        %get3A_415 = vector.shape_cast %get3A_414 : vector<16xf32> to vector<16xf32>
        %mul3A_416 = vector.broadcast %squeeze3A_392 : f32 to vector<16xf32>
        %mul3A_417 = arith.mulf %mul3A_416, %get3A_415 : vector<16xf32>
        %add3A_418 = arith.addf %add3A_362, %mul3A_417 : vector<16xf32>
        %slice3A_419 = vector.extract_strided_slice %get3A_252 {offsets = [6], sizes = [1], strides = [1]} : vector<16xf32> to vector<1xf32>
        %squeeze3A_420 = vector.extract %slice3A_419[0] : f32 from vector<1xf32>
        %mul3A_421 = arith.constant 16 : i32
        %mul3A_422 = arith.muli %scan3A_243, %mul3A_421 : i32
        %add3A_423 = arith.constant 6 : i32
        %add3A_424 = arith.addi %mul3A_422, %add3A_423 : i32
        %mul3A_425 = arith.constant 32 : i32
        %mul3A_426 = arith.muli %add3A_424, %mul3A_425 : i32
        %get3A_427 = arith.constant 0 : i32
        %get3A_428 = tpu.memref_slice %arg5[%scan3A_207, %get3A_427] : memref<2x16384xf32, #tpu.memory_space<vmem>> -> memref<1x16384xf32, #tpu.memory_space<vmem>>
        %get3A_429 = tpu.memref_squeeze %get3A_428 : memref<1x16384xf32, #tpu.memory_space<vmem>> -> memref<16384xf32, #tpu.memory_space<vmem>>
        %get3A_430 = arith.index_cast %mul3A_426 : i32 to index
        %get3A_431 = tpu.vector_load %get3A_429[%get3A_430] {strides = array<i32>} : memref<16384xf32, #tpu.memory_space<vmem>>, vector<16xf32>,
        %get3A_432 = vector.shape_cast %get3A_431 : vector<16xf32> to vector<16xf32>
        %mul3A_433 = vector.broadcast %squeeze3A_420 : f32 to vector<16xf32>
        %mul3A_434 = arith.mulf %mul3A_433, %get3A_432 : vector<16xf32>
        %add3A_435 = arith.addf %add3A_379, %mul3A_434 : vector<16xf32>
        %add3A_436 = arith.constant 16 : i32
        %add3A_437 = arith.addi %mul3A_426, %add3A_436 : i32
        %get3A_438 = arith.constant 0 : i32
        %get3A_439 = tpu.memref_slice %arg5[%scan3A_207, %get3A_438] : memref<2x16384xf32, #tpu.memory_space<vmem>> -> memref<1x16384xf32, #tpu.memory_space<vmem>>
        %get3A_440 = tpu.memref_squeeze %get3A_439 : memref<1x16384xf32, #tpu.memory_space<vmem>> -> memref<16384xf32, #tpu.memory_space<vmem>>
        %get3A_441 = arith.index_cast %add3A_437 : i32 to index
        %get3A_442 = tpu.vector_load %get3A_440[%get3A_441] {strides = array<i32>} : memref<16384xf32, #tpu.memory_space<vmem>>, vector<16xf32>,
        %get3A_443 = vector.shape_cast %get3A_442 : vector<16xf32> to vector<16xf32>
        %mul3A_444 = vector.broadcast %squeeze3A_420 : f32 to vector<16xf32>
        %mul3A_445 = arith.mulf %mul3A_444, %get3A_443 : vector<16xf32>
        %add3A_446 = arith.addf %add3A_390, %mul3A_445 : vector<16xf32>
        %slice3A_447 = vector.extract_strided_slice %get3A_252 {offsets = [7], sizes = [1], strides = [1]} : vector<16xf32> to vector<1xf32>
        %squeeze3A_448 = vector.extract %slice3A_447[0] : f32 from vector<1xf32>
        %mul3A_449 = arith.constant 16 : i32
        %mul3A_450 = arith.muli %scan3A_243, %mul3A_449 : i32
        %add3A_451 = arith.constant 7 : i32
        %add3A_452 = arith.addi %mul3A_450, %add3A_451 : i32
        %mul3A_453 = arith.constant 32 : i32
        %mul3A_454 = arith.muli %add3A_452, %mul3A_453 : i32
        %get3A_455 = arith.constant 0 : i32
        %get3A_456 = tpu.memref_slice %arg5[%scan3A_207, %get3A_455] : memref<2x16384xf32, #tpu.memory_space<vmem>> -> memref<1x16384xf32, #tpu.memory_space<vmem>>
        %get3A_457 = tpu.memref_squeeze %get3A_456 : memref<1x16384xf32, #tpu.memory_space<vmem>> -> memref<16384xf32, #tpu.memory_space<vmem>>
        %get3A_458 = arith.index_cast %mul3A_454 : i32 to index
        %get3A_459 = tpu.vector_load %get3A_457[%get3A_458] {strides = array<i32>} : memref<16384xf32, #tpu.memory_space<vmem>>, vector<16xf32>,
        %get3A_460 = vector.shape_cast %get3A_459 : vector<16xf32> to vector<16xf32>
        %mul3A_461 = vector.broadcast %squeeze3A_448 : f32 to vector<16xf32>
        %mul3A_462 = arith.mulf %mul3A_461, %get3A_460 : vector<16xf32>
        %add3A_463 = arith.addf %add3A_407, %mul3A_462 : vector<16xf32>
        %add3A_464 = arith.constant 16 : i32
        %add3A_465 = arith.addi %mul3A_454, %add3A_464 : i32
        %get3A_466 = arith.constant 0 : i32
        %get3A_467 = tpu.memref_slice %arg5[%scan3A_207, %get3A_466] : memref<2x16384xf32, #tpu.memory_space<vmem>> -> memref<1x16384xf32, #tpu.memory_space<vmem>>
        %get3A_468 = tpu.memref_squeeze %get3A_467 : memref<1x16384xf32, #tpu.memory_space<vmem>> -> memref<16384xf32, #tpu.memory_space<vmem>>
        %get3A_469 = arith.index_cast %add3A_465 : i32 to index
        %get3A_470 = tpu.vector_load %get3A_468[%get3A_469] {strides = array<i32>} : memref<16384xf32, #tpu.memory_space<vmem>>, vector<16xf32>,
        %get3A_471 = vector.shape_cast %get3A_470 : vector<16xf32> to vector<16xf32>
        %mul3A_472 = vector.broadcast %squeeze3A_448 : f32 to vector<16xf32>
        %mul3A_473 = arith.mulf %mul3A_472, %get3A_471 : vector<16xf32>
        %add3A_474 = arith.addf %add3A_418, %mul3A_473 : vector<16xf32>
        %slice3A_475 = vector.extract_strided_slice %get3A_252 {offsets = [8], sizes = [1], strides = [1]} : vector<16xf32> to vector<1xf32>
        %squeeze3A_476 = vector.extract %slice3A_475[0] : f32 from vector<1xf32>
        %mul3A_477 = arith.constant 16 : i32
        %mul3A_478 = arith.muli %scan3A_243, %mul3A_477 : i32
        %add3A_479 = arith.constant 8 : i32
        %add3A_480 = arith.addi %mul3A_478, %add3A_479 : i32
        %mul3A_481 = arith.constant 32 : i32
        %mul3A_482 = arith.muli %add3A_480, %mul3A_481 : i32
        %get3A_483 = arith.constant 0 : i32
        %get3A_484 = tpu.memref_slice %arg5[%scan3A_207, %get3A_483] : memref<2x16384xf32, #tpu.memory_space<vmem>> -> memref<1x16384xf32, #tpu.memory_space<vmem>>
        %get3A_485 = tpu.memref_squeeze %get3A_484 : memref<1x16384xf32, #tpu.memory_space<vmem>> -> memref<16384xf32, #tpu.memory_space<vmem>>
        %get3A_486 = arith.index_cast %mul3A_482 : i32 to index
        %get3A_487 = tpu.vector_load %get3A_485[%get3A_486] {strides = array<i32>} : memref<16384xf32, #tpu.memory_space<vmem>>, vector<16xf32>,
        %get3A_488 = vector.shape_cast %get3A_487 : vector<16xf32> to vector<16xf32>
        %mul3A_489 = vector.broadcast %squeeze3A_476 : f32 to vector<16xf32>
        %mul3A_490 = arith.mulf %mul3A_489, %get3A_488 : vector<16xf32>
        %add3A_491 = arith.addf %add3A_435, %mul3A_490 : vector<16xf32>
        %add3A_492 = arith.constant 16 : i32
        %add3A_493 = arith.addi %mul3A_482, %add3A_492 : i32
        %get3A_494 = arith.constant 0 : i32
        %get3A_495 = tpu.memref_slice %arg5[%scan3A_207, %get3A_494] : memref<2x16384xf32, #tpu.memory_space<vmem>> -> memref<1x16384xf32, #tpu.memory_space<vmem>>
        %get3A_496 = tpu.memref_squeeze %get3A_495 : memref<1x16384xf32, #tpu.memory_space<vmem>> -> memref<16384xf32, #tpu.memory_space<vmem>>
        %get3A_497 = arith.index_cast %add3A_493 : i32 to index
        %get3A_498 = tpu.vector_load %get3A_496[%get3A_497] {strides = array<i32>} : memref<16384xf32, #tpu.memory_space<vmem>>, vector<16xf32>,
        %get3A_499 = vector.shape_cast %get3A_498 : vector<16xf32> to vector<16xf32>
        %mul3A_500 = vector.broadcast %squeeze3A_476 : f32 to vector<16xf32>
        %mul3A_501 = arith.mulf %mul3A_500, %get3A_499 : vector<16xf32>
        %add3A_502 = arith.addf %add3A_446, %mul3A_501 : vector<16xf32>
        %slice3A_503 = vector.extract_strided_slice %get3A_252 {offsets = [9], sizes = [1], strides = [1]} : vector<16xf32> to vector<1xf32>
        %squeeze3A_504 = vector.extract %slice3A_503[0] : f32 from vector<1xf32>
        %mul3A_505 = arith.constant 16 : i32
        %mul3A_506 = arith.muli %scan3A_243, %mul3A_505 : i32
        %add3A_507 = arith.constant 9 : i32
        %add3A_508 = arith.addi %mul3A_506, %add3A_507 : i32
        %mul3A_509 = arith.constant 32 : i32
        %mul3A_510 = arith.muli %add3A_508, %mul3A_509 : i32
        %get3A_511 = arith.constant 0 : i32
        %get3A_512 = tpu.memref_slice %arg5[%scan3A_207, %get3A_511] : memref<2x16384xf32, #tpu.memory_space<vmem>> -> memref<1x16384xf32, #tpu.memory_space<vmem>>
        %get3A_513 = tpu.memref_squeeze %get3A_512 : memref<1x16384xf32, #tpu.memory_space<vmem>> -> memref<16384xf32, #tpu.memory_space<vmem>>
        %get3A_514 = arith.index_cast %mul3A_510 : i32 to index
        %get3A_515 = tpu.vector_load %get3A_513[%get3A_514] {strides = array<i32>} : memref<16384xf32, #tpu.memory_space<vmem>>, vector<16xf32>,
        %get3A_516 = vector.shape_cast %get3A_515 : vector<16xf32> to vector<16xf32>
        %mul3A_517 = vector.broadcast %squeeze3A_504 : f32 to vector<16xf32>
        %mul3A_518 = arith.mulf %mul3A_517, %get3A_516 : vector<16xf32>
        %add3A_519 = arith.addf %add3A_463, %mul3A_518 : vector<16xf32>
        %add3A_520 = arith.constant 16 : i32
        %add3A_521 = arith.addi %mul3A_510, %add3A_520 : i32
        %get3A_522 = arith.constant 0 : i32
        %get3A_523 = tpu.memref_slice %arg5[%scan3A_207, %get3A_522] : memref<2x16384xf32, #tpu.memory_space<vmem>> -> memref<1x16384xf32, #tpu.memory_space<vmem>>
        %get3A_524 = tpu.memref_squeeze %get3A_523 : memref<1x16384xf32, #tpu.memory_space<vmem>> -> memref<16384xf32, #tpu.memory_space<vmem>>
        %get3A_525 = arith.index_cast %add3A_521 : i32 to index
        %get3A_526 = tpu.vector_load %get3A_524[%get3A_525] {strides = array<i32>} : memref<16384xf32, #tpu.memory_space<vmem>>, vector<16xf32>,
        %get3A_527 = vector.shape_cast %get3A_526 : vector<16xf32> to vector<16xf32>
        %mul3A_528 = vector.broadcast %squeeze3A_504 : f32 to vector<16xf32>
        %mul3A_529 = arith.mulf %mul3A_528, %get3A_527 : vector<16xf32>
        %add3A_530 = arith.addf %add3A_474, %mul3A_529 : vector<16xf32>
        %slice3A_531 = vector.extract_strided_slice %get3A_252 {offsets = [10], sizes = [1], strides = [1]} : vector<16xf32> to vector<1xf32>
        %squeeze3A_532 = vector.extract %slice3A_531[0] : f32 from vector<1xf32>
        %mul3A_533 = arith.constant 16 : i32
        %mul3A_534 = arith.muli %scan3A_243, %mul3A_533 : i32
        %add3A_535 = arith.constant 10 : i32
        %add3A_536 = arith.addi %mul3A_534, %add3A_535 : i32
        %mul3A_537 = arith.constant 32 : i32
        %mul3A_538 = arith.muli %add3A_536, %mul3A_537 : i32
        %get3A_539 = arith.constant 0 : i32
        %get3A_540 = tpu.memref_slice %arg5[%scan3A_207, %get3A_539] : memref<2x16384xf32, #tpu.memory_space<vmem>> -> memref<1x16384xf32, #tpu.memory_space<vmem>>
        %get3A_541 = tpu.memref_squeeze %get3A_540 : memref<1x16384xf32, #tpu.memory_space<vmem>> -> memref<16384xf32, #tpu.memory_space<vmem>>
        %get3A_542 = arith.index_cast %mul3A_538 : i32 to index
        %get3A_543 = tpu.vector_load %get3A_541[%get3A_542] {strides = array<i32>} : memref<16384xf32, #tpu.memory_space<vmem>>, vector<16xf32>,
        %get3A_544 = vector.shape_cast %get3A_543 : vector<16xf32> to vector<16xf32>
        %mul3A_545 = vector.broadcast %squeeze3A_532 : f32 to vector<16xf32>
        %mul3A_546 = arith.mulf %mul3A_545, %get3A_544 : vector<16xf32>
        %add3A_547 = arith.addf %add3A_491, %mul3A_546 : vector<16xf32>
        %add3A_548 = arith.constant 16 : i32
        %add3A_549 = arith.addi %mul3A_538, %add3A_548 : i32
        %get3A_550 = arith.constant 0 : i32
        %get3A_551 = tpu.memref_slice %arg5[%scan3A_207, %get3A_550] : memref<2x16384xf32, #tpu.memory_space<vmem>> -> memref<1x16384xf32, #tpu.memory_space<vmem>>
        %get3A_552 = tpu.memref_squeeze %get3A_551 : memref<1x16384xf32, #tpu.memory_space<vmem>> -> memref<16384xf32, #tpu.memory_space<vmem>>
        %get3A_553 = arith.index_cast %add3A_549 : i32 to index
        %get3A_554 = tpu.vector_load %get3A_552[%get3A_553] {strides = array<i32>} : memref<16384xf32, #tpu.memory_space<vmem>>, vector<16xf32>,
        %get3A_555 = vector.shape_cast %get3A_554 : vector<16xf32> to vector<16xf32>
        %mul3A_556 = vector.broadcast %squeeze3A_532 : f32 to vector<16xf32>
        %mul3A_557 = arith.mulf %mul3A_556, %get3A_555 : vector<16xf32>
        %add3A_558 = arith.addf %add3A_502, %mul3A_557 : vector<16xf32>
        %slice3A_559 = vector.extract_strided_slice %get3A_252 {offsets = [11], sizes = [1], strides = [1]} : vector<16xf32> to vector<1xf32>
        %squeeze3A_560 = vector.extract %slice3A_559[0] : f32 from vector<1xf32>
        %mul3A_561 = arith.constant 16 : i32
        %mul3A_562 = arith.muli %scan3A_243, %mul3A_561 : i32
        %add3A_563 = arith.constant 11 : i32
        %add3A_564 = arith.addi %mul3A_562, %add3A_563 : i32
        %mul3A_565 = arith.constant 32 : i32
        %mul3A_566 = arith.muli %add3A_564, %mul3A_565 : i32
        %get3A_567 = arith.constant 0 : i32
        %get3A_568 = tpu.memref_slice %arg5[%scan3A_207, %get3A_567] : memref<2x16384xf32, #tpu.memory_space<vmem>> -> memref<1x16384xf32, #tpu.memory_space<vmem>>
        %get3A_569 = tpu.memref_squeeze %get3A_568 : memref<1x16384xf32, #tpu.memory_space<vmem>> -> memref<16384xf32, #tpu.memory_space<vmem>>
        %get3A_570 = arith.index_cast %mul3A_566 : i32 to index
        %get3A_571 = tpu.vector_load %get3A_569[%get3A_570] {strides = array<i32>} : memref<16384xf32, #tpu.memory_space<vmem>>, vector<16xf32>,
        %get3A_572 = vector.shape_cast %get3A_571 : vector<16xf32> to vector<16xf32>
        %mul3A_573 = vector.broadcast %squeeze3A_560 : f32 to vector<16xf32>
        %mul3A_574 = arith.mulf %mul3A_573, %get3A_572 : vector<16xf32>
        %add3A_575 = arith.addf %add3A_519, %mul3A_574 : vector<16xf32>
        %add3A_576 = arith.constant 16 : i32
        %add3A_577 = arith.addi %mul3A_566, %add3A_576 : i32
        %get3A_578 = arith.constant 0 : i32
        %get3A_579 = tpu.memref_slice %arg5[%scan3A_207, %get3A_578] : memref<2x16384xf32, #tpu.memory_space<vmem>> -> memref<1x16384xf32, #tpu.memory_space<vmem>>
        %get3A_580 = tpu.memref_squeeze %get3A_579 : memref<1x16384xf32, #tpu.memory_space<vmem>> -> memref<16384xf32, #tpu.memory_space<vmem>>
        %get3A_581 = arith.index_cast %add3A_577 : i32 to index
        %get3A_582 = tpu.vector_load %get3A_580[%get3A_581] {strides = array<i32>} : memref<16384xf32, #tpu.memory_space<vmem>>, vector<16xf32>,
        %get3A_583 = vector.shape_cast %get3A_582 : vector<16xf32> to vector<16xf32>
        %mul3A_584 = vector.broadcast %squeeze3A_560 : f32 to vector<16xf32>
        %mul3A_585 = arith.mulf %mul3A_584, %get3A_583 : vector<16xf32>
        %add3A_586 = arith.addf %add3A_530, %mul3A_585 : vector<16xf32>
        %slice3A_587 = vector.extract_strided_slice %get3A_252 {offsets = [12], sizes = [1], strides = [1]} : vector<16xf32> to vector<1xf32>
        %squeeze3A_588 = vector.extract %slice3A_587[0] : f32 from vector<1xf32>
        %mul3A_589 = arith.constant 16 : i32
        %mul3A_590 = arith.muli %scan3A_243, %mul3A_589 : i32
        %add3A_591 = arith.constant 12 : i32
        %add3A_592 = arith.addi %mul3A_590, %add3A_591 : i32
        %mul3A_593 = arith.constant 32 : i32
        %mul3A_594 = arith.muli %add3A_592, %mul3A_593 : i32
        %get3A_595 = arith.constant 0 : i32
        %get3A_596 = tpu.memref_slice %arg5[%scan3A_207, %get3A_595] : memref<2x16384xf32, #tpu.memory_space<vmem>> -> memref<1x16384xf32, #tpu.memory_space<vmem>>
        %get3A_597 = tpu.memref_squeeze %get3A_596 : memref<1x16384xf32, #tpu.memory_space<vmem>> -> memref<16384xf32, #tpu.memory_space<vmem>>
        %get3A_598 = arith.index_cast %mul3A_594 : i32 to index
        %get3A_599 = tpu.vector_load %get3A_597[%get3A_598] {strides = array<i32>} : memref<16384xf32, #tpu.memory_space<vmem>>, vector<16xf32>,
        %get3A_600 = vector.shape_cast %get3A_599 : vector<16xf32> to vector<16xf32>
        %mul3A_601 = vector.broadcast %squeeze3A_588 : f32 to vector<16xf32>
        %mul3A_602 = arith.mulf %mul3A_601, %get3A_600 : vector<16xf32>
        %add3A_603 = arith.addf %add3A_547, %mul3A_602 : vector<16xf32>
        %add3A_604 = arith.constant 16 : i32
        %add3A_605 = arith.addi %mul3A_594, %add3A_604 : i32
        %get3A_606 = arith.constant 0 : i32
        %get3A_607 = tpu.memref_slice %arg5[%scan3A_207, %get3A_606] : memref<2x16384xf32, #tpu.memory_space<vmem>> -> memref<1x16384xf32, #tpu.memory_space<vmem>>
        %get3A_608 = tpu.memref_squeeze %get3A_607 : memref<1x16384xf32, #tpu.memory_space<vmem>> -> memref<16384xf32, #tpu.memory_space<vmem>>
        %get3A_609 = arith.index_cast %add3A_605 : i32 to index
        %get3A_610 = tpu.vector_load %get3A_608[%get3A_609] {strides = array<i32>} : memref<16384xf32, #tpu.memory_space<vmem>>, vector<16xf32>,
        %get3A_611 = vector.shape_cast %get3A_610 : vector<16xf32> to vector<16xf32>
        %mul3A_612 = vector.broadcast %squeeze3A_588 : f32 to vector<16xf32>
        %mul3A_613 = arith.mulf %mul3A_612, %get3A_611 : vector<16xf32>
        %add3A_614 = arith.addf %add3A_558, %mul3A_613 : vector<16xf32>
        %slice3A_615 = vector.extract_strided_slice %get3A_252 {offsets = [13], sizes = [1], strides = [1]} : vector<16xf32> to vector<1xf32>
        %squeeze3A_616 = vector.extract %slice3A_615[0] : f32 from vector<1xf32>
        %mul3A_617 = arith.constant 16 : i32
        %mul3A_618 = arith.muli %scan3A_243, %mul3A_617 : i32
        %add3A_619 = arith.constant 13 : i32
        %add3A_620 = arith.addi %mul3A_618, %add3A_619 : i32
        %mul3A_621 = arith.constant 32 : i32
        %mul3A_622 = arith.muli %add3A_620, %mul3A_621 : i32
        %get3A_623 = arith.constant 0 : i32
        %get3A_624 = tpu.memref_slice %arg5[%scan3A_207, %get3A_623] : memref<2x16384xf32, #tpu.memory_space<vmem>> -> memref<1x16384xf32, #tpu.memory_space<vmem>>
        %get3A_625 = tpu.memref_squeeze %get3A_624 : memref<1x16384xf32, #tpu.memory_space<vmem>> -> memref<16384xf32, #tpu.memory_space<vmem>>
        %get3A_626 = arith.index_cast %mul3A_622 : i32 to index
        %get3A_627 = tpu.vector_load %get3A_625[%get3A_626] {strides = array<i32>} : memref<16384xf32, #tpu.memory_space<vmem>>, vector<16xf32>,
        %get3A_628 = vector.shape_cast %get3A_627 : vector<16xf32> to vector<16xf32>
        %mul3A_629 = vector.broadcast %squeeze3A_616 : f32 to vector<16xf32>
        %mul3A_630 = arith.mulf %mul3A_629, %get3A_628 : vector<16xf32>
        %add3A_631 = arith.addf %add3A_575, %mul3A_630 : vector<16xf32>
        %add3A_632 = arith.constant 16 : i32
        %add3A_633 = arith.addi %mul3A_622, %add3A_632 : i32
        %get3A_634 = arith.constant 0 : i32
        %get3A_635 = tpu.memref_slice %arg5[%scan3A_207, %get3A_634] : memref<2x16384xf32, #tpu.memory_space<vmem>> -> memref<1x16384xf32, #tpu.memory_space<vmem>>
        %get3A_636 = tpu.memref_squeeze %get3A_635 : memref<1x16384xf32, #tpu.memory_space<vmem>> -> memref<16384xf32, #tpu.memory_space<vmem>>
        %get3A_637 = arith.index_cast %add3A_633 : i32 to index
        %get3A_638 = tpu.vector_load %get3A_636[%get3A_637] {strides = array<i32>} : memref<16384xf32, #tpu.memory_space<vmem>>, vector<16xf32>,
        %get3A_639 = vector.shape_cast %get3A_638 : vector<16xf32> to vector<16xf32>
        %mul3A_640 = vector.broadcast %squeeze3A_616 : f32 to vector<16xf32>
        %mul3A_641 = arith.mulf %mul3A_640, %get3A_639 : vector<16xf32>
        %add3A_642 = arith.addf %add3A_586, %mul3A_641 : vector<16xf32>
        %slice3A_643 = vector.extract_strided_slice %get3A_252 {offsets = [14], sizes = [1], strides = [1]} : vector<16xf32> to vector<1xf32>
        %squeeze3A_644 = vector.extract %slice3A_643[0] : f32 from vector<1xf32>
        %mul3A_645 = arith.constant 16 : i32
        %mul3A_646 = arith.muli %scan3A_243, %mul3A_645 : i32
        %add3A_647 = arith.constant 14 : i32
        %add3A_648 = arith.addi %mul3A_646, %add3A_647 : i32
        %mul3A_649 = arith.constant 32 : i32
        %mul3A_650 = arith.muli %add3A_648, %mul3A_649 : i32
        %get3A_651 = arith.constant 0 : i32
        %get3A_652 = tpu.memref_slice %arg5[%scan3A_207, %get3A_651] : memref<2x16384xf32, #tpu.memory_space<vmem>> -> memref<1x16384xf32, #tpu.memory_space<vmem>>
        %get3A_653 = tpu.memref_squeeze %get3A_652 : memref<1x16384xf32, #tpu.memory_space<vmem>> -> memref<16384xf32, #tpu.memory_space<vmem>>
        %get3A_654 = arith.index_cast %mul3A_650 : i32 to index
        %get3A_655 = tpu.vector_load %get3A_653[%get3A_654] {strides = array<i32>} : memref<16384xf32, #tpu.memory_space<vmem>>, vector<16xf32>,
        %get3A_656 = vector.shape_cast %get3A_655 : vector<16xf32> to vector<16xf32>
        %mul3A_657 = vector.broadcast %squeeze3A_644 : f32 to vector<16xf32>
        %mul3A_658 = arith.mulf %mul3A_657, %get3A_656 : vector<16xf32>
        %add3A_659 = arith.addf %add3A_603, %mul3A_658 : vector<16xf32>
        %add3A_660 = arith.constant 16 : i32
        %add3A_661 = arith.addi %mul3A_650, %add3A_660 : i32
        %get3A_662 = arith.constant 0 : i32
        %get3A_663 = tpu.memref_slice %arg5[%scan3A_207, %get3A_662] : memref<2x16384xf32, #tpu.memory_space<vmem>> -> memref<1x16384xf32, #tpu.memory_space<vmem>>
        %get3A_664 = tpu.memref_squeeze %get3A_663 : memref<1x16384xf32, #tpu.memory_space<vmem>> -> memref<16384xf32, #tpu.memory_space<vmem>>
        %get3A_665 = arith.index_cast %add3A_661 : i32 to index
        %get3A_666 = tpu.vector_load %get3A_664[%get3A_665] {strides = array<i32>} : memref<16384xf32, #tpu.memory_space<vmem>>, vector<16xf32>,
        %get3A_667 = vector.shape_cast %get3A_666 : vector<16xf32> to vector<16xf32>
        %mul3A_668 = vector.broadcast %squeeze3A_644 : f32 to vector<16xf32>
        %mul3A_669 = arith.mulf %mul3A_668, %get3A_667 : vector<16xf32>
        %add3A_670 = arith.addf %add3A_614, %mul3A_669 : vector<16xf32>
        %slice3A_671 = vector.extract_strided_slice %get3A_252 {offsets = [15], sizes = [1], strides = [1]} : vector<16xf32> to vector<1xf32>
        %squeeze3A_672 = vector.extract %slice3A_671[0] : f32 from vector<1xf32>
        %mul3A_673 = arith.constant 16 : i32
        %mul3A_674 = arith.muli %scan3A_243, %mul3A_673 : i32
        %add3A_675 = arith.constant 15 : i32
        %add3A_676 = arith.addi %mul3A_674, %add3A_675 : i32
        %mul3A_677 = arith.constant 32 : i32
        %mul3A_678 = arith.muli %add3A_676, %mul3A_677 : i32
        %get3A_679 = arith.constant 0 : i32
        %get3A_680 = tpu.memref_slice %arg5[%scan3A_207, %get3A_679] : memref<2x16384xf32, #tpu.memory_space<vmem>> -> memref<1x16384xf32, #tpu.memory_space<vmem>>
        %get3A_681 = tpu.memref_squeeze %get3A_680 : memref<1x16384xf32, #tpu.memory_space<vmem>> -> memref<16384xf32, #tpu.memory_space<vmem>>
        %get3A_682 = arith.index_cast %mul3A_678 : i32 to index
        %get3A_683 = tpu.vector_load %get3A_681[%get3A_682] {strides = array<i32>} : memref<16384xf32, #tpu.memory_space<vmem>>, vector<16xf32>,
        %get3A_684 = vector.shape_cast %get3A_683 : vector<16xf32> to vector<16xf32>
        %mul3A_685 = vector.broadcast %squeeze3A_672 : f32 to vector<16xf32>
        %mul3A_686 = arith.mulf %mul3A_685, %get3A_684 : vector<16xf32>
        %add3A_687 = arith.addf %add3A_631, %mul3A_686 : vector<16xf32>
        %add3A_688 = arith.constant 16 : i32
        %add3A_689 = arith.addi %mul3A_678, %add3A_688 : i32
        %get3A_690 = arith.constant 0 : i32
        %get3A_691 = tpu.memref_slice %arg5[%scan3A_207, %get3A_690] : memref<2x16384xf32, #tpu.memory_space<vmem>> -> memref<1x16384xf32, #tpu.memory_space<vmem>>
        %get3A_692 = tpu.memref_squeeze %get3A_691 : memref<1x16384xf32, #tpu.memory_space<vmem>> -> memref<16384xf32, #tpu.memory_space<vmem>>
        %get3A_693 = arith.index_cast %add3A_689 : i32 to index
        %get3A_694 = tpu.vector_load %get3A_692[%get3A_693] {strides = array<i32>} : memref<16384xf32, #tpu.memory_space<vmem>>, vector<16xf32>,
        %get3A_695 = vector.shape_cast %get3A_694 : vector<16xf32> to vector<16xf32>
        %mul3A_696 = vector.broadcast %squeeze3A_672 : f32 to vector<16xf32>
        %mul3A_697 = arith.mulf %mul3A_696, %get3A_695 : vector<16xf32>
        %add3A_698 = arith.addf %add3A_642, %mul3A_697 : vector<16xf32>
        scf.yield %add3A_659, %add3A_670, %add3A_687, %add3A_698 : vector<16xf32>, vector<16xf32>, vector<16xf32>, vector<16xf32>
      }
      %scan3A_213 = arith.constant 32 : i32
      %add3A_214 = arith.addf %scan3A_212#0, %scan3A_212#2 : vector<16xf32>
      %swap3A_215 = arith.index_cast %add3A_204 : i32 to index
      %swap3A_216 = arith.constant 0 : index
      %swap3A_217 = tpu.vector_load %arg7[%swap3A_215, %swap3A_216] {strides = array<i32>} : memref<32x32xf32, #tpu.memory_space<vmem>>, vector<1x16xf32>,
      %swap3A_218 = vector.shape_cast %swap3A_217 : vector<1x16xf32> to vector<16xf32>
      %swap3A_219 = vector.shape_cast %add3A_214 : vector<16xf32> to vector<1x16xf32>
      tpu.vector_store %arg7[%swap3A_215, %swap3A_216], %swap3A_219 {strides = array<i32>} : memref<32x32xf32, #tpu.memory_space<vmem>>, vector<1x16xf32>,
      %add3A_220 = arith.addf %scan3A_212#1, %scan3A_212#3 : vector<16xf32>
      %swap3A_221 = arith.index_cast %add3A_204 : i32 to index
      %swap3A_222 = arith.constant 16 : index
      %swap3A_223 = tpu.vector_load %arg7[%swap3A_221, %swap3A_222] {strides = array<i32>} : memref<32x32xf32, #tpu.memory_space<vmem>>, vector<1x16xf32>,
      %swap3A_224 = vector.shape_cast %swap3A_223 : vector<1x16xf32> to vector<16xf32>
      %swap3A_225 = vector.shape_cast %add3A_220 : vector<16xf32> to vector<1x16xf32>
      tpu.vector_store %arg7[%swap3A_221, %swap3A_222], %swap3A_225 {strides = array<i32>} : memref<32x32xf32, #tpu.memory_space<vmem>>, vector<1x16xf32>,
      %add3A_226 = arith.constant 1 : i32
      %add3A_227 = arith.addi %add3A_128, %add3A_226 : i32
      %add3A_228 = arith.constant 2 : i32
      %add3A_229 = arith.addi %add3A_227, %add3A_228 : i32
      %dma_start3A_230 = arith.constant 1 : i32
      %dma_start3A_231 = arith.constant 0 : i32
      %dma_start3A_232 = tpu.memref_slice %arg5[%dma_start3A_230, %dma_start3A_231] : memref<2x16384xf32, #tpu.memory_space<vmem>> -> memref<1x16384xf32, #tpu.memory_space<vmem>>
      %dma_start3A_233 = tpu.memref_squeeze %dma_start3A_232 : memref<1x16384xf32, #tpu.memory_space<vmem>> -> memref<16384xf32, #tpu.memory_space<vmem>>
      %dma_start3A_234 = arith.constant 512 : i32
      %dma_start3A_235 = tpu.memref_slice %arg2[%add3A_229, %dma_start3A_234] : memref<2048x17408xf32, #tpu.memory_space<hbm>> -> memref<1x16384xf32, #tpu.memory_space<hbm>>
      %dma_start3A_236 = tpu.memref_squeeze %dma_start3A_235 : memref<1x16384xf32, #tpu.memory_space<hbm>> -> memref<16384xf32, #tpu.memory_space<hbm>>
      %dma_start3A_237 = arith.constant 0 : i32
      %dma_start3A_238 = tpu.memref_slice %arg5[%dma_start3A_230, %dma_start3A_237] : memref<2x16384xf32, #tpu.memory_space<vmem>> -> memref<1x16384xf32, #tpu.memory_space<vmem>>
      %dma_start3A_239 = tpu.memref_squeeze %dma_start3A_238 : memref<1x16384xf32, #tpu.memory_space<vmem>> -> memref<16384xf32, #tpu.memory_space<vmem>>
      %dma_start3A_240 = arith.constant 512 : i32
      %dma_start3A_241 = tpu.memref_slice %arg2[%add3A_229, %dma_start3A_240] : memref<2048x17408xf32, #tpu.memory_space<hbm>> -> memref<1x16384xf32, #tpu.memory_space<hbm>>
      %dma_start3A_242 = tpu.memref_squeeze %dma_start3A_241 : memref<1x16384xf32, #tpu.memory_space<hbm>> -> memref<16384xf32, #tpu.memory_space<hbm>>
      tpu.enqueue_dma source(%dma_start3A_242 : memref<16384xf32, #tpu.memory_space<hbm>>) target(%dma_start3A_239 : memref<16384xf32, #tpu.memory_space<vmem>>) target_semaphore(%arg9 : memref<!tpu.dma_semaphore, #tpu.memory_space<semaphore_mem>>)
    }
    %scan3A_43 = arith.constant 15 : i32
    %add3A_44 = arith.constant 32 : i32
    %add3A_45 = arith.addi %mul3A_2, %add3A_44 : i32
    %sub3A = arith.constant 2 : i32
    %sub3A_46 = arith.subi %add3A_45, %sub3A : i32
    %add3A_47 = arith.constant 0 : i32
    %add3A_48 = arith.addi %sub3A_46, %add3A_47 : i32
    %dma_wait3A_49 = arith.constant 0 : i32
    %dma_wait3A_50 = arith.constant 0 : i32
    %dma_wait3A_51 = tpu.memref_slice %arg5[%dma_wait3A_49, %dma_wait3A_50] : memref<2x16384xf32, #tpu.memory_space<vmem>> -> memref<1x16384xf32, #tpu.memory_space<vmem>>
    %dma_wait3A_52 = tpu.memref_squeeze %dma_wait3A_51 : memref<1x16384xf32, #tpu.memory_space<vmem>> -> memref<16384xf32, #tpu.memory_space<vmem>>
    %dma_wait3A_53 = arith.constant 512 : i32
    %dma_wait3A_54 = tpu.memref_slice %arg2[%add3A_48, %dma_wait3A_53] : memref<2048x17408xf32, #tpu.memory_space<hbm>> -> memref<1x16384xf32, #tpu.memory_space<hbm>>
    %dma_wait3A_55 = tpu.memref_squeeze %dma_wait3A_54 : memref<1x16384xf32, #tpu.memory_space<hbm>> -> memref<16384xf32, #tpu.memory_space<hbm>>
    %dma_wait3A_56 = arith.constant 0 : i32
    %dma_wait3A_57 = tpu.memref_slice %arg5[%dma_wait3A_49, %dma_wait3A_56] : memref<2x16384xf32, #tpu.memory_space<vmem>> -> memref<1x16384xf32, #tpu.memory_space<vmem>>
    %dma_wait3A_58 = tpu.memref_squeeze %dma_wait3A_57 : memref<1x16384xf32, #tpu.memory_space<vmem>> -> memref<16384xf32, #tpu.memory_space<vmem>>
    %dma_wait3A_59 = arith.constant 512 : i32
    %dma_wait3A_60 = tpu.memref_slice %arg2[%add3A_48, %dma_wait3A_59] : memref<2048x17408xf32, #tpu.memory_space<hbm>> -> memref<1x16384xf32, #tpu.memory_space<hbm>>
    %dma_wait3A_61 = tpu.memref_squeeze %dma_wait3A_60 : memref<1x16384xf32, #tpu.memory_space<hbm>> -> memref<16384xf32, #tpu.memory_space<hbm>>
    tpu.wait_dma2 semaphore(%arg8 : memref<!tpu.dma_semaphore, #tpu.memory_space<semaphore_mem>>) src(%dma_wait3A_61 : memref<16384xf32, #tpu.memory_space<hbm>>) dst(%dma_wait3A_58 : memref<16384xf32, #tpu.memory_space<vmem>>)
    %broadcast_in_dim3A = arith.constant 0.000000e+00 : f32
    %broadcast_in_dim3A_62 = vector.broadcast %broadcast_in_dim3A : f32 to vector<16xf32>
    %scan3A_63 = arith.constant 0 : i32
    %scan3A_64 = arith.constant 0 : i32
    %scan3A_65 = arith.constant 32 : i32
    %scan3A_66 = arith.addi %scan3A_64, %scan3A_65 : i32
    %scan3A_67 = arith.constant 1 : i32
    %scan3A_68:4 = scf.for %scan3A_125 = %scan3A_64 to %scan3A_66 step %scan3A_67 iter_args(%scan3A_126 = %broadcast_in_dim3A_62, %scan3A_127 = %broadcast_in_dim3A_62, %scan3A_128 = %broadcast_in_dim3A_62, %scan3A_129 = %broadcast_in_dim3A_62) -> (vector<16xf32>, vector<16xf32>, vector<16xf32>, vector<16xf32>)  : i32 {
      %mul3A_130 = arith.constant 16 : i32
      %mul3A_131 = arith.muli %scan3A_125, %mul3A_130 : i32
      %get3A = arith.constant 30 : i32
      %get3A_132 = arith.index_cast %get3A : i32 to index
      %get3A_133 = arith.index_cast %mul3A_131 : i32 to index
      %get3A_134 = tpu.vector_load %arg6[%get3A_132, %get3A_133] {strides = array<i32>} : memref<32x512xf32, #tpu.memory_space<vmem>>, vector<1x16xf32>,
      %get3A_135 = vector.shape_cast %get3A_134 : vector<1x16xf32> to vector<16xf32>
      %slice3A = vector.extract_strided_slice %get3A_135 {offsets = [0], sizes = [1], strides = [1]} : vector<16xf32> to vector<1xf32>
      %squeeze3A = vector.extract %slice3A[0] : f32 from vector<1xf32>
      %mul3A_136 = arith.constant 16 : i32
      %mul3A_137 = arith.muli %scan3A_125, %mul3A_136 : i32
      %add3A_138 = arith.constant 0 : i32
      %add3A_139 = arith.addi %mul3A_137, %add3A_138 : i32
      %mul3A_140 = arith.constant 32 : i32
      %mul3A_141 = arith.muli %add3A_139, %mul3A_140 : i32
      %get3A_142 = arith.constant 0 : i32
      %get3A_143 = tpu.memref_slice %arg5[%scan3A_63, %get3A_142] : memref<2x16384xf32, #tpu.memory_space<vmem>> -> memref<1x16384xf32, #tpu.memory_space<vmem>>
      %get3A_144 = tpu.memref_squeeze %get3A_143 : memref<1x16384xf32, #tpu.memory_space<vmem>> -> memref<16384xf32, #tpu.memory_space<vmem>>
      %get3A_145 = arith.index_cast %mul3A_141 : i32 to index
      %get3A_146 = tpu.vector_load %get3A_144[%get3A_145] {strides = array<i32>} : memref<16384xf32, #tpu.memory_space<vmem>>, vector<16xf32>,
      %get3A_147 = vector.shape_cast %get3A_146 : vector<16xf32> to vector<16xf32>
      %mul3A_148 = vector.broadcast %squeeze3A : f32 to vector<16xf32>
      %mul3A_149 = arith.mulf %mul3A_148, %get3A_147 : vector<16xf32>
      %add3A_150 = arith.addf %scan3A_126, %mul3A_149 : vector<16xf32>
      %add3A_151 = arith.constant 16 : i32
      %add3A_152 = arith.addi %mul3A_141, %add3A_151 : i32
      %get3A_153 = arith.constant 0 : i32
      %get3A_154 = tpu.memref_slice %arg5[%scan3A_63, %get3A_153] : memref<2x16384xf32, #tpu.memory_space<vmem>> -> memref<1x16384xf32, #tpu.memory_space<vmem>>
      %get3A_155 = tpu.memref_squeeze %get3A_154 : memref<1x16384xf32, #tpu.memory_space<vmem>> -> memref<16384xf32, #tpu.memory_space<vmem>>
      %get3A_156 = arith.index_cast %add3A_152 : i32 to index
      %get3A_157 = tpu.vector_load %get3A_155[%get3A_156] {strides = array<i32>} : memref<16384xf32, #tpu.memory_space<vmem>>, vector<16xf32>,
      %get3A_158 = vector.shape_cast %get3A_157 : vector<16xf32> to vector<16xf32>
      %mul3A_159 = vector.broadcast %squeeze3A : f32 to vector<16xf32>
      %mul3A_160 = arith.mulf %mul3A_159, %get3A_158 : vector<16xf32>
      %add3A_161 = arith.addf %scan3A_127, %mul3A_160 : vector<16xf32>
      %slice3A_162 = vector.extract_strided_slice %get3A_135 {offsets = [1], sizes = [1], strides = [1]} : vector<16xf32> to vector<1xf32>
      %squeeze3A_163 = vector.extract %slice3A_162[0] : f32 from vector<1xf32>
      %mul3A_164 = arith.constant 16 : i32
      %mul3A_165 = arith.muli %scan3A_125, %mul3A_164 : i32
      %add3A_166 = arith.constant 1 : i32
      %add3A_167 = arith.addi %mul3A_165, %add3A_166 : i32
      %mul3A_168 = arith.constant 32 : i32
      %mul3A_169 = arith.muli %add3A_167, %mul3A_168 : i32
      %get3A_170 = arith.constant 0 : i32
      %get3A_171 = tpu.memref_slice %arg5[%scan3A_63, %get3A_170] : memref<2x16384xf32, #tpu.memory_space<vmem>> -> memref<1x16384xf32, #tpu.memory_space<vmem>>
      %get3A_172 = tpu.memref_squeeze %get3A_171 : memref<1x16384xf32, #tpu.memory_space<vmem>> -> memref<16384xf32, #tpu.memory_space<vmem>>
      %get3A_173 = arith.index_cast %mul3A_169 : i32 to index
      %get3A_174 = tpu.vector_load %get3A_172[%get3A_173] {strides = array<i32>} : memref<16384xf32, #tpu.memory_space<vmem>>, vector<16xf32>,
      %get3A_175 = vector.shape_cast %get3A_174 : vector<16xf32> to vector<16xf32>
      %mul3A_176 = vector.broadcast %squeeze3A_163 : f32 to vector<16xf32>
      %mul3A_177 = arith.mulf %mul3A_176, %get3A_175 : vector<16xf32>
      %add3A_178 = arith.addf %scan3A_128, %mul3A_177 : vector<16xf32>
      %add3A_179 = arith.constant 16 : i32
      %add3A_180 = arith.addi %mul3A_169, %add3A_179 : i32
      %get3A_181 = arith.constant 0 : i32
      %get3A_182 = tpu.memref_slice %arg5[%scan3A_63, %get3A_181] : memref<2x16384xf32, #tpu.memory_space<vmem>> -> memref<1x16384xf32, #tpu.memory_space<vmem>>
      %get3A_183 = tpu.memref_squeeze %get3A_182 : memref<1x16384xf32, #tpu.memory_space<vmem>> -> memref<16384xf32, #tpu.memory_space<vmem>>
      %get3A_184 = arith.index_cast %add3A_180 : i32 to index
      %get3A_185 = tpu.vector_load %get3A_183[%get3A_184] {strides = array<i32>} : memref<16384xf32, #tpu.memory_space<vmem>>, vector<16xf32>,
      %get3A_186 = vector.shape_cast %get3A_185 : vector<16xf32> to vector<16xf32>
      %mul3A_187 = vector.broadcast %squeeze3A_163 : f32 to vector<16xf32>
      %mul3A_188 = arith.mulf %mul3A_187, %get3A_186 : vector<16xf32>
      %add3A_189 = arith.addf %scan3A_129, %mul3A_188 : vector<16xf32>
      %slice3A_190 = vector.extract_strided_slice %get3A_135 {offsets = [2], sizes = [1], strides = [1]} : vector<16xf32> to vector<1xf32>
      %squeeze3A_191 = vector.extract %slice3A_190[0] : f32 from vector<1xf32>
      %mul3A_192 = arith.constant 16 : i32
      %mul3A_193 = arith.muli %scan3A_125, %mul3A_192 : i32
      %add3A_194 = arith.constant 2 : i32
      %add3A_195 = arith.addi %mul3A_193, %add3A_194 : i32
      %mul3A_196 = arith.constant 32 : i32
      %mul3A_197 = arith.muli %add3A_195, %mul3A_196 : i32
      %get3A_198 = arith.constant 0 : i32
      %get3A_199 = tpu.memref_slice %arg5[%scan3A_63, %get3A_198] : memref<2x16384xf32, #tpu.memory_space<vmem>> -> memref<1x16384xf32, #tpu.memory_space<vmem>>
      %get3A_200 = tpu.memref_squeeze %get3A_199 : memref<1x16384xf32, #tpu.memory_space<vmem>> -> memref<16384xf32, #tpu.memory_space<vmem>>
      %get3A_201 = arith.index_cast %mul3A_197 : i32 to index
      %get3A_202 = tpu.vector_load %get3A_200[%get3A_201] {strides = array<i32>} : memref<16384xf32, #tpu.memory_space<vmem>>, vector<16xf32>,
      %get3A_203 = vector.shape_cast %get3A_202 : vector<16xf32> to vector<16xf32>
      %mul3A_204 = vector.broadcast %squeeze3A_191 : f32 to vector<16xf32>
      %mul3A_205 = arith.mulf %mul3A_204, %get3A_203 : vector<16xf32>
      %add3A_206 = arith.addf %add3A_150, %mul3A_205 : vector<16xf32>
      %add3A_207 = arith.constant 16 : i32
      %add3A_208 = arith.addi %mul3A_197, %add3A_207 : i32
      %get3A_209 = arith.constant 0 : i32
      %get3A_210 = tpu.memref_slice %arg5[%scan3A_63, %get3A_209] : memref<2x16384xf32, #tpu.memory_space<vmem>> -> memref<1x16384xf32, #tpu.memory_space<vmem>>
      %get3A_211 = tpu.memref_squeeze %get3A_210 : memref<1x16384xf32, #tpu.memory_space<vmem>> -> memref<16384xf32, #tpu.memory_space<vmem>>
      %get3A_212 = arith.index_cast %add3A_208 : i32 to index
      %get3A_213 = tpu.vector_load %get3A_211[%get3A_212] {strides = array<i32>} : memref<16384xf32, #tpu.memory_space<vmem>>, vector<16xf32>,
      %get3A_214 = vector.shape_cast %get3A_213 : vector<16xf32> to vector<16xf32>
      %mul3A_215 = vector.broadcast %squeeze3A_191 : f32 to vector<16xf32>
      %mul3A_216 = arith.mulf %mul3A_215, %get3A_214 : vector<16xf32>
      %add3A_217 = arith.addf %add3A_161, %mul3A_216 : vector<16xf32>
      %slice3A_218 = vector.extract_strided_slice %get3A_135 {offsets = [3], sizes = [1], strides = [1]} : vector<16xf32> to vector<1xf32>
      %squeeze3A_219 = vector.extract %slice3A_218[0] : f32 from vector<1xf32>
      %mul3A_220 = arith.constant 16 : i32
      %mul3A_221 = arith.muli %scan3A_125, %mul3A_220 : i32
      %add3A_222 = arith.constant 3 : i32
      %add3A_223 = arith.addi %mul3A_221, %add3A_222 : i32
      %mul3A_224 = arith.constant 32 : i32
      %mul3A_225 = arith.muli %add3A_223, %mul3A_224 : i32
      %get3A_226 = arith.constant 0 : i32
      %get3A_227 = tpu.memref_slice %arg5[%scan3A_63, %get3A_226] : memref<2x16384xf32, #tpu.memory_space<vmem>> -> memref<1x16384xf32, #tpu.memory_space<vmem>>
      %get3A_228 = tpu.memref_squeeze %get3A_227 : memref<1x16384xf32, #tpu.memory_space<vmem>> -> memref<16384xf32, #tpu.memory_space<vmem>>
      %get3A_229 = arith.index_cast %mul3A_225 : i32 to index
      %get3A_230 = tpu.vector_load %get3A_228[%get3A_229] {strides = array<i32>} : memref<16384xf32, #tpu.memory_space<vmem>>, vector<16xf32>,
      %get3A_231 = vector.shape_cast %get3A_230 : vector<16xf32> to vector<16xf32>
      %mul3A_232 = vector.broadcast %squeeze3A_219 : f32 to vector<16xf32>
      %mul3A_233 = arith.mulf %mul3A_232, %get3A_231 : vector<16xf32>
      %add3A_234 = arith.addf %add3A_178, %mul3A_233 : vector<16xf32>
      %add3A_235 = arith.constant 16 : i32
      %add3A_236 = arith.addi %mul3A_225, %add3A_235 : i32
      %get3A_237 = arith.constant 0 : i32
      %get3A_238 = tpu.memref_slice %arg5[%scan3A_63, %get3A_237] : memref<2x16384xf32, #tpu.memory_space<vmem>> -> memref<1x16384xf32, #tpu.memory_space<vmem>>
      %get3A_239 = tpu.memref_squeeze %get3A_238 : memref<1x16384xf32, #tpu.memory_space<vmem>> -> memref<16384xf32, #tpu.memory_space<vmem>>
      %get3A_240 = arith.index_cast %add3A_236 : i32 to index
      %get3A_241 = tpu.vector_load %get3A_239[%get3A_240] {strides = array<i32>} : memref<16384xf32, #tpu.memory_space<vmem>>, vector<16xf32>,
      %get3A_242 = vector.shape_cast %get3A_241 : vector<16xf32> to vector<16xf32>
      %mul3A_243 = vector.broadcast %squeeze3A_219 : f32 to vector<16xf32>
      %mul3A_244 = arith.mulf %mul3A_243, %get3A_242 : vector<16xf32>
      %add3A_245 = arith.addf %add3A_189, %mul3A_244 : vector<16xf32>
      %slice3A_246 = vector.extract_strided_slice %get3A_135 {offsets = [4], sizes = [1], strides = [1]} : vector<16xf32> to vector<1xf32>
      %squeeze3A_247 = vector.extract %slice3A_246[0] : f32 from vector<1xf32>
      %mul3A_248 = arith.constant 16 : i32
      %mul3A_249 = arith.muli %scan3A_125, %mul3A_248 : i32
      %add3A_250 = arith.constant 4 : i32
      %add3A_251 = arith.addi %mul3A_249, %add3A_250 : i32
      %mul3A_252 = arith.constant 32 : i32
      %mul3A_253 = arith.muli %add3A_251, %mul3A_252 : i32
      %get3A_254 = arith.constant 0 : i32
      %get3A_255 = tpu.memref_slice %arg5[%scan3A_63, %get3A_254] : memref<2x16384xf32, #tpu.memory_space<vmem>> -> memref<1x16384xf32, #tpu.memory_space<vmem>>
      %get3A_256 = tpu.memref_squeeze %get3A_255 : memref<1x16384xf32, #tpu.memory_space<vmem>> -> memref<16384xf32, #tpu.memory_space<vmem>>
      %get3A_257 = arith.index_cast %mul3A_253 : i32 to index
      %get3A_258 = tpu.vector_load %get3A_256[%get3A_257] {strides = array<i32>} : memref<16384xf32, #tpu.memory_space<vmem>>, vector<16xf32>,
      %get3A_259 = vector.shape_cast %get3A_258 : vector<16xf32> to vector<16xf32>
      %mul3A_260 = vector.broadcast %squeeze3A_247 : f32 to vector<16xf32>
      %mul3A_261 = arith.mulf %mul3A_260, %get3A_259 : vector<16xf32>
      %add3A_262 = arith.addf %add3A_206, %mul3A_261 : vector<16xf32>
      %add3A_263 = arith.constant 16 : i32
      %add3A_264 = arith.addi %mul3A_253, %add3A_263 : i32
      %get3A_265 = arith.constant 0 : i32
      %get3A_266 = tpu.memref_slice %arg5[%scan3A_63, %get3A_265] : memref<2x16384xf32, #tpu.memory_space<vmem>> -> memref<1x16384xf32, #tpu.memory_space<vmem>>
      %get3A_267 = tpu.memref_squeeze %get3A_266 : memref<1x16384xf32, #tpu.memory_space<vmem>> -> memref<16384xf32, #tpu.memory_space<vmem>>
      %get3A_268 = arith.index_cast %add3A_264 : i32 to index
      %get3A_269 = tpu.vector_load %get3A_267[%get3A_268] {strides = array<i32>} : memref<16384xf32, #tpu.memory_space<vmem>>, vector<16xf32>,
      %get3A_270 = vector.shape_cast %get3A_269 : vector<16xf32> to vector<16xf32>
      %mul3A_271 = vector.broadcast %squeeze3A_247 : f32 to vector<16xf32>
      %mul3A_272 = arith.mulf %mul3A_271, %get3A_270 : vector<16xf32>
      %add3A_273 = arith.addf %add3A_217, %mul3A_272 : vector<16xf32>
      %slice3A_274 = vector.extract_strided_slice %get3A_135 {offsets = [5], sizes = [1], strides = [1]} : vector<16xf32> to vector<1xf32>
      %squeeze3A_275 = vector.extract %slice3A_274[0] : f32 from vector<1xf32>
      %mul3A_276 = arith.constant 16 : i32
      %mul3A_277 = arith.muli %scan3A_125, %mul3A_276 : i32
      %add3A_278 = arith.constant 5 : i32
      %add3A_279 = arith.addi %mul3A_277, %add3A_278 : i32
      %mul3A_280 = arith.constant 32 : i32
      %mul3A_281 = arith.muli %add3A_279, %mul3A_280 : i32
      %get3A_282 = arith.constant 0 : i32
      %get3A_283 = tpu.memref_slice %arg5[%scan3A_63, %get3A_282] : memref<2x16384xf32, #tpu.memory_space<vmem>> -> memref<1x16384xf32, #tpu.memory_space<vmem>>
      %get3A_284 = tpu.memref_squeeze %get3A_283 : memref<1x16384xf32, #tpu.memory_space<vmem>> -> memref<16384xf32, #tpu.memory_space<vmem>>
      %get3A_285 = arith.index_cast %mul3A_281 : i32 to index
      %get3A_286 = tpu.vector_load %get3A_284[%get3A_285] {strides = array<i32>} : memref<16384xf32, #tpu.memory_space<vmem>>, vector<16xf32>,
      %get3A_287 = vector.shape_cast %get3A_286 : vector<16xf32> to vector<16xf32>
      %mul3A_288 = vector.broadcast %squeeze3A_275 : f32 to vector<16xf32>
      %mul3A_289 = arith.mulf %mul3A_288, %get3A_287 : vector<16xf32>
      %add3A_290 = arith.addf %add3A_234, %mul3A_289 : vector<16xf32>
      %add3A_291 = arith.constant 16 : i32
      %add3A_292 = arith.addi %mul3A_281, %add3A_291 : i32
      %get3A_293 = arith.constant 0 : i32
      %get3A_294 = tpu.memref_slice %arg5[%scan3A_63, %get3A_293] : memref<2x16384xf32, #tpu.memory_space<vmem>> -> memref<1x16384xf32, #tpu.memory_space<vmem>>
      %get3A_295 = tpu.memref_squeeze %get3A_294 : memref<1x16384xf32, #tpu.memory_space<vmem>> -> memref<16384xf32, #tpu.memory_space<vmem>>
      %get3A_296 = arith.index_cast %add3A_292 : i32 to index
      %get3A_297 = tpu.vector_load %get3A_295[%get3A_296] {strides = array<i32>} : memref<16384xf32, #tpu.memory_space<vmem>>, vector<16xf32>,
      %get3A_298 = vector.shape_cast %get3A_297 : vector<16xf32> to vector<16xf32>
      %mul3A_299 = vector.broadcast %squeeze3A_275 : f32 to vector<16xf32>
      %mul3A_300 = arith.mulf %mul3A_299, %get3A_298 : vector<16xf32>
      %add3A_301 = arith.addf %add3A_245, %mul3A_300 : vector<16xf32>
      %slice3A_302 = vector.extract_strided_slice %get3A_135 {offsets = [6], sizes = [1], strides = [1]} : vector<16xf32> to vector<1xf32>
      %squeeze3A_303 = vector.extract %slice3A_302[0] : f32 from vector<1xf32>
      %mul3A_304 = arith.constant 16 : i32
      %mul3A_305 = arith.muli %scan3A_125, %mul3A_304 : i32
      %add3A_306 = arith.constant 6 : i32
      %add3A_307 = arith.addi %mul3A_305, %add3A_306 : i32
      %mul3A_308 = arith.constant 32 : i32
      %mul3A_309 = arith.muli %add3A_307, %mul3A_308 : i32
      %get3A_310 = arith.constant 0 : i32
      %get3A_311 = tpu.memref_slice %arg5[%scan3A_63, %get3A_310] : memref<2x16384xf32, #tpu.memory_space<vmem>> -> memref<1x16384xf32, #tpu.memory_space<vmem>>
      %get3A_312 = tpu.memref_squeeze %get3A_311 : memref<1x16384xf32, #tpu.memory_space<vmem>> -> memref<16384xf32, #tpu.memory_space<vmem>>
      %get3A_313 = arith.index_cast %mul3A_309 : i32 to index
      %get3A_314 = tpu.vector_load %get3A_312[%get3A_313] {strides = array<i32>} : memref<16384xf32, #tpu.memory_space<vmem>>, vector<16xf32>,
      %get3A_315 = vector.shape_cast %get3A_314 : vector<16xf32> to vector<16xf32>
      %mul3A_316 = vector.broadcast %squeeze3A_303 : f32 to vector<16xf32>
      %mul3A_317 = arith.mulf %mul3A_316, %get3A_315 : vector<16xf32>
      %add3A_318 = arith.addf %add3A_262, %mul3A_317 : vector<16xf32>
      %add3A_319 = arith.constant 16 : i32
      %add3A_320 = arith.addi %mul3A_309, %add3A_319 : i32
      %get3A_321 = arith.constant 0 : i32
      %get3A_322 = tpu.memref_slice %arg5[%scan3A_63, %get3A_321] : memref<2x16384xf32, #tpu.memory_space<vmem>> -> memref<1x16384xf32, #tpu.memory_space<vmem>>
      %get3A_323 = tpu.memref_squeeze %get3A_322 : memref<1x16384xf32, #tpu.memory_space<vmem>> -> memref<16384xf32, #tpu.memory_space<vmem>>
      %get3A_324 = arith.index_cast %add3A_320 : i32 to index
      %get3A_325 = tpu.vector_load %get3A_323[%get3A_324] {strides = array<i32>} : memref<16384xf32, #tpu.memory_space<vmem>>, vector<16xf32>,
      %get3A_326 = vector.shape_cast %get3A_325 : vector<16xf32> to vector<16xf32>
      %mul3A_327 = vector.broadcast %squeeze3A_303 : f32 to vector<16xf32>
      %mul3A_328 = arith.mulf %mul3A_327, %get3A_326 : vector<16xf32>
      %add3A_329 = arith.addf %add3A_273, %mul3A_328 : vector<16xf32>
      %slice3A_330 = vector.extract_strided_slice %get3A_135 {offsets = [7], sizes = [1], strides = [1]} : vector<16xf32> to vector<1xf32>
      %squeeze3A_331 = vector.extract %slice3A_330[0] : f32 from vector<1xf32>
      %mul3A_332 = arith.constant 16 : i32
      %mul3A_333 = arith.muli %scan3A_125, %mul3A_332 : i32
      %add3A_334 = arith.constant 7 : i32
      %add3A_335 = arith.addi %mul3A_333, %add3A_334 : i32
      %mul3A_336 = arith.constant 32 : i32
      %mul3A_337 = arith.muli %add3A_335, %mul3A_336 : i32
      %get3A_338 = arith.constant 0 : i32
      %get3A_339 = tpu.memref_slice %arg5[%scan3A_63, %get3A_338] : memref<2x16384xf32, #tpu.memory_space<vmem>> -> memref<1x16384xf32, #tpu.memory_space<vmem>>
      %get3A_340 = tpu.memref_squeeze %get3A_339 : memref<1x16384xf32, #tpu.memory_space<vmem>> -> memref<16384xf32, #tpu.memory_space<vmem>>
      %get3A_341 = arith.index_cast %mul3A_337 : i32 to index
      %get3A_342 = tpu.vector_load %get3A_340[%get3A_341] {strides = array<i32>} : memref<16384xf32, #tpu.memory_space<vmem>>, vector<16xf32>,
      %get3A_343 = vector.shape_cast %get3A_342 : vector<16xf32> to vector<16xf32>
      %mul3A_344 = vector.broadcast %squeeze3A_331 : f32 to vector<16xf32>
      %mul3A_345 = arith.mulf %mul3A_344, %get3A_343 : vector<16xf32>
      %add3A_346 = arith.addf %add3A_290, %mul3A_345 : vector<16xf32>
      %add3A_347 = arith.constant 16 : i32
      %add3A_348 = arith.addi %mul3A_337, %add3A_347 : i32
      %get3A_349 = arith.constant 0 : i32
      %get3A_350 = tpu.memref_slice %arg5[%scan3A_63, %get3A_349] : memref<2x16384xf32, #tpu.memory_space<vmem>> -> memref<1x16384xf32, #tpu.memory_space<vmem>>
      %get3A_351 = tpu.memref_squeeze %get3A_350 : memref<1x16384xf32, #tpu.memory_space<vmem>> -> memref<16384xf32, #tpu.memory_space<vmem>>
      %get3A_352 = arith.index_cast %add3A_348 : i32 to index
      %get3A_353 = tpu.vector_load %get3A_351[%get3A_352] {strides = array<i32>} : memref<16384xf32, #tpu.memory_space<vmem>>, vector<16xf32>,
      %get3A_354 = vector.shape_cast %get3A_353 : vector<16xf32> to vector<16xf32>
      %mul3A_355 = vector.broadcast %squeeze3A_331 : f32 to vector<16xf32>
      %mul3A_356 = arith.mulf %mul3A_355, %get3A_354 : vector<16xf32>
      %add3A_357 = arith.addf %add3A_301, %mul3A_356 : vector<16xf32>
      %slice3A_358 = vector.extract_strided_slice %get3A_135 {offsets = [8], sizes = [1], strides = [1]} : vector<16xf32> to vector<1xf32>
      %squeeze3A_359 = vector.extract %slice3A_358[0] : f32 from vector<1xf32>
      %mul3A_360 = arith.constant 16 : i32
      %mul3A_361 = arith.muli %scan3A_125, %mul3A_360 : i32
      %add3A_362 = arith.constant 8 : i32
      %add3A_363 = arith.addi %mul3A_361, %add3A_362 : i32
      %mul3A_364 = arith.constant 32 : i32
      %mul3A_365 = arith.muli %add3A_363, %mul3A_364 : i32
      %get3A_366 = arith.constant 0 : i32
      %get3A_367 = tpu.memref_slice %arg5[%scan3A_63, %get3A_366] : memref<2x16384xf32, #tpu.memory_space<vmem>> -> memref<1x16384xf32, #tpu.memory_space<vmem>>
      %get3A_368 = tpu.memref_squeeze %get3A_367 : memref<1x16384xf32, #tpu.memory_space<vmem>> -> memref<16384xf32, #tpu.memory_space<vmem>>
      %get3A_369 = arith.index_cast %mul3A_365 : i32 to index
      %get3A_370 = tpu.vector_load %get3A_368[%get3A_369] {strides = array<i32>} : memref<16384xf32, #tpu.memory_space<vmem>>, vector<16xf32>,
      %get3A_371 = vector.shape_cast %get3A_370 : vector<16xf32> to vector<16xf32>
      %mul3A_372 = vector.broadcast %squeeze3A_359 : f32 to vector<16xf32>
      %mul3A_373 = arith.mulf %mul3A_372, %get3A_371 : vector<16xf32>
      %add3A_374 = arith.addf %add3A_318, %mul3A_373 : vector<16xf32>
      %add3A_375 = arith.constant 16 : i32
      %add3A_376 = arith.addi %mul3A_365, %add3A_375 : i32
      %get3A_377 = arith.constant 0 : i32
      %get3A_378 = tpu.memref_slice %arg5[%scan3A_63, %get3A_377] : memref<2x16384xf32, #tpu.memory_space<vmem>> -> memref<1x16384xf32, #tpu.memory_space<vmem>>
      %get3A_379 = tpu.memref_squeeze %get3A_378 : memref<1x16384xf32, #tpu.memory_space<vmem>> -> memref<16384xf32, #tpu.memory_space<vmem>>
      %get3A_380 = arith.index_cast %add3A_376 : i32 to index
      %get3A_381 = tpu.vector_load %get3A_379[%get3A_380] {strides = array<i32>} : memref<16384xf32, #tpu.memory_space<vmem>>, vector<16xf32>,
      %get3A_382 = vector.shape_cast %get3A_381 : vector<16xf32> to vector<16xf32>
      %mul3A_383 = vector.broadcast %squeeze3A_359 : f32 to vector<16xf32>
      %mul3A_384 = arith.mulf %mul3A_383, %get3A_382 : vector<16xf32>
      %add3A_385 = arith.addf %add3A_329, %mul3A_384 : vector<16xf32>
      %slice3A_386 = vector.extract_strided_slice %get3A_135 {offsets = [9], sizes = [1], strides = [1]} : vector<16xf32> to vector<1xf32>
      %squeeze3A_387 = vector.extract %slice3A_386[0] : f32 from vector<1xf32>
      %mul3A_388 = arith.constant 16 : i32
      %mul3A_389 = arith.muli %scan3A_125, %mul3A_388 : i32
      %add3A_390 = arith.constant 9 : i32
      %add3A_391 = arith.addi %mul3A_389, %add3A_390 : i32
      %mul3A_392 = arith.constant 32 : i32
      %mul3A_393 = arith.muli %add3A_391, %mul3A_392 : i32
      %get3A_394 = arith.constant 0 : i32
      %get3A_395 = tpu.memref_slice %arg5[%scan3A_63, %get3A_394] : memref<2x16384xf32, #tpu.memory_space<vmem>> -> memref<1x16384xf32, #tpu.memory_space<vmem>>
      %get3A_396 = tpu.memref_squeeze %get3A_395 : memref<1x16384xf32, #tpu.memory_space<vmem>> -> memref<16384xf32, #tpu.memory_space<vmem>>
      %get3A_397 = arith.index_cast %mul3A_393 : i32 to index
      %get3A_398 = tpu.vector_load %get3A_396[%get3A_397] {strides = array<i32>} : memref<16384xf32, #tpu.memory_space<vmem>>, vector<16xf32>,
      %get3A_399 = vector.shape_cast %get3A_398 : vector<16xf32> to vector<16xf32>
      %mul3A_400 = vector.broadcast %squeeze3A_387 : f32 to vector<16xf32>
      %mul3A_401 = arith.mulf %mul3A_400, %get3A_399 : vector<16xf32>
      %add3A_402 = arith.addf %add3A_346, %mul3A_401 : vector<16xf32>
      %add3A_403 = arith.constant 16 : i32
      %add3A_404 = arith.addi %mul3A_393, %add3A_403 : i32
      %get3A_405 = arith.constant 0 : i32
      %get3A_406 = tpu.memref_slice %arg5[%scan3A_63, %get3A_405] : memref<2x16384xf32, #tpu.memory_space<vmem>> -> memref<1x16384xf32, #tpu.memory_space<vmem>>
      %get3A_407 = tpu.memref_squeeze %get3A_406 : memref<1x16384xf32, #tpu.memory_space<vmem>> -> memref<16384xf32, #tpu.memory_space<vmem>>
      %get3A_408 = arith.index_cast %add3A_404 : i32 to index
      %get3A_409 = tpu.vector_load %get3A_407[%get3A_408] {strides = array<i32>} : memref<16384xf32, #tpu.memory_space<vmem>>, vector<16xf32>,
      %get3A_410 = vector.shape_cast %get3A_409 : vector<16xf32> to vector<16xf32>
      %mul3A_411 = vector.broadcast %squeeze3A_387 : f32 to vector<16xf32>
      %mul3A_412 = arith.mulf %mul3A_411, %get3A_410 : vector<16xf32>
      %add3A_413 = arith.addf %add3A_357, %mul3A_412 : vector<16xf32>
      %slice3A_414 = vector.extract_strided_slice %get3A_135 {offsets = [10], sizes = [1], strides = [1]} : vector<16xf32> to vector<1xf32>
      %squeeze3A_415 = vector.extract %slice3A_414[0] : f32 from vector<1xf32>
      %mul3A_416 = arith.constant 16 : i32
      %mul3A_417 = arith.muli %scan3A_125, %mul3A_416 : i32
      %add3A_418 = arith.constant 10 : i32
      %add3A_419 = arith.addi %mul3A_417, %add3A_418 : i32
      %mul3A_420 = arith.constant 32 : i32
      %mul3A_421 = arith.muli %add3A_419, %mul3A_420 : i32
      %get3A_422 = arith.constant 0 : i32
      %get3A_423 = tpu.memref_slice %arg5[%scan3A_63, %get3A_422] : memref<2x16384xf32, #tpu.memory_space<vmem>> -> memref<1x16384xf32, #tpu.memory_space<vmem>>
      %get3A_424 = tpu.memref_squeeze %get3A_423 : memref<1x16384xf32, #tpu.memory_space<vmem>> -> memref<16384xf32, #tpu.memory_space<vmem>>
      %get3A_425 = arith.index_cast %mul3A_421 : i32 to index
      %get3A_426 = tpu.vector_load %get3A_424[%get3A_425] {strides = array<i32>} : memref<16384xf32, #tpu.memory_space<vmem>>, vector<16xf32>,
      %get3A_427 = vector.shape_cast %get3A_426 : vector<16xf32> to vector<16xf32>
      %mul3A_428 = vector.broadcast %squeeze3A_415 : f32 to vector<16xf32>
      %mul3A_429 = arith.mulf %mul3A_428, %get3A_427 : vector<16xf32>
      %add3A_430 = arith.addf %add3A_374, %mul3A_429 : vector<16xf32>
      %add3A_431 = arith.constant 16 : i32
      %add3A_432 = arith.addi %mul3A_421, %add3A_431 : i32
      %get3A_433 = arith.constant 0 : i32
      %get3A_434 = tpu.memref_slice %arg5[%scan3A_63, %get3A_433] : memref<2x16384xf32, #tpu.memory_space<vmem>> -> memref<1x16384xf32, #tpu.memory_space<vmem>>
      %get3A_435 = tpu.memref_squeeze %get3A_434 : memref<1x16384xf32, #tpu.memory_space<vmem>> -> memref<16384xf32, #tpu.memory_space<vmem>>
      %get3A_436 = arith.index_cast %add3A_432 : i32 to index
      %get3A_437 = tpu.vector_load %get3A_435[%get3A_436] {strides = array<i32>} : memref<16384xf32, #tpu.memory_space<vmem>>, vector<16xf32>,
      %get3A_438 = vector.shape_cast %get3A_437 : vector<16xf32> to vector<16xf32>
      %mul3A_439 = vector.broadcast %squeeze3A_415 : f32 to vector<16xf32>
      %mul3A_440 = arith.mulf %mul3A_439, %get3A_438 : vector<16xf32>
      %add3A_441 = arith.addf %add3A_385, %mul3A_440 : vector<16xf32>
      %slice3A_442 = vector.extract_strided_slice %get3A_135 {offsets = [11], sizes = [1], strides = [1]} : vector<16xf32> to vector<1xf32>
      %squeeze3A_443 = vector.extract %slice3A_442[0] : f32 from vector<1xf32>
      %mul3A_444 = arith.constant 16 : i32
      %mul3A_445 = arith.muli %scan3A_125, %mul3A_444 : i32
      %add3A_446 = arith.constant 11 : i32
      %add3A_447 = arith.addi %mul3A_445, %add3A_446 : i32
      %mul3A_448 = arith.constant 32 : i32
      %mul3A_449 = arith.muli %add3A_447, %mul3A_448 : i32
      %get3A_450 = arith.constant 0 : i32
      %get3A_451 = tpu.memref_slice %arg5[%scan3A_63, %get3A_450] : memref<2x16384xf32, #tpu.memory_space<vmem>> -> memref<1x16384xf32, #tpu.memory_space<vmem>>
      %get3A_452 = tpu.memref_squeeze %get3A_451 : memref<1x16384xf32, #tpu.memory_space<vmem>> -> memref<16384xf32, #tpu.memory_space<vmem>>
      %get3A_453 = arith.index_cast %mul3A_449 : i32 to index
      %get3A_454 = tpu.vector_load %get3A_452[%get3A_453] {strides = array<i32>} : memref<16384xf32, #tpu.memory_space<vmem>>, vector<16xf32>,
      %get3A_455 = vector.shape_cast %get3A_454 : vector<16xf32> to vector<16xf32>
      %mul3A_456 = vector.broadcast %squeeze3A_443 : f32 to vector<16xf32>
      %mul3A_457 = arith.mulf %mul3A_456, %get3A_455 : vector<16xf32>
      %add3A_458 = arith.addf %add3A_402, %mul3A_457 : vector<16xf32>
      %add3A_459 = arith.constant 16 : i32
      %add3A_460 = arith.addi %mul3A_449, %add3A_459 : i32
      %get3A_461 = arith.constant 0 : i32
      %get3A_462 = tpu.memref_slice %arg5[%scan3A_63, %get3A_461] : memref<2x16384xf32, #tpu.memory_space<vmem>> -> memref<1x16384xf32, #tpu.memory_space<vmem>>
      %get3A_463 = tpu.memref_squeeze %get3A_462 : memref<1x16384xf32, #tpu.memory_space<vmem>> -> memref<16384xf32, #tpu.memory_space<vmem>>
      %get3A_464 = arith.index_cast %add3A_460 : i32 to index
      %get3A_465 = tpu.vector_load %get3A_463[%get3A_464] {strides = array<i32>} : memref<16384xf32, #tpu.memory_space<vmem>>, vector<16xf32>,
      %get3A_466 = vector.shape_cast %get3A_465 : vector<16xf32> to vector<16xf32>
      %mul3A_467 = vector.broadcast %squeeze3A_443 : f32 to vector<16xf32>
      %mul3A_468 = arith.mulf %mul3A_467, %get3A_466 : vector<16xf32>
      %add3A_469 = arith.addf %add3A_413, %mul3A_468 : vector<16xf32>
      %slice3A_470 = vector.extract_strided_slice %get3A_135 {offsets = [12], sizes = [1], strides = [1]} : vector<16xf32> to vector<1xf32>
      %squeeze3A_471 = vector.extract %slice3A_470[0] : f32 from vector<1xf32>
      %mul3A_472 = arith.constant 16 : i32
      %mul3A_473 = arith.muli %scan3A_125, %mul3A_472 : i32
      %add3A_474 = arith.constant 12 : i32
      %add3A_475 = arith.addi %mul3A_473, %add3A_474 : i32
      %mul3A_476 = arith.constant 32 : i32
      %mul3A_477 = arith.muli %add3A_475, %mul3A_476 : i32
      %get3A_478 = arith.constant 0 : i32
      %get3A_479 = tpu.memref_slice %arg5[%scan3A_63, %get3A_478] : memref<2x16384xf32, #tpu.memory_space<vmem>> -> memref<1x16384xf32, #tpu.memory_space<vmem>>
      %get3A_480 = tpu.memref_squeeze %get3A_479 : memref<1x16384xf32, #tpu.memory_space<vmem>> -> memref<16384xf32, #tpu.memory_space<vmem>>
      %get3A_481 = arith.index_cast %mul3A_477 : i32 to index
      %get3A_482 = tpu.vector_load %get3A_480[%get3A_481] {strides = array<i32>} : memref<16384xf32, #tpu.memory_space<vmem>>, vector<16xf32>,
      %get3A_483 = vector.shape_cast %get3A_482 : vector<16xf32> to vector<16xf32>
      %mul3A_484 = vector.broadcast %squeeze3A_471 : f32 to vector<16xf32>
      %mul3A_485 = arith.mulf %mul3A_484, %get3A_483 : vector<16xf32>
      %add3A_486 = arith.addf %add3A_430, %mul3A_485 : vector<16xf32>
      %add3A_487 = arith.constant 16 : i32
      %add3A_488 = arith.addi %mul3A_477, %add3A_487 : i32
      %get3A_489 = arith.constant 0 : i32
      %get3A_490 = tpu.memref_slice %arg5[%scan3A_63, %get3A_489] : memref<2x16384xf32, #tpu.memory_space<vmem>> -> memref<1x16384xf32, #tpu.memory_space<vmem>>
      %get3A_491 = tpu.memref_squeeze %get3A_490 : memref<1x16384xf32, #tpu.memory_space<vmem>> -> memref<16384xf32, #tpu.memory_space<vmem>>
      %get3A_492 = arith.index_cast %add3A_488 : i32 to index
      %get3A_493 = tpu.vector_load %get3A_491[%get3A_492] {strides = array<i32>} : memref<16384xf32, #tpu.memory_space<vmem>>, vector<16xf32>,
      %get3A_494 = vector.shape_cast %get3A_493 : vector<16xf32> to vector<16xf32>
      %mul3A_495 = vector.broadcast %squeeze3A_471 : f32 to vector<16xf32>
      %mul3A_496 = arith.mulf %mul3A_495, %get3A_494 : vector<16xf32>
      %add3A_497 = arith.addf %add3A_441, %mul3A_496 : vector<16xf32>
      %slice3A_498 = vector.extract_strided_slice %get3A_135 {offsets = [13], sizes = [1], strides = [1]} : vector<16xf32> to vector<1xf32>
      %squeeze3A_499 = vector.extract %slice3A_498[0] : f32 from vector<1xf32>
      %mul3A_500 = arith.constant 16 : i32
      %mul3A_501 = arith.muli %scan3A_125, %mul3A_500 : i32
      %add3A_502 = arith.constant 13 : i32
      %add3A_503 = arith.addi %mul3A_501, %add3A_502 : i32
      %mul3A_504 = arith.constant 32 : i32
      %mul3A_505 = arith.muli %add3A_503, %mul3A_504 : i32
      %get3A_506 = arith.constant 0 : i32
      %get3A_507 = tpu.memref_slice %arg5[%scan3A_63, %get3A_506] : memref<2x16384xf32, #tpu.memory_space<vmem>> -> memref<1x16384xf32, #tpu.memory_space<vmem>>
      %get3A_508 = tpu.memref_squeeze %get3A_507 : memref<1x16384xf32, #tpu.memory_space<vmem>> -> memref<16384xf32, #tpu.memory_space<vmem>>
      %get3A_509 = arith.index_cast %mul3A_505 : i32 to index
      %get3A_510 = tpu.vector_load %get3A_508[%get3A_509] {strides = array<i32>} : memref<16384xf32, #tpu.memory_space<vmem>>, vector<16xf32>,
      %get3A_511 = vector.shape_cast %get3A_510 : vector<16xf32> to vector<16xf32>
      %mul3A_512 = vector.broadcast %squeeze3A_499 : f32 to vector<16xf32>
      %mul3A_513 = arith.mulf %mul3A_512, %get3A_511 : vector<16xf32>
      %add3A_514 = arith.addf %add3A_458, %mul3A_513 : vector<16xf32>
      %add3A_515 = arith.constant 16 : i32
      %add3A_516 = arith.addi %mul3A_505, %add3A_515 : i32
      %get3A_517 = arith.constant 0 : i32
      %get3A_518 = tpu.memref_slice %arg5[%scan3A_63, %get3A_517] : memref<2x16384xf32, #tpu.memory_space<vmem>> -> memref<1x16384xf32, #tpu.memory_space<vmem>>
      %get3A_519 = tpu.memref_squeeze %get3A_518 : memref<1x16384xf32, #tpu.memory_space<vmem>> -> memref<16384xf32, #tpu.memory_space<vmem>>
      %get3A_520 = arith.index_cast %add3A_516 : i32 to index
      %get3A_521 = tpu.vector_load %get3A_519[%get3A_520] {strides = array<i32>} : memref<16384xf32, #tpu.memory_space<vmem>>, vector<16xf32>,
      %get3A_522 = vector.shape_cast %get3A_521 : vector<16xf32> to vector<16xf32>
      %mul3A_523 = vector.broadcast %squeeze3A_499 : f32 to vector<16xf32>
      %mul3A_524 = arith.mulf %mul3A_523, %get3A_522 : vector<16xf32>
      %add3A_525 = arith.addf %add3A_469, %mul3A_524 : vector<16xf32>
      %slice3A_526 = vector.extract_strided_slice %get3A_135 {offsets = [14], sizes = [1], strides = [1]} : vector<16xf32> to vector<1xf32>
      %squeeze3A_527 = vector.extract %slice3A_526[0] : f32 from vector<1xf32>
      %mul3A_528 = arith.constant 16 : i32
      %mul3A_529 = arith.muli %scan3A_125, %mul3A_528 : i32
      %add3A_530 = arith.constant 14 : i32
      %add3A_531 = arith.addi %mul3A_529, %add3A_530 : i32
      %mul3A_532 = arith.constant 32 : i32
      %mul3A_533 = arith.muli %add3A_531, %mul3A_532 : i32
      %get3A_534 = arith.constant 0 : i32
      %get3A_535 = tpu.memref_slice %arg5[%scan3A_63, %get3A_534] : memref<2x16384xf32, #tpu.memory_space<vmem>> -> memref<1x16384xf32, #tpu.memory_space<vmem>>
      %get3A_536 = tpu.memref_squeeze %get3A_535 : memref<1x16384xf32, #tpu.memory_space<vmem>> -> memref<16384xf32, #tpu.memory_space<vmem>>
      %get3A_537 = arith.index_cast %mul3A_533 : i32 to index
      %get3A_538 = tpu.vector_load %get3A_536[%get3A_537] {strides = array<i32>} : memref<16384xf32, #tpu.memory_space<vmem>>, vector<16xf32>,
      %get3A_539 = vector.shape_cast %get3A_538 : vector<16xf32> to vector<16xf32>
      %mul3A_540 = vector.broadcast %squeeze3A_527 : f32 to vector<16xf32>
      %mul3A_541 = arith.mulf %mul3A_540, %get3A_539 : vector<16xf32>
      %add3A_542 = arith.addf %add3A_486, %mul3A_541 : vector<16xf32>
      %add3A_543 = arith.constant 16 : i32
      %add3A_544 = arith.addi %mul3A_533, %add3A_543 : i32
      %get3A_545 = arith.constant 0 : i32
      %get3A_546 = tpu.memref_slice %arg5[%scan3A_63, %get3A_545] : memref<2x16384xf32, #tpu.memory_space<vmem>> -> memref<1x16384xf32, #tpu.memory_space<vmem>>
      %get3A_547 = tpu.memref_squeeze %get3A_546 : memref<1x16384xf32, #tpu.memory_space<vmem>> -> memref<16384xf32, #tpu.memory_space<vmem>>
      %get3A_548 = arith.index_cast %add3A_544 : i32 to index
      %get3A_549 = tpu.vector_load %get3A_547[%get3A_548] {strides = array<i32>} : memref<16384xf32, #tpu.memory_space<vmem>>, vector<16xf32>,
      %get3A_550 = vector.shape_cast %get3A_549 : vector<16xf32> to vector<16xf32>
      %mul3A_551 = vector.broadcast %squeeze3A_527 : f32 to vector<16xf32>
      %mul3A_552 = arith.mulf %mul3A_551, %get3A_550 : vector<16xf32>
      %add3A_553 = arith.addf %add3A_497, %mul3A_552 : vector<16xf32>
      %slice3A_554 = vector.extract_strided_slice %get3A_135 {offsets = [15], sizes = [1], strides = [1]} : vector<16xf32> to vector<1xf32>
      %squeeze3A_555 = vector.extract %slice3A_554[0] : f32 from vector<1xf32>
      %mul3A_556 = arith.constant 16 : i32
      %mul3A_557 = arith.muli %scan3A_125, %mul3A_556 : i32
      %add3A_558 = arith.constant 15 : i32
      %add3A_559 = arith.addi %mul3A_557, %add3A_558 : i32
      %mul3A_560 = arith.constant 32 : i32
      %mul3A_561 = arith.muli %add3A_559, %mul3A_560 : i32
      %get3A_562 = arith.constant 0 : i32
      %get3A_563 = tpu.memref_slice %arg5[%scan3A_63, %get3A_562] : memref<2x16384xf32, #tpu.memory_space<vmem>> -> memref<1x16384xf32, #tpu.memory_space<vmem>>
      %get3A_564 = tpu.memref_squeeze %get3A_563 : memref<1x16384xf32, #tpu.memory_space<vmem>> -> memref<16384xf32, #tpu.memory_space<vmem>>
      %get3A_565 = arith.index_cast %mul3A_561 : i32 to index
      %get3A_566 = tpu.vector_load %get3A_564[%get3A_565] {strides = array<i32>} : memref<16384xf32, #tpu.memory_space<vmem>>, vector<16xf32>,
      %get3A_567 = vector.shape_cast %get3A_566 : vector<16xf32> to vector<16xf32>
      %mul3A_568 = vector.broadcast %squeeze3A_555 : f32 to vector<16xf32>
      %mul3A_569 = arith.mulf %mul3A_568, %get3A_567 : vector<16xf32>
      %add3A_570 = arith.addf %add3A_514, %mul3A_569 : vector<16xf32>
      %add3A_571 = arith.constant 16 : i32
      %add3A_572 = arith.addi %mul3A_561, %add3A_571 : i32
      %get3A_573 = arith.constant 0 : i32
      %get3A_574 = tpu.memref_slice %arg5[%scan3A_63, %get3A_573] : memref<2x16384xf32, #tpu.memory_space<vmem>> -> memref<1x16384xf32, #tpu.memory_space<vmem>>
      %get3A_575 = tpu.memref_squeeze %get3A_574 : memref<1x16384xf32, #tpu.memory_space<vmem>> -> memref<16384xf32, #tpu.memory_space<vmem>>
      %get3A_576 = arith.index_cast %add3A_572 : i32 to index
      %get3A_577 = tpu.vector_load %get3A_575[%get3A_576] {strides = array<i32>} : memref<16384xf32, #tpu.memory_space<vmem>>, vector<16xf32>,
      %get3A_578 = vector.shape_cast %get3A_577 : vector<16xf32> to vector<16xf32>
      %mul3A_579 = vector.broadcast %squeeze3A_555 : f32 to vector<16xf32>
      %mul3A_580 = arith.mulf %mul3A_579, %get3A_578 : vector<16xf32>
      %add3A_581 = arith.addf %add3A_525, %mul3A_580 : vector<16xf32>
      scf.yield %add3A_542, %add3A_553, %add3A_570, %add3A_581 : vector<16xf32>, vector<16xf32>, vector<16xf32>, vector<16xf32>
    }
    %scan3A_69 = arith.constant 32 : i32
    %add3A_70 = arith.addf %scan3A_68#0, %scan3A_68#2 : vector<16xf32>
    %swap3A = arith.constant 30 : i32
    %swap3A_71 = arith.index_cast %swap3A : i32 to index
    %swap3A_72 = arith.constant 0 : index
    %swap3A_73 = tpu.vector_load %arg7[%swap3A_71, %swap3A_72] {strides = array<i32>} : memref<32x32xf32, #tpu.memory_space<vmem>>, vector<1x16xf32>,
    %swap3A_74 = vector.shape_cast %swap3A_73 : vector<1x16xf32> to vector<16xf32>
    %swap3A_75 = vector.shape_cast %add3A_70 : vector<16xf32> to vector<1x16xf32>
    tpu.vector_store %arg7[%swap3A_71, %swap3A_72], %swap3A_75 {strides = array<i32>} : memref<32x32xf32, #tpu.memory_space<vmem>>, vector<1x16xf32>,
    %add3A_76 = arith.addf %scan3A_68#1, %scan3A_68#3 : vector<16xf32>
    %swap3A_77 = arith.constant 30 : i32
    %swap3A_78 = arith.index_cast %swap3A_77 : i32 to index
    %swap3A_79 = arith.constant 16 : index
    %swap3A_80 = tpu.vector_load %arg7[%swap3A_78, %swap3A_79] {strides = array<i32>} : memref<32x32xf32, #tpu.memory_space<vmem>>, vector<1x16xf32>,
    %swap3A_81 = vector.shape_cast %swap3A_80 : vector<1x16xf32> to vector<16xf32>
    %swap3A_82 = vector.shape_cast %add3A_76 : vector<16xf32> to vector<1x16xf32>
    tpu.vector_store %arg7[%swap3A_78, %swap3A_79], %swap3A_82 {strides = array<i32>} : memref<32x32xf32, #tpu.memory_space<vmem>>, vector<1x16xf32>,
    %add3A_83 = arith.constant 32 : i32
    %add3A_84 = arith.addi %mul3A_2, %add3A_83 : i32
    %sub3A_85 = arith.constant 2 : i32
    %sub3A_86 = arith.subi %add3A_84, %sub3A_85 : i32
    %add3A_87 = arith.constant 1 : i32
    %add3A_88 = arith.addi %sub3A_86, %add3A_87 : i32
    %dma_wait3A_89 = arith.constant 1 : i32
    %dma_wait3A_90 = arith.constant 0 : i32
    %dma_wait3A_91 = tpu.memref_slice %arg5[%dma_wait3A_89, %dma_wait3A_90] : memref<2x16384xf32, #tpu.memory_space<vmem>> -> memref<1x16384xf32, #tpu.memory_space<vmem>>
    %dma_wait3A_92 = tpu.memref_squeeze %dma_wait3A_91 : memref<1x16384xf32, #tpu.memory_space<vmem>> -> memref<16384xf32, #tpu.memory_space<vmem>>
    %dma_wait3A_93 = arith.constant 512 : i32
    %dma_wait3A_94 = tpu.memref_slice %arg2[%add3A_88, %dma_wait3A_93] : memref<2048x17408xf32, #tpu.memory_space<hbm>> -> memref<1x16384xf32, #tpu.memory_space<hbm>>
    %dma_wait3A_95 = tpu.memref_squeeze %dma_wait3A_94 : memref<1x16384xf32, #tpu.memory_space<hbm>> -> memref<16384xf32, #tpu.memory_space<hbm>>
    %dma_wait3A_96 = arith.constant 0 : i32
    %dma_wait3A_97 = tpu.memref_slice %arg5[%dma_wait3A_89, %dma_wait3A_96] : memref<2x16384xf32, #tpu.memory_space<vmem>> -> memref<1x16384xf32, #tpu.memory_space<vmem>>
    %dma_wait3A_98 = tpu.memref_squeeze %dma_wait3A_97 : memref<1x16384xf32, #tpu.memory_space<vmem>> -> memref<16384xf32, #tpu.memory_space<vmem>>
    %dma_wait3A_99 = arith.constant 512 : i32
    %dma_wait3A_100 = tpu.memref_slice %arg2[%add3A_88, %dma_wait3A_99] : memref<2048x17408xf32, #tpu.memory_space<hbm>> -> memref<1x16384xf32, #tpu.memory_space<hbm>>
    %dma_wait3A_101 = tpu.memref_squeeze %dma_wait3A_100 : memref<1x16384xf32, #tpu.memory_space<hbm>> -> memref<16384xf32, #tpu.memory_space<hbm>>
    tpu.wait_dma2 semaphore(%arg9 : memref<!tpu.dma_semaphore, #tpu.memory_space<semaphore_mem>>) src(%dma_wait3A_101 : memref<16384xf32, #tpu.memory_space<hbm>>) dst(%dma_wait3A_98 : memref<16384xf32, #tpu.memory_space<vmem>>)
    %broadcast_in_dim3A_102 = arith.constant 0.000000e+00 : f32
    %broadcast_in_dim3A_103 = vector.broadcast %broadcast_in_dim3A_102 : f32 to vector<16xf32>
    %scan3A_104 = arith.constant 1 : i32
    %scan3A_105 = arith.constant 0 : i32
    %scan3A_106 = arith.constant 32 : i32
    %scan3A_107 = arith.addi %scan3A_105, %scan3A_106 : i32
    %scan3A_108 = arith.constant 1 : i32
    %scan3A_109:4 = scf.for %scan3A_125 = %scan3A_105 to %scan3A_107 step %scan3A_108 iter_args(%scan3A_126 = %broadcast_in_dim3A_103, %scan3A_127 = %broadcast_in_dim3A_103, %scan3A_128 = %broadcast_in_dim3A_103, %scan3A_129 = %broadcast_in_dim3A_103) -> (vector<16xf32>, vector<16xf32>, vector<16xf32>, vector<16xf32>)  : i32 {
      %mul3A_130 = arith.constant 16 : i32
      %mul3A_131 = arith.muli %scan3A_125, %mul3A_130 : i32
      %get3A = arith.constant 31 : i32
      %get3A_132 = arith.index_cast %get3A : i32 to index
      %get3A_133 = arith.index_cast %mul3A_131 : i32 to index
      %get3A_134 = tpu.vector_load %arg6[%get3A_132, %get3A_133] {strides = array<i32>} : memref<32x512xf32, #tpu.memory_space<vmem>>, vector<1x16xf32>,
      %get3A_135 = vector.shape_cast %get3A_134 : vector<1x16xf32> to vector<16xf32>
      %slice3A = vector.extract_strided_slice %get3A_135 {offsets = [0], sizes = [1], strides = [1]} : vector<16xf32> to vector<1xf32>
      %squeeze3A = vector.extract %slice3A[0] : f32 from vector<1xf32>
      %mul3A_136 = arith.constant 16 : i32
      %mul3A_137 = arith.muli %scan3A_125, %mul3A_136 : i32
      %add3A_138 = arith.constant 0 : i32
      %add3A_139 = arith.addi %mul3A_137, %add3A_138 : i32
      %mul3A_140 = arith.constant 32 : i32
      %mul3A_141 = arith.muli %add3A_139, %mul3A_140 : i32
      %get3A_142 = arith.constant 0 : i32
      %get3A_143 = tpu.memref_slice %arg5[%scan3A_104, %get3A_142] : memref<2x16384xf32, #tpu.memory_space<vmem>> -> memref<1x16384xf32, #tpu.memory_space<vmem>>
      %get3A_144 = tpu.memref_squeeze %get3A_143 : memref<1x16384xf32, #tpu.memory_space<vmem>> -> memref<16384xf32, #tpu.memory_space<vmem>>
      %get3A_145 = arith.index_cast %mul3A_141 : i32 to index
      %get3A_146 = tpu.vector_load %get3A_144[%get3A_145] {strides = array<i32>} : memref<16384xf32, #tpu.memory_space<vmem>>, vector<16xf32>,
      %get3A_147 = vector.shape_cast %get3A_146 : vector<16xf32> to vector<16xf32>
      %mul3A_148 = vector.broadcast %squeeze3A : f32 to vector<16xf32>
      %mul3A_149 = arith.mulf %mul3A_148, %get3A_147 : vector<16xf32>
      %add3A_150 = arith.addf %scan3A_126, %mul3A_149 : vector<16xf32>
      %add3A_151 = arith.constant 16 : i32
      %add3A_152 = arith.addi %mul3A_141, %add3A_151 : i32
      %get3A_153 = arith.constant 0 : i32
      %get3A_154 = tpu.memref_slice %arg5[%scan3A_104, %get3A_153] : memref<2x16384xf32, #tpu.memory_space<vmem>> -> memref<1x16384xf32, #tpu.memory_space<vmem>>
      %get3A_155 = tpu.memref_squeeze %get3A_154 : memref<1x16384xf32, #tpu.memory_space<vmem>> -> memref<16384xf32, #tpu.memory_space<vmem>>
      %get3A_156 = arith.index_cast %add3A_152 : i32 to index
      %get3A_157 = tpu.vector_load %get3A_155[%get3A_156] {strides = array<i32>} : memref<16384xf32, #tpu.memory_space<vmem>>, vector<16xf32>,
      %get3A_158 = vector.shape_cast %get3A_157 : vector<16xf32> to vector<16xf32>
      %mul3A_159 = vector.broadcast %squeeze3A : f32 to vector<16xf32>
      %mul3A_160 = arith.mulf %mul3A_159, %get3A_158 : vector<16xf32>
      %add3A_161 = arith.addf %scan3A_127, %mul3A_160 : vector<16xf32>
      %slice3A_162 = vector.extract_strided_slice %get3A_135 {offsets = [1], sizes = [1], strides = [1]} : vector<16xf32> to vector<1xf32>
      %squeeze3A_163 = vector.extract %slice3A_162[0] : f32 from vector<1xf32>
      %mul3A_164 = arith.constant 16 : i32
      %mul3A_165 = arith.muli %scan3A_125, %mul3A_164 : i32
      %add3A_166 = arith.constant 1 : i32
      %add3A_167 = arith.addi %mul3A_165, %add3A_166 : i32
      %mul3A_168 = arith.constant 32 : i32
      %mul3A_169 = arith.muli %add3A_167, %mul3A_168 : i32
      %get3A_170 = arith.constant 0 : i32
      %get3A_171 = tpu.memref_slice %arg5[%scan3A_104, %get3A_170] : memref<2x16384xf32, #tpu.memory_space<vmem>> -> memref<1x16384xf32, #tpu.memory_space<vmem>>
      %get3A_172 = tpu.memref_squeeze %get3A_171 : memref<1x16384xf32, #tpu.memory_space<vmem>> -> memref<16384xf32, #tpu.memory_space<vmem>>
      %get3A_173 = arith.index_cast %mul3A_169 : i32 to index
      %get3A_174 = tpu.vector_load %get3A_172[%get3A_173] {strides = array<i32>} : memref<16384xf32, #tpu.memory_space<vmem>>, vector<16xf32>,
      %get3A_175 = vector.shape_cast %get3A_174 : vector<16xf32> to vector<16xf32>
      %mul3A_176 = vector.broadcast %squeeze3A_163 : f32 to vector<16xf32>
      %mul3A_177 = arith.mulf %mul3A_176, %get3A_175 : vector<16xf32>
      %add3A_178 = arith.addf %scan3A_128, %mul3A_177 : vector<16xf32>
      %add3A_179 = arith.constant 16 : i32
      %add3A_180 = arith.addi %mul3A_169, %add3A_179 : i32
      %get3A_181 = arith.constant 0 : i32
      %get3A_182 = tpu.memref_slice %arg5[%scan3A_104, %get3A_181] : memref<2x16384xf32, #tpu.memory_space<vmem>> -> memref<1x16384xf32, #tpu.memory_space<vmem>>
      %get3A_183 = tpu.memref_squeeze %get3A_182 : memref<1x16384xf32, #tpu.memory_space<vmem>> -> memref<16384xf32, #tpu.memory_space<vmem>>
      %get3A_184 = arith.index_cast %add3A_180 : i32 to index
      %get3A_185 = tpu.vector_load %get3A_183[%get3A_184] {strides = array<i32>} : memref<16384xf32, #tpu.memory_space<vmem>>, vector<16xf32>,
      %get3A_186 = vector.shape_cast %get3A_185 : vector<16xf32> to vector<16xf32>
      %mul3A_187 = vector.broadcast %squeeze3A_163 : f32 to vector<16xf32>
      %mul3A_188 = arith.mulf %mul3A_187, %get3A_186 : vector<16xf32>
      %add3A_189 = arith.addf %scan3A_129, %mul3A_188 : vector<16xf32>
      %slice3A_190 = vector.extract_strided_slice %get3A_135 {offsets = [2], sizes = [1], strides = [1]} : vector<16xf32> to vector<1xf32>
      %squeeze3A_191 = vector.extract %slice3A_190[0] : f32 from vector<1xf32>
      %mul3A_192 = arith.constant 16 : i32
      %mul3A_193 = arith.muli %scan3A_125, %mul3A_192 : i32
      %add3A_194 = arith.constant 2 : i32
      %add3A_195 = arith.addi %mul3A_193, %add3A_194 : i32
      %mul3A_196 = arith.constant 32 : i32
      %mul3A_197 = arith.muli %add3A_195, %mul3A_196 : i32
      %get3A_198 = arith.constant 0 : i32
      %get3A_199 = tpu.memref_slice %arg5[%scan3A_104, %get3A_198] : memref<2x16384xf32, #tpu.memory_space<vmem>> -> memref<1x16384xf32, #tpu.memory_space<vmem>>
      %get3A_200 = tpu.memref_squeeze %get3A_199 : memref<1x16384xf32, #tpu.memory_space<vmem>> -> memref<16384xf32, #tpu.memory_space<vmem>>
      %get3A_201 = arith.index_cast %mul3A_197 : i32 to index
      %get3A_202 = tpu.vector_load %get3A_200[%get3A_201] {strides = array<i32>} : memref<16384xf32, #tpu.memory_space<vmem>>, vector<16xf32>,
      %get3A_203 = vector.shape_cast %get3A_202 : vector<16xf32> to vector<16xf32>
      %mul3A_204 = vector.broadcast %squeeze3A_191 : f32 to vector<16xf32>
      %mul3A_205 = arith.mulf %mul3A_204, %get3A_203 : vector<16xf32>
      %add3A_206 = arith.addf %add3A_150, %mul3A_205 : vector<16xf32>
      %add3A_207 = arith.constant 16 : i32
      %add3A_208 = arith.addi %mul3A_197, %add3A_207 : i32
      %get3A_209 = arith.constant 0 : i32
      %get3A_210 = tpu.memref_slice %arg5[%scan3A_104, %get3A_209] : memref<2x16384xf32, #tpu.memory_space<vmem>> -> memref<1x16384xf32, #tpu.memory_space<vmem>>
      %get3A_211 = tpu.memref_squeeze %get3A_210 : memref<1x16384xf32, #tpu.memory_space<vmem>> -> memref<16384xf32, #tpu.memory_space<vmem>>
      %get3A_212 = arith.index_cast %add3A_208 : i32 to index
      %get3A_213 = tpu.vector_load %get3A_211[%get3A_212] {strides = array<i32>} : memref<16384xf32, #tpu.memory_space<vmem>>, vector<16xf32>,
      %get3A_214 = vector.shape_cast %get3A_213 : vector<16xf32> to vector<16xf32>
      %mul3A_215 = vector.broadcast %squeeze3A_191 : f32 to vector<16xf32>
      %mul3A_216 = arith.mulf %mul3A_215, %get3A_214 : vector<16xf32>
      %add3A_217 = arith.addf %add3A_161, %mul3A_216 : vector<16xf32>
      %slice3A_218 = vector.extract_strided_slice %get3A_135 {offsets = [3], sizes = [1], strides = [1]} : vector<16xf32> to vector<1xf32>
      %squeeze3A_219 = vector.extract %slice3A_218[0] : f32 from vector<1xf32>
      %mul3A_220 = arith.constant 16 : i32
      %mul3A_221 = arith.muli %scan3A_125, %mul3A_220 : i32
      %add3A_222 = arith.constant 3 : i32
      %add3A_223 = arith.addi %mul3A_221, %add3A_222 : i32
      %mul3A_224 = arith.constant 32 : i32
      %mul3A_225 = arith.muli %add3A_223, %mul3A_224 : i32
      %get3A_226 = arith.constant 0 : i32
      %get3A_227 = tpu.memref_slice %arg5[%scan3A_104, %get3A_226] : memref<2x16384xf32, #tpu.memory_space<vmem>> -> memref<1x16384xf32, #tpu.memory_space<vmem>>
      %get3A_228 = tpu.memref_squeeze %get3A_227 : memref<1x16384xf32, #tpu.memory_space<vmem>> -> memref<16384xf32, #tpu.memory_space<vmem>>
      %get3A_229 = arith.index_cast %mul3A_225 : i32 to index
      %get3A_230 = tpu.vector_load %get3A_228[%get3A_229] {strides = array<i32>} : memref<16384xf32, #tpu.memory_space<vmem>>, vector<16xf32>,
      %get3A_231 = vector.shape_cast %get3A_230 : vector<16xf32> to vector<16xf32>
      %mul3A_232 = vector.broadcast %squeeze3A_219 : f32 to vector<16xf32>
      %mul3A_233 = arith.mulf %mul3A_232, %get3A_231 : vector<16xf32>
      %add3A_234 = arith.addf %add3A_178, %mul3A_233 : vector<16xf32>
      %add3A_235 = arith.constant 16 : i32
      %add3A_236 = arith.addi %mul3A_225, %add3A_235 : i32
      %get3A_237 = arith.constant 0 : i32
      %get3A_238 = tpu.memref_slice %arg5[%scan3A_104, %get3A_237] : memref<2x16384xf32, #tpu.memory_space<vmem>> -> memref<1x16384xf32, #tpu.memory_space<vmem>>
      %get3A_239 = tpu.memref_squeeze %get3A_238 : memref<1x16384xf32, #tpu.memory_space<vmem>> -> memref<16384xf32, #tpu.memory_space<vmem>>
      %get3A_240 = arith.index_cast %add3A_236 : i32 to index
      %get3A_241 = tpu.vector_load %get3A_239[%get3A_240] {strides = array<i32>} : memref<16384xf32, #tpu.memory_space<vmem>>, vector<16xf32>,
      %get3A_242 = vector.shape_cast %get3A_241 : vector<16xf32> to vector<16xf32>
      %mul3A_243 = vector.broadcast %squeeze3A_219 : f32 to vector<16xf32>
      %mul3A_244 = arith.mulf %mul3A_243, %get3A_242 : vector<16xf32>
      %add3A_245 = arith.addf %add3A_189, %mul3A_244 : vector<16xf32>
      %slice3A_246 = vector.extract_strided_slice %get3A_135 {offsets = [4], sizes = [1], strides = [1]} : vector<16xf32> to vector<1xf32>
      %squeeze3A_247 = vector.extract %slice3A_246[0] : f32 from vector<1xf32>
      %mul3A_248 = arith.constant 16 : i32
      %mul3A_249 = arith.muli %scan3A_125, %mul3A_248 : i32
      %add3A_250 = arith.constant 4 : i32
      %add3A_251 = arith.addi %mul3A_249, %add3A_250 : i32
      %mul3A_252 = arith.constant 32 : i32
      %mul3A_253 = arith.muli %add3A_251, %mul3A_252 : i32
      %get3A_254 = arith.constant 0 : i32
      %get3A_255 = tpu.memref_slice %arg5[%scan3A_104, %get3A_254] : memref<2x16384xf32, #tpu.memory_space<vmem>> -> memref<1x16384xf32, #tpu.memory_space<vmem>>
      %get3A_256 = tpu.memref_squeeze %get3A_255 : memref<1x16384xf32, #tpu.memory_space<vmem>> -> memref<16384xf32, #tpu.memory_space<vmem>>
      %get3A_257 = arith.index_cast %mul3A_253 : i32 to index
      %get3A_258 = tpu.vector_load %get3A_256[%get3A_257] {strides = array<i32>} : memref<16384xf32, #tpu.memory_space<vmem>>, vector<16xf32>,
      %get3A_259 = vector.shape_cast %get3A_258 : vector<16xf32> to vector<16xf32>
      %mul3A_260 = vector.broadcast %squeeze3A_247 : f32 to vector<16xf32>
      %mul3A_261 = arith.mulf %mul3A_260, %get3A_259 : vector<16xf32>
      %add3A_262 = arith.addf %add3A_206, %mul3A_261 : vector<16xf32>
      %add3A_263 = arith.constant 16 : i32
      %add3A_264 = arith.addi %mul3A_253, %add3A_263 : i32
      %get3A_265 = arith.constant 0 : i32
      %get3A_266 = tpu.memref_slice %arg5[%scan3A_104, %get3A_265] : memref<2x16384xf32, #tpu.memory_space<vmem>> -> memref<1x16384xf32, #tpu.memory_space<vmem>>
      %get3A_267 = tpu.memref_squeeze %get3A_266 : memref<1x16384xf32, #tpu.memory_space<vmem>> -> memref<16384xf32, #tpu.memory_space<vmem>>
      %get3A_268 = arith.index_cast %add3A_264 : i32 to index
      %get3A_269 = tpu.vector_load %get3A_267[%get3A_268] {strides = array<i32>} : memref<16384xf32, #tpu.memory_space<vmem>>, vector<16xf32>,
      %get3A_270 = vector.shape_cast %get3A_269 : vector<16xf32> to vector<16xf32>
      %mul3A_271 = vector.broadcast %squeeze3A_247 : f32 to vector<16xf32>
      %mul3A_272 = arith.mulf %mul3A_271, %get3A_270 : vector<16xf32>
      %add3A_273 = arith.addf %add3A_217, %mul3A_272 : vector<16xf32>
      %slice3A_274 = vector.extract_strided_slice %get3A_135 {offsets = [5], sizes = [1], strides = [1]} : vector<16xf32> to vector<1xf32>
      %squeeze3A_275 = vector.extract %slice3A_274[0] : f32 from vector<1xf32>
      %mul3A_276 = arith.constant 16 : i32
      %mul3A_277 = arith.muli %scan3A_125, %mul3A_276 : i32
      %add3A_278 = arith.constant 5 : i32
      %add3A_279 = arith.addi %mul3A_277, %add3A_278 : i32
      %mul3A_280 = arith.constant 32 : i32
      %mul3A_281 = arith.muli %add3A_279, %mul3A_280 : i32
      %get3A_282 = arith.constant 0 : i32
      %get3A_283 = tpu.memref_slice %arg5[%scan3A_104, %get3A_282] : memref<2x16384xf32, #tpu.memory_space<vmem>> -> memref<1x16384xf32, #tpu.memory_space<vmem>>
      %get3A_284 = tpu.memref_squeeze %get3A_283 : memref<1x16384xf32, #tpu.memory_space<vmem>> -> memref<16384xf32, #tpu.memory_space<vmem>>
      %get3A_285 = arith.index_cast %mul3A_281 : i32 to index
      %get3A_286 = tpu.vector_load %get3A_284[%get3A_285] {strides = array<i32>} : memref<16384xf32, #tpu.memory_space<vmem>>, vector<16xf32>,
      %get3A_287 = vector.shape_cast %get3A_286 : vector<16xf32> to vector<16xf32>
      %mul3A_288 = vector.broadcast %squeeze3A_275 : f32 to vector<16xf32>
      %mul3A_289 = arith.mulf %mul3A_288, %get3A_287 : vector<16xf32>
      %add3A_290 = arith.addf %add3A_234, %mul3A_289 : vector<16xf32>
      %add3A_291 = arith.constant 16 : i32
      %add3A_292 = arith.addi %mul3A_281, %add3A_291 : i32
      %get3A_293 = arith.constant 0 : i32
      %get3A_294 = tpu.memref_slice %arg5[%scan3A_104, %get3A_293] : memref<2x16384xf32, #tpu.memory_space<vmem>> -> memref<1x16384xf32, #tpu.memory_space<vmem>>
      %get3A_295 = tpu.memref_squeeze %get3A_294 : memref<1x16384xf32, #tpu.memory_space<vmem>> -> memref<16384xf32, #tpu.memory_space<vmem>>
      %get3A_296 = arith.index_cast %add3A_292 : i32 to index
      %get3A_297 = tpu.vector_load %get3A_295[%get3A_296] {strides = array<i32>} : memref<16384xf32, #tpu.memory_space<vmem>>, vector<16xf32>,
      %get3A_298 = vector.shape_cast %get3A_297 : vector<16xf32> to vector<16xf32>
      %mul3A_299 = vector.broadcast %squeeze3A_275 : f32 to vector<16xf32>
      %mul3A_300 = arith.mulf %mul3A_299, %get3A_298 : vector<16xf32>
      %add3A_301 = arith.addf %add3A_245, %mul3A_300 : vector<16xf32>
      %slice3A_302 = vector.extract_strided_slice %get3A_135 {offsets = [6], sizes = [1], strides = [1]} : vector<16xf32> to vector<1xf32>
      %squeeze3A_303 = vector.extract %slice3A_302[0] : f32 from vector<1xf32>
      %mul3A_304 = arith.constant 16 : i32
      %mul3A_305 = arith.muli %scan3A_125, %mul3A_304 : i32
      %add3A_306 = arith.constant 6 : i32
      %add3A_307 = arith.addi %mul3A_305, %add3A_306 : i32
      %mul3A_308 = arith.constant 32 : i32
      %mul3A_309 = arith.muli %add3A_307, %mul3A_308 : i32
      %get3A_310 = arith.constant 0 : i32
      %get3A_311 = tpu.memref_slice %arg5[%scan3A_104, %get3A_310] : memref<2x16384xf32, #tpu.memory_space<vmem>> -> memref<1x16384xf32, #tpu.memory_space<vmem>>
      %get3A_312 = tpu.memref_squeeze %get3A_311 : memref<1x16384xf32, #tpu.memory_space<vmem>> -> memref<16384xf32, #tpu.memory_space<vmem>>
      %get3A_313 = arith.index_cast %mul3A_309 : i32 to index
      %get3A_314 = tpu.vector_load %get3A_312[%get3A_313] {strides = array<i32>} : memref<16384xf32, #tpu.memory_space<vmem>>, vector<16xf32>,
      %get3A_315 = vector.shape_cast %get3A_314 : vector<16xf32> to vector<16xf32>
      %mul3A_316 = vector.broadcast %squeeze3A_303 : f32 to vector<16xf32>
      %mul3A_317 = arith.mulf %mul3A_316, %get3A_315 : vector<16xf32>
      %add3A_318 = arith.addf %add3A_262, %mul3A_317 : vector<16xf32>
      %add3A_319 = arith.constant 16 : i32
      %add3A_320 = arith.addi %mul3A_309, %add3A_319 : i32
      %get3A_321 = arith.constant 0 : i32
      %get3A_322 = tpu.memref_slice %arg5[%scan3A_104, %get3A_321] : memref<2x16384xf32, #tpu.memory_space<vmem>> -> memref<1x16384xf32, #tpu.memory_space<vmem>>
      %get3A_323 = tpu.memref_squeeze %get3A_322 : memref<1x16384xf32, #tpu.memory_space<vmem>> -> memref<16384xf32, #tpu.memory_space<vmem>>
      %get3A_324 = arith.index_cast %add3A_320 : i32 to index
      %get3A_325 = tpu.vector_load %get3A_323[%get3A_324] {strides = array<i32>} : memref<16384xf32, #tpu.memory_space<vmem>>, vector<16xf32>,
      %get3A_326 = vector.shape_cast %get3A_325 : vector<16xf32> to vector<16xf32>
      %mul3A_327 = vector.broadcast %squeeze3A_303 : f32 to vector<16xf32>
      %mul3A_328 = arith.mulf %mul3A_327, %get3A_326 : vector<16xf32>
      %add3A_329 = arith.addf %add3A_273, %mul3A_328 : vector<16xf32>
      %slice3A_330 = vector.extract_strided_slice %get3A_135 {offsets = [7], sizes = [1], strides = [1]} : vector<16xf32> to vector<1xf32>
      %squeeze3A_331 = vector.extract %slice3A_330[0] : f32 from vector<1xf32>
      %mul3A_332 = arith.constant 16 : i32
      %mul3A_333 = arith.muli %scan3A_125, %mul3A_332 : i32
      %add3A_334 = arith.constant 7 : i32
      %add3A_335 = arith.addi %mul3A_333, %add3A_334 : i32
      %mul3A_336 = arith.constant 32 : i32
      %mul3A_337 = arith.muli %add3A_335, %mul3A_336 : i32
      %get3A_338 = arith.constant 0 : i32
      %get3A_339 = tpu.memref_slice %arg5[%scan3A_104, %get3A_338] : memref<2x16384xf32, #tpu.memory_space<vmem>> -> memref<1x16384xf32, #tpu.memory_space<vmem>>
      %get3A_340 = tpu.memref_squeeze %get3A_339 : memref<1x16384xf32, #tpu.memory_space<vmem>> -> memref<16384xf32, #tpu.memory_space<vmem>>
      %get3A_341 = arith.index_cast %mul3A_337 : i32 to index
      %get3A_342 = tpu.vector_load %get3A_340[%get3A_341] {strides = array<i32>} : memref<16384xf32, #tpu.memory_space<vmem>>, vector<16xf32>,
      %get3A_343 = vector.shape_cast %get3A_342 : vector<16xf32> to vector<16xf32>
      %mul3A_344 = vector.broadcast %squeeze3A_331 : f32 to vector<16xf32>
      %mul3A_345 = arith.mulf %mul3A_344, %get3A_343 : vector<16xf32>
      %add3A_346 = arith.addf %add3A_290, %mul3A_345 : vector<16xf32>
      %add3A_347 = arith.constant 16 : i32
      %add3A_348 = arith.addi %mul3A_337, %add3A_347 : i32
      %get3A_349 = arith.constant 0 : i32
      %get3A_350 = tpu.memref_slice %arg5[%scan3A_104, %get3A_349] : memref<2x16384xf32, #tpu.memory_space<vmem>> -> memref<1x16384xf32, #tpu.memory_space<vmem>>
      %get3A_351 = tpu.memref_squeeze %get3A_350 : memref<1x16384xf32, #tpu.memory_space<vmem>> -> memref<16384xf32, #tpu.memory_space<vmem>>
      %get3A_352 = arith.index_cast %add3A_348 : i32 to index
      %get3A_353 = tpu.vector_load %get3A_351[%get3A_352] {strides = array<i32>} : memref<16384xf32, #tpu.memory_space<vmem>>, vector<16xf32>,
      %get3A_354 = vector.shape_cast %get3A_353 : vector<16xf32> to vector<16xf32>
      %mul3A_355 = vector.broadcast %squeeze3A_331 : f32 to vector<16xf32>
      %mul3A_356 = arith.mulf %mul3A_355, %get3A_354 : vector<16xf32>
      %add3A_357 = arith.addf %add3A_301, %mul3A_356 : vector<16xf32>
      %slice3A_358 = vector.extract_strided_slice %get3A_135 {offsets = [8], sizes = [1], strides = [1]} : vector<16xf32> to vector<1xf32>
      %squeeze3A_359 = vector.extract %slice3A_358[0] : f32 from vector<1xf32>
      %mul3A_360 = arith.constant 16 : i32
      %mul3A_361 = arith.muli %scan3A_125, %mul3A_360 : i32
      %add3A_362 = arith.constant 8 : i32
      %add3A_363 = arith.addi %mul3A_361, %add3A_362 : i32
      %mul3A_364 = arith.constant 32 : i32
      %mul3A_365 = arith.muli %add3A_363, %mul3A_364 : i32
      %get3A_366 = arith.constant 0 : i32
      %get3A_367 = tpu.memref_slice %arg5[%scan3A_104, %get3A_366] : memref<2x16384xf32, #tpu.memory_space<vmem>> -> memref<1x16384xf32, #tpu.memory_space<vmem>>
      %get3A_368 = tpu.memref_squeeze %get3A_367 : memref<1x16384xf32, #tpu.memory_space<vmem>> -> memref<16384xf32, #tpu.memory_space<vmem>>
      %get3A_369 = arith.index_cast %mul3A_365 : i32 to index
      %get3A_370 = tpu.vector_load %get3A_368[%get3A_369] {strides = array<i32>} : memref<16384xf32, #tpu.memory_space<vmem>>, vector<16xf32>,
      %get3A_371 = vector.shape_cast %get3A_370 : vector<16xf32> to vector<16xf32>
      %mul3A_372 = vector.broadcast %squeeze3A_359 : f32 to vector<16xf32>
      %mul3A_373 = arith.mulf %mul3A_372, %get3A_371 : vector<16xf32>
      %add3A_374 = arith.addf %add3A_318, %mul3A_373 : vector<16xf32>
      %add3A_375 = arith.constant 16 : i32
      %add3A_376 = arith.addi %mul3A_365, %add3A_375 : i32
      %get3A_377 = arith.constant 0 : i32
      %get3A_378 = tpu.memref_slice %arg5[%scan3A_104, %get3A_377] : memref<2x16384xf32, #tpu.memory_space<vmem>> -> memref<1x16384xf32, #tpu.memory_space<vmem>>
      %get3A_379 = tpu.memref_squeeze %get3A_378 : memref<1x16384xf32, #tpu.memory_space<vmem>> -> memref<16384xf32, #tpu.memory_space<vmem>>
      %get3A_380 = arith.index_cast %add3A_376 : i32 to index
      %get3A_381 = tpu.vector_load %get3A_379[%get3A_380] {strides = array<i32>} : memref<16384xf32, #tpu.memory_space<vmem>>, vector<16xf32>,
      %get3A_382 = vector.shape_cast %get3A_381 : vector<16xf32> to vector<16xf32>
      %mul3A_383 = vector.broadcast %squeeze3A_359 : f32 to vector<16xf32>
      %mul3A_384 = arith.mulf %mul3A_383, %get3A_382 : vector<16xf32>
      %add3A_385 = arith.addf %add3A_329, %mul3A_384 : vector<16xf32>
      %slice3A_386 = vector.extract_strided_slice %get3A_135 {offsets = [9], sizes = [1], strides = [1]} : vector<16xf32> to vector<1xf32>
      %squeeze3A_387 = vector.extract %slice3A_386[0] : f32 from vector<1xf32>
      %mul3A_388 = arith.constant 16 : i32
      %mul3A_389 = arith.muli %scan3A_125, %mul3A_388 : i32
      %add3A_390 = arith.constant 9 : i32
      %add3A_391 = arith.addi %mul3A_389, %add3A_390 : i32
      %mul3A_392 = arith.constant 32 : i32
      %mul3A_393 = arith.muli %add3A_391, %mul3A_392 : i32
      %get3A_394 = arith.constant 0 : i32
      %get3A_395 = tpu.memref_slice %arg5[%scan3A_104, %get3A_394] : memref<2x16384xf32, #tpu.memory_space<vmem>> -> memref<1x16384xf32, #tpu.memory_space<vmem>>
      %get3A_396 = tpu.memref_squeeze %get3A_395 : memref<1x16384xf32, #tpu.memory_space<vmem>> -> memref<16384xf32, #tpu.memory_space<vmem>>
      %get3A_397 = arith.index_cast %mul3A_393 : i32 to index
      %get3A_398 = tpu.vector_load %get3A_396[%get3A_397] {strides = array<i32>} : memref<16384xf32, #tpu.memory_space<vmem>>, vector<16xf32>,
      %get3A_399 = vector.shape_cast %get3A_398 : vector<16xf32> to vector<16xf32>
      %mul3A_400 = vector.broadcast %squeeze3A_387 : f32 to vector<16xf32>
      %mul3A_401 = arith.mulf %mul3A_400, %get3A_399 : vector<16xf32>
      %add3A_402 = arith.addf %add3A_346, %mul3A_401 : vector<16xf32>
      %add3A_403 = arith.constant 16 : i32
      %add3A_404 = arith.addi %mul3A_393, %add3A_403 : i32
      %get3A_405 = arith.constant 0 : i32
      %get3A_406 = tpu.memref_slice %arg5[%scan3A_104, %get3A_405] : memref<2x16384xf32, #tpu.memory_space<vmem>> -> memref<1x16384xf32, #tpu.memory_space<vmem>>
      %get3A_407 = tpu.memref_squeeze %get3A_406 : memref<1x16384xf32, #tpu.memory_space<vmem>> -> memref<16384xf32, #tpu.memory_space<vmem>>
      %get3A_408 = arith.index_cast %add3A_404 : i32 to index
      %get3A_409 = tpu.vector_load %get3A_407[%get3A_408] {strides = array<i32>} : memref<16384xf32, #tpu.memory_space<vmem>>, vector<16xf32>,
      %get3A_410 = vector.shape_cast %get3A_409 : vector<16xf32> to vector<16xf32>
      %mul3A_411 = vector.broadcast %squeeze3A_387 : f32 to vector<16xf32>
      %mul3A_412 = arith.mulf %mul3A_411, %get3A_410 : vector<16xf32>
      %add3A_413 = arith.addf %add3A_357, %mul3A_412 : vector<16xf32>
      %slice3A_414 = vector.extract_strided_slice %get3A_135 {offsets = [10], sizes = [1], strides = [1]} : vector<16xf32> to vector<1xf32>
      %squeeze3A_415 = vector.extract %slice3A_414[0] : f32 from vector<1xf32>
      %mul3A_416 = arith.constant 16 : i32
      %mul3A_417 = arith.muli %scan3A_125, %mul3A_416 : i32
      %add3A_418 = arith.constant 10 : i32
      %add3A_419 = arith.addi %mul3A_417, %add3A_418 : i32
      %mul3A_420 = arith.constant 32 : i32
      %mul3A_421 = arith.muli %add3A_419, %mul3A_420 : i32
      %get3A_422 = arith.constant 0 : i32
      %get3A_423 = tpu.memref_slice %arg5[%scan3A_104, %get3A_422] : memref<2x16384xf32, #tpu.memory_space<vmem>> -> memref<1x16384xf32, #tpu.memory_space<vmem>>
      %get3A_424 = tpu.memref_squeeze %get3A_423 : memref<1x16384xf32, #tpu.memory_space<vmem>> -> memref<16384xf32, #tpu.memory_space<vmem>>
      %get3A_425 = arith.index_cast %mul3A_421 : i32 to index
      %get3A_426 = tpu.vector_load %get3A_424[%get3A_425] {strides = array<i32>} : memref<16384xf32, #tpu.memory_space<vmem>>, vector<16xf32>,
      %get3A_427 = vector.shape_cast %get3A_426 : vector<16xf32> to vector<16xf32>
      %mul3A_428 = vector.broadcast %squeeze3A_415 : f32 to vector<16xf32>
      %mul3A_429 = arith.mulf %mul3A_428, %get3A_427 : vector<16xf32>
      %add3A_430 = arith.addf %add3A_374, %mul3A_429 : vector<16xf32>
      %add3A_431 = arith.constant 16 : i32
      %add3A_432 = arith.addi %mul3A_421, %add3A_431 : i32
      %get3A_433 = arith.constant 0 : i32
      %get3A_434 = tpu.memref_slice %arg5[%scan3A_104, %get3A_433] : memref<2x16384xf32, #tpu.memory_space<vmem>> -> memref<1x16384xf32, #tpu.memory_space<vmem>>
      %get3A_435 = tpu.memref_squeeze %get3A_434 : memref<1x16384xf32, #tpu.memory_space<vmem>> -> memref<16384xf32, #tpu.memory_space<vmem>>
      %get3A_436 = arith.index_cast %add3A_432 : i32 to index
      %get3A_437 = tpu.vector_load %get3A_435[%get3A_436] {strides = array<i32>} : memref<16384xf32, #tpu.memory_space<vmem>>, vector<16xf32>,
      %get3A_438 = vector.shape_cast %get3A_437 : vector<16xf32> to vector<16xf32>
      %mul3A_439 = vector.broadcast %squeeze3A_415 : f32 to vector<16xf32>
      %mul3A_440 = arith.mulf %mul3A_439, %get3A_438 : vector<16xf32>
      %add3A_441 = arith.addf %add3A_385, %mul3A_440 : vector<16xf32>
      %slice3A_442 = vector.extract_strided_slice %get3A_135 {offsets = [11], sizes = [1], strides = [1]} : vector<16xf32> to vector<1xf32>
      %squeeze3A_443 = vector.extract %slice3A_442[0] : f32 from vector<1xf32>
      %mul3A_444 = arith.constant 16 : i32
      %mul3A_445 = arith.muli %scan3A_125, %mul3A_444 : i32
      %add3A_446 = arith.constant 11 : i32
      %add3A_447 = arith.addi %mul3A_445, %add3A_446 : i32
      %mul3A_448 = arith.constant 32 : i32
      %mul3A_449 = arith.muli %add3A_447, %mul3A_448 : i32
      %get3A_450 = arith.constant 0 : i32
      %get3A_451 = tpu.memref_slice %arg5[%scan3A_104, %get3A_450] : memref<2x16384xf32, #tpu.memory_space<vmem>> -> memref<1x16384xf32, #tpu.memory_space<vmem>>
      %get3A_452 = tpu.memref_squeeze %get3A_451 : memref<1x16384xf32, #tpu.memory_space<vmem>> -> memref<16384xf32, #tpu.memory_space<vmem>>
      %get3A_453 = arith.index_cast %mul3A_449 : i32 to index
      %get3A_454 = tpu.vector_load %get3A_452[%get3A_453] {strides = array<i32>} : memref<16384xf32, #tpu.memory_space<vmem>>, vector<16xf32>,
      %get3A_455 = vector.shape_cast %get3A_454 : vector<16xf32> to vector<16xf32>
      %mul3A_456 = vector.broadcast %squeeze3A_443 : f32 to vector<16xf32>
      %mul3A_457 = arith.mulf %mul3A_456, %get3A_455 : vector<16xf32>
      %add3A_458 = arith.addf %add3A_402, %mul3A_457 : vector<16xf32>
      %add3A_459 = arith.constant 16 : i32
      %add3A_460 = arith.addi %mul3A_449, %add3A_459 : i32
      %get3A_461 = arith.constant 0 : i32
      %get3A_462 = tpu.memref_slice %arg5[%scan3A_104, %get3A_461] : memref<2x16384xf32, #tpu.memory_space<vmem>> -> memref<1x16384xf32, #tpu.memory_space<vmem>>
      %get3A_463 = tpu.memref_squeeze %get3A_462 : memref<1x16384xf32, #tpu.memory_space<vmem>> -> memref<16384xf32, #tpu.memory_space<vmem>>
      %get3A_464 = arith.index_cast %add3A_460 : i32 to index
      %get3A_465 = tpu.vector_load %get3A_463[%get3A_464] {strides = array<i32>} : memref<16384xf32, #tpu.memory_space<vmem>>, vector<16xf32>,
      %get3A_466 = vector.shape_cast %get3A_465 : vector<16xf32> to vector<16xf32>
      %mul3A_467 = vector.broadcast %squeeze3A_443 : f32 to vector<16xf32>
      %mul3A_468 = arith.mulf %mul3A_467, %get3A_466 : vector<16xf32>
      %add3A_469 = arith.addf %add3A_413, %mul3A_468 : vector<16xf32>
      %slice3A_470 = vector.extract_strided_slice %get3A_135 {offsets = [12], sizes = [1], strides = [1]} : vector<16xf32> to vector<1xf32>
      %squeeze3A_471 = vector.extract %slice3A_470[0] : f32 from vector<1xf32>
      %mul3A_472 = arith.constant 16 : i32
      %mul3A_473 = arith.muli %scan3A_125, %mul3A_472 : i32
      %add3A_474 = arith.constant 12 : i32
      %add3A_475 = arith.addi %mul3A_473, %add3A_474 : i32
      %mul3A_476 = arith.constant 32 : i32
      %mul3A_477 = arith.muli %add3A_475, %mul3A_476 : i32
      %get3A_478 = arith.constant 0 : i32
      %get3A_479 = tpu.memref_slice %arg5[%scan3A_104, %get3A_478] : memref<2x16384xf32, #tpu.memory_space<vmem>> -> memref<1x16384xf32, #tpu.memory_space<vmem>>
      %get3A_480 = tpu.memref_squeeze %get3A_479 : memref<1x16384xf32, #tpu.memory_space<vmem>> -> memref<16384xf32, #tpu.memory_space<vmem>>
      %get3A_481 = arith.index_cast %mul3A_477 : i32 to index
      %get3A_482 = tpu.vector_load %get3A_480[%get3A_481] {strides = array<i32>} : memref<16384xf32, #tpu.memory_space<vmem>>, vector<16xf32>,
      %get3A_483 = vector.shape_cast %get3A_482 : vector<16xf32> to vector<16xf32>
      %mul3A_484 = vector.broadcast %squeeze3A_471 : f32 to vector<16xf32>
      %mul3A_485 = arith.mulf %mul3A_484, %get3A_483 : vector<16xf32>
      %add3A_486 = arith.addf %add3A_430, %mul3A_485 : vector<16xf32>
      %add3A_487 = arith.constant 16 : i32
      %add3A_488 = arith.addi %mul3A_477, %add3A_487 : i32
      %get3A_489 = arith.constant 0 : i32
      %get3A_490 = tpu.memref_slice %arg5[%scan3A_104, %get3A_489] : memref<2x16384xf32, #tpu.memory_space<vmem>> -> memref<1x16384xf32, #tpu.memory_space<vmem>>
      %get3A_491 = tpu.memref_squeeze %get3A_490 : memref<1x16384xf32, #tpu.memory_space<vmem>> -> memref<16384xf32, #tpu.memory_space<vmem>>
      %get3A_492 = arith.index_cast %add3A_488 : i32 to index
      %get3A_493 = tpu.vector_load %get3A_491[%get3A_492] {strides = array<i32>} : memref<16384xf32, #tpu.memory_space<vmem>>, vector<16xf32>,
      %get3A_494 = vector.shape_cast %get3A_493 : vector<16xf32> to vector<16xf32>
      %mul3A_495 = vector.broadcast %squeeze3A_471 : f32 to vector<16xf32>
      %mul3A_496 = arith.mulf %mul3A_495, %get3A_494 : vector<16xf32>
      %add3A_497 = arith.addf %add3A_441, %mul3A_496 : vector<16xf32>
      %slice3A_498 = vector.extract_strided_slice %get3A_135 {offsets = [13], sizes = [1], strides = [1]} : vector<16xf32> to vector<1xf32>
      %squeeze3A_499 = vector.extract %slice3A_498[0] : f32 from vector<1xf32>
      %mul3A_500 = arith.constant 16 : i32
      %mul3A_501 = arith.muli %scan3A_125, %mul3A_500 : i32
      %add3A_502 = arith.constant 13 : i32
      %add3A_503 = arith.addi %mul3A_501, %add3A_502 : i32
      %mul3A_504 = arith.constant 32 : i32
      %mul3A_505 = arith.muli %add3A_503, %mul3A_504 : i32
      %get3A_506 = arith.constant 0 : i32
      %get3A_507 = tpu.memref_slice %arg5[%scan3A_104, %get3A_506] : memref<2x16384xf32, #tpu.memory_space<vmem>> -> memref<1x16384xf32, #tpu.memory_space<vmem>>
      %get3A_508 = tpu.memref_squeeze %get3A_507 : memref<1x16384xf32, #tpu.memory_space<vmem>> -> memref<16384xf32, #tpu.memory_space<vmem>>
      %get3A_509 = arith.index_cast %mul3A_505 : i32 to index
      %get3A_510 = tpu.vector_load %get3A_508[%get3A_509] {strides = array<i32>} : memref<16384xf32, #tpu.memory_space<vmem>>, vector<16xf32>,
      %get3A_511 = vector.shape_cast %get3A_510 : vector<16xf32> to vector<16xf32>
      %mul3A_512 = vector.broadcast %squeeze3A_499 : f32 to vector<16xf32>
      %mul3A_513 = arith.mulf %mul3A_512, %get3A_511 : vector<16xf32>
      %add3A_514 = arith.addf %add3A_458, %mul3A_513 : vector<16xf32>
      %add3A_515 = arith.constant 16 : i32
      %add3A_516 = arith.addi %mul3A_505, %add3A_515 : i32
      %get3A_517 = arith.constant 0 : i32
      %get3A_518 = tpu.memref_slice %arg5[%scan3A_104, %get3A_517] : memref<2x16384xf32, #tpu.memory_space<vmem>> -> memref<1x16384xf32, #tpu.memory_space<vmem>>
      %get3A_519 = tpu.memref_squeeze %get3A_518 : memref<1x16384xf32, #tpu.memory_space<vmem>> -> memref<16384xf32, #tpu.memory_space<vmem>>
      %get3A_520 = arith.index_cast %add3A_516 : i32 to index
      %get3A_521 = tpu.vector_load %get3A_519[%get3A_520] {strides = array<i32>} : memref<16384xf32, #tpu.memory_space<vmem>>, vector<16xf32>,
      %get3A_522 = vector.shape_cast %get3A_521 : vector<16xf32> to vector<16xf32>
      %mul3A_523 = vector.broadcast %squeeze3A_499 : f32 to vector<16xf32>
      %mul3A_524 = arith.mulf %mul3A_523, %get3A_522 : vector<16xf32>
      %add3A_525 = arith.addf %add3A_469, %mul3A_524 : vector<16xf32>
      %slice3A_526 = vector.extract_strided_slice %get3A_135 {offsets = [14], sizes = [1], strides = [1]} : vector<16xf32> to vector<1xf32>
      %squeeze3A_527 = vector.extract %slice3A_526[0] : f32 from vector<1xf32>
      %mul3A_528 = arith.constant 16 : i32
      %mul3A_529 = arith.muli %scan3A_125, %mul3A_528 : i32
      %add3A_530 = arith.constant 14 : i32
      %add3A_531 = arith.addi %mul3A_529, %add3A_530 : i32
      %mul3A_532 = arith.constant 32 : i32
      %mul3A_533 = arith.muli %add3A_531, %mul3A_532 : i32
      %get3A_534 = arith.constant 0 : i32
      %get3A_535 = tpu.memref_slice %arg5[%scan3A_104, %get3A_534] : memref<2x16384xf32, #tpu.memory_space<vmem>> -> memref<1x16384xf32, #tpu.memory_space<vmem>>
      %get3A_536 = tpu.memref_squeeze %get3A_535 : memref<1x16384xf32, #tpu.memory_space<vmem>> -> memref<16384xf32, #tpu.memory_space<vmem>>
      %get3A_537 = arith.index_cast %mul3A_533 : i32 to index
      %get3A_538 = tpu.vector_load %get3A_536[%get3A_537] {strides = array<i32>} : memref<16384xf32, #tpu.memory_space<vmem>>, vector<16xf32>,
      %get3A_539 = vector.shape_cast %get3A_538 : vector<16xf32> to vector<16xf32>
      %mul3A_540 = vector.broadcast %squeeze3A_527 : f32 to vector<16xf32>
      %mul3A_541 = arith.mulf %mul3A_540, %get3A_539 : vector<16xf32>
      %add3A_542 = arith.addf %add3A_486, %mul3A_541 : vector<16xf32>
      %add3A_543 = arith.constant 16 : i32
      %add3A_544 = arith.addi %mul3A_533, %add3A_543 : i32
      %get3A_545 = arith.constant 0 : i32
      %get3A_546 = tpu.memref_slice %arg5[%scan3A_104, %get3A_545] : memref<2x16384xf32, #tpu.memory_space<vmem>> -> memref<1x16384xf32, #tpu.memory_space<vmem>>
      %get3A_547 = tpu.memref_squeeze %get3A_546 : memref<1x16384xf32, #tpu.memory_space<vmem>> -> memref<16384xf32, #tpu.memory_space<vmem>>
      %get3A_548 = arith.index_cast %add3A_544 : i32 to index
      %get3A_549 = tpu.vector_load %get3A_547[%get3A_548] {strides = array<i32>} : memref<16384xf32, #tpu.memory_space<vmem>>, vector<16xf32>,
      %get3A_550 = vector.shape_cast %get3A_549 : vector<16xf32> to vector<16xf32>
      %mul3A_551 = vector.broadcast %squeeze3A_527 : f32 to vector<16xf32>
      %mul3A_552 = arith.mulf %mul3A_551, %get3A_550 : vector<16xf32>
      %add3A_553 = arith.addf %add3A_497, %mul3A_552 : vector<16xf32>
      %slice3A_554 = vector.extract_strided_slice %get3A_135 {offsets = [15], sizes = [1], strides = [1]} : vector<16xf32> to vector<1xf32>
      %squeeze3A_555 = vector.extract %slice3A_554[0] : f32 from vector<1xf32>
      %mul3A_556 = arith.constant 16 : i32
      %mul3A_557 = arith.muli %scan3A_125, %mul3A_556 : i32
      %add3A_558 = arith.constant 15 : i32
      %add3A_559 = arith.addi %mul3A_557, %add3A_558 : i32
      %mul3A_560 = arith.constant 32 : i32
      %mul3A_561 = arith.muli %add3A_559, %mul3A_560 : i32
      %get3A_562 = arith.constant 0 : i32
      %get3A_563 = tpu.memref_slice %arg5[%scan3A_104, %get3A_562] : memref<2x16384xf32, #tpu.memory_space<vmem>> -> memref<1x16384xf32, #tpu.memory_space<vmem>>
      %get3A_564 = tpu.memref_squeeze %get3A_563 : memref<1x16384xf32, #tpu.memory_space<vmem>> -> memref<16384xf32, #tpu.memory_space<vmem>>
      %get3A_565 = arith.index_cast %mul3A_561 : i32 to index
      %get3A_566 = tpu.vector_load %get3A_564[%get3A_565] {strides = array<i32>} : memref<16384xf32, #tpu.memory_space<vmem>>, vector<16xf32>,
      %get3A_567 = vector.shape_cast %get3A_566 : vector<16xf32> to vector<16xf32>
      %mul3A_568 = vector.broadcast %squeeze3A_555 : f32 to vector<16xf32>
      %mul3A_569 = arith.mulf %mul3A_568, %get3A_567 : vector<16xf32>
      %add3A_570 = arith.addf %add3A_514, %mul3A_569 : vector<16xf32>
      %add3A_571 = arith.constant 16 : i32
      %add3A_572 = arith.addi %mul3A_561, %add3A_571 : i32
      %get3A_573 = arith.constant 0 : i32
      %get3A_574 = tpu.memref_slice %arg5[%scan3A_104, %get3A_573] : memref<2x16384xf32, #tpu.memory_space<vmem>> -> memref<1x16384xf32, #tpu.memory_space<vmem>>
      %get3A_575 = tpu.memref_squeeze %get3A_574 : memref<1x16384xf32, #tpu.memory_space<vmem>> -> memref<16384xf32, #tpu.memory_space<vmem>>
      %get3A_576 = arith.index_cast %add3A_572 : i32 to index
      %get3A_577 = tpu.vector_load %get3A_575[%get3A_576] {strides = array<i32>} : memref<16384xf32, #tpu.memory_space<vmem>>, vector<16xf32>,
      %get3A_578 = vector.shape_cast %get3A_577 : vector<16xf32> to vector<16xf32>
      %mul3A_579 = vector.broadcast %squeeze3A_555 : f32 to vector<16xf32>
      %mul3A_580 = arith.mulf %mul3A_579, %get3A_578 : vector<16xf32>
      %add3A_581 = arith.addf %add3A_525, %mul3A_580 : vector<16xf32>
      scf.yield %add3A_542, %add3A_553, %add3A_570, %add3A_581 : vector<16xf32>, vector<16xf32>, vector<16xf32>, vector<16xf32>
    }
    %scan3A_110 = arith.constant 32 : i32
    %add3A_111 = arith.addf %scan3A_109#0, %scan3A_109#2 : vector<16xf32>
    %swap3A_112 = arith.constant 31 : i32
    %swap3A_113 = arith.index_cast %swap3A_112 : i32 to index
    %swap3A_114 = arith.constant 0 : index
    %swap3A_115 = tpu.vector_load %arg7[%swap3A_113, %swap3A_114] {strides = array<i32>} : memref<32x32xf32, #tpu.memory_space<vmem>>, vector<1x16xf32>,
    %swap3A_116 = vector.shape_cast %swap3A_115 : vector<1x16xf32> to vector<16xf32>
    %swap3A_117 = vector.shape_cast %add3A_111 : vector<16xf32> to vector<1x16xf32>
    tpu.vector_store %arg7[%swap3A_113, %swap3A_114], %swap3A_117 {strides = array<i32>} : memref<32x32xf32, #tpu.memory_space<vmem>>, vector<1x16xf32>,
    %add3A_118 = arith.addf %scan3A_109#1, %scan3A_109#3 : vector<16xf32>
    %swap3A_119 = arith.constant 31 : i32
    %swap3A_120 = arith.index_cast %swap3A_119 : i32 to index
    %swap3A_121 = arith.constant 16 : index
    %swap3A_122 = tpu.vector_load %arg7[%swap3A_120, %swap3A_121] {strides = array<i32>} : memref<32x32xf32, #tpu.memory_space<vmem>>, vector<1x16xf32>,
    %swap3A_123 = vector.shape_cast %swap3A_122 : vector<1x16xf32> to vector<16xf32>
    %swap3A_124 = vector.shape_cast %add3A_118 : vector<16xf32> to vector<1x16xf32>
    tpu.vector_store %arg7[%swap3A_120, %swap3A_121], %swap3A_124 {strides = array<i32>} : memref<32x32xf32, #tpu.memory_space<vmem>>, vector<1x16xf32>,
    "tpu.region"() ({
      %run_scoped3A = tpu.sem_alloc : memref<!tpu.dma_semaphore, #tpu.memory_space<semaphore_mem>>
      %dma_start3A_125 = arith.constant 0 : i32
      %dma_start3A_126 = tpu.memref_slice %arg4[%mul3A_2, %dma_start3A_125] : memref<1024x32xf32, #tpu.memory_space<hbm>> -> memref<32x32xf32, #tpu.memory_space<hbm>>
      %dma_start3A_127 = arith.constant 0 : i32
      %dma_start3A_128 = tpu.memref_slice %arg4[%mul3A_2, %dma_start3A_127] : memref<1024x32xf32, #tpu.memory_space<hbm>> -> memref<32x32xf32, #tpu.memory_space<hbm>>
      tpu.enqueue_dma source(%arg7 : memref<32x32xf32, #tpu.memory_space<vmem>>) target(%dma_start3A_128 : memref<32x32xf32, #tpu.memory_space<hbm>>) target_semaphore(%run_scoped3A : memref<!tpu.dma_semaphore, #tpu.memory_space<semaphore_mem>>)
      %dma_wait3A_129 = arith.constant 0 : i32
      %dma_wait3A_130 = tpu.memref_slice %arg4[%mul3A_2, %dma_wait3A_129] : memref<1024x32xf32, #tpu.memory_space<hbm>> -> memref<32x32xf32, #tpu.memory_space<hbm>>
      %dma_wait3A_131 = arith.constant 0 : i32
      %dma_wait3A_132 = tpu.memref_slice %arg4[%mul3A_2, %dma_wait3A_131] : memref<1024x32xf32, #tpu.memory_space<hbm>> -> memref<32x32xf32, #tpu.memory_space<hbm>>
      tpu.wait_dma2 semaphore(%run_scoped3A : memref<!tpu.dma_semaphore, #tpu.memory_space<semaphore_mem>>) src(%arg7 : memref<32x32xf32, #tpu.memory_space<vmem>>) dst(%dma_wait3A_132 : memref<32x32xf32, #tpu.memory_space<hbm>>)
      tpu.yield
    }) : () -> ()
    return
  }
}

module attributes {stable_mosaic.version = 14 : i64} {
  func.func @_tc_full_body(%arg0: i32, %arg1: memref<64x17408xf32, #tpu.memory_space<vmem>>, %arg2: memref<32x512xf32, #tpu.memory_space<vmem>>, %arg3: memref<64x32xf32, #tpu.memory_space<vmem>>) attributes {dimension_semantics = [#tpu.dimension_semantics<arbitrary>], iteration_bounds = array<i64: 16>, scalar_prefetch = 0 : i64, scratch_operands = 0 : i64, tpu.core_type = #tpu.core_type<tc>, window_params = [{transform_indices = @transform_0, window_bounds = array<i64: 64, 17408>}, {pipeline_mode = #tpu.pipeline_mode<synchronous>, transform_indices = @transform_1, window_bounds = array<i64: 32, 512>}, {transform_indices = @transform_2, window_bounds = array<i64: 64, 32>}]} {
    %get3A = arith.constant 0 : index
    %get3A_0 = arith.constant 0 : index
    %get3A_1 = vector.load %arg1[%get3A, %get3A_0] : memref<64x17408xf32, #tpu.memory_space<vmem>>, vector<64x17408xf32>
    %slice3A = vector.extract_strided_slice %get3A_1 {offsets = [0, 0], sizes = [64, 512], strides = [1, 1]} : vector<64x17408xf32> to vector<64x512xf32>
    %reduce_max3A = arith.constant dense<0xFF800000> : vector<64xf32>
    %reduce_max3A_2 = vector.multi_reduction <maximumf>, %slice3A, %reduce_max3A [1] : vector<64x512xf32> to vector<64xf32>
    %broadcast_in_dim3A = vector.shape_cast %reduce_max3A_2 : vector<64xf32> to vector<64x1xf32>
    %sub3A = vector.broadcast %broadcast_in_dim3A : vector<64x1xf32> to vector<64x512xf32>
    %sub3A_3 = arith.subf %slice3A, %sub3A : vector<64x512xf32>
    %exp3A = math.exp %sub3A_3 : vector<64x512xf32>
    %reduce_sum3A = arith.constant dense<0.000000e+00> : vector<64xf32>
    %reduce_sum3A_4 = vector.multi_reduction <add>, %exp3A, %reduce_sum3A [1] : vector<64x512xf32> to vector<64xf32>
    %broadcast_in_dim3A_5 = vector.shape_cast %reduce_sum3A_4 : vector<64xf32> to vector<64x1xf32>
    %div3A = vector.broadcast %broadcast_in_dim3A_5 : vector<64x1xf32> to vector<64x512xf32>
    %div3A_6 = arith.divf %exp3A, %div3A : vector<64x512xf32>
    %iota3A = tpu.iota {dimensions = array<i32: 0>} : vector<128x4096xi32>
    %iota3A_7 = tpu.iota {dimensions = array<i32: 1>} : vector<128x4096xi32>
    %jit3A = arith.constant 128 : i32
    %div3A_8 = vector.broadcast %jit3A : i32 to vector<128x4096xi32>
    %div3A_9 = arith.divsi %iota3A_7, %div3A_8 : vector<128x4096xi32>
    %sign3A = arith.constant 0 : i32
    %sign3A_10 = vector.broadcast %sign3A : i32 to vector<128x4096xi32>
    %sign3A_11 = arith.cmpi sgt, %iota3A_7, %sign3A_10 : vector<128x4096xi32>
    %sign3A_12 = arith.extui %sign3A_11 : vector<128x4096xi1> to vector<128x4096xi32>
    %sign3A_13 = arith.constant 0 : i32
    %sign3A_14 = vector.broadcast %sign3A_13 : i32 to vector<128x4096xi32>
    %sign3A_15 = arith.cmpi slt, %iota3A_7, %sign3A_14 : vector<128x4096xi32>
    %sign3A_16 = arith.extui %sign3A_15 : vector<128x4096xi1> to vector<128x4096xi32>
    %sign3A_17 = arith.subi %sign3A_12, %sign3A_16 : vector<128x4096xi32>
    %sign3A_18 = arith.constant 0 : i32
    %sign3A_19 = arith.cmpi sgt, %jit3A, %sign3A_18 : i32
    %sign3A_20 = arith.extui %sign3A_19 : i1 to i32
    %sign3A_21 = arith.constant 0 : i32
    %sign3A_22 = arith.cmpi slt, %jit3A, %sign3A_21 : i32
    %sign3A_23 = arith.extui %sign3A_22 : i1 to i32
    %sign3A_24 = arith.subi %sign3A_20, %sign3A_23 : i32
    %ne3A = vector.broadcast %sign3A_24 : i32 to vector<128x4096xi32>
    %ne3A_25 = arith.cmpi ne, %sign3A_17, %ne3A : vector<128x4096xi32>
    %rem3A = vector.broadcast %jit3A : i32 to vector<128x4096xi32>
    %rem3A_26 = arith.remsi %iota3A_7, %rem3A : vector<128x4096xi32>
    %ne3A_27 = arith.constant 0 : i32
    %ne3A_28 = vector.broadcast %ne3A_27 : i32 to vector<128x4096xi32>
    %ne3A_29 = arith.cmpi ne, %rem3A_26, %ne3A_28 : vector<128x4096xi32>
    %and3A = arith.andi %ne3A_25, %ne3A_29 : vector<128x4096xi1>
    %sub3A_30 = arith.constant 1 : i32
    %sub3A_31 = vector.broadcast %sub3A_30 : i32 to vector<128x4096xi32>
    %sub3A_32 = arith.subi %div3A_9, %sub3A_31 : vector<128x4096xi32>
    %select_n3A = arith.select %and3A, %sub3A_32, %div3A_9 : vector<128x4096xi1>, vector<128x4096xi32>
    %mul3A = arith.constant 4 : i32
    %mul3A_33 = vector.broadcast %mul3A : i32 to vector<128x4096xi32>
    %mul3A_34 = arith.muli %select_n3A, %mul3A_33 : vector<128x4096xi32>
    %jit3A_35 = arith.constant 128 : i32
    %eq3A = arith.constant 0 : i32
    %eq3A_36 = arith.cmpi eq, %jit3A_35, %eq3A : i32
    %jit3A_37 = arith.constant 1 : i32
    %select_n3A_38 = arith.select %eq3A_36, %jit3A_37, %jit3A_35 : i32
    %rem3A_39 = vector.broadcast %select_n3A_38 : i32 to vector<128x4096xi32>
    %rem3A_40 = arith.remsi %iota3A_7, %rem3A_39 : vector<128x4096xi32>
    %ne3A_41 = arith.constant 0 : i32
    %ne3A_42 = vector.broadcast %ne3A_41 : i32 to vector<128x4096xi32>
    %ne3A_43 = arith.cmpi ne, %rem3A_40, %ne3A_42 : vector<128x4096xi32>
    %lt3A = arith.constant 0 : i32
    %lt3A_44 = vector.broadcast %lt3A : i32 to vector<128x4096xi32>
    %lt3A_45 = arith.cmpi slt, %rem3A_40, %lt3A_44 : vector<128x4096xi32>
    %lt3A_46 = arith.constant 0 : i32
    %lt3A_47 = arith.cmpi slt, %select_n3A_38, %lt3A_46 : i32
    %ne3A_48 = vector.broadcast %lt3A_47 : i1 to vector<128x4096xi1>
    %ne3A_49 = vector.broadcast %ne3A_48 : vector<128x4096xi1> to vector<128x4096xi1>
    %ne3A_50 = arith.xori %lt3A_45, %ne3A_49 : vector<128x4096xi1>
    %and3A_51 = arith.andi %ne3A_50, %ne3A_43 : vector<128x4096xi1>
    %add3A = vector.broadcast %select_n3A_38 : i32 to vector<128x4096xi32>
    %add3A_52 = arith.addi %rem3A_40, %add3A : vector<128x4096xi32>
    %select_n3A_53 = arith.select %and3A_51, %add3A_52, %rem3A_40 : vector<128x4096xi1>, vector<128x4096xi32>
    %jit3A_54 = arith.constant 32 : i32
    %div3A_55 = vector.broadcast %jit3A_54 : i32 to vector<128x4096xi32>
    %div3A_56 = arith.divsi %select_n3A_53, %div3A_55 : vector<128x4096xi32>
    %sign3A_57 = arith.constant 0 : i32
    %sign3A_58 = vector.broadcast %sign3A_57 : i32 to vector<128x4096xi32>
    %sign3A_59 = arith.cmpi sgt, %select_n3A_53, %sign3A_58 : vector<128x4096xi32>
    %sign3A_60 = arith.extui %sign3A_59 : vector<128x4096xi1> to vector<128x4096xi32>
    %sign3A_61 = arith.constant 0 : i32
    %sign3A_62 = vector.broadcast %sign3A_61 : i32 to vector<128x4096xi32>
    %sign3A_63 = arith.cmpi slt, %select_n3A_53, %sign3A_62 : vector<128x4096xi32>
    %sign3A_64 = arith.extui %sign3A_63 : vector<128x4096xi1> to vector<128x4096xi32>
    %sign3A_65 = arith.subi %sign3A_60, %sign3A_64 : vector<128x4096xi32>
    %sign3A_66 = arith.constant 0 : i32
    %sign3A_67 = arith.cmpi sgt, %jit3A_54, %sign3A_66 : i32
    %sign3A_68 = arith.extui %sign3A_67 : i1 to i32
    %sign3A_69 = arith.constant 0 : i32
    %sign3A_70 = arith.cmpi slt, %jit3A_54, %sign3A_69 : i32
    %sign3A_71 = arith.extui %sign3A_70 : i1 to i32
    %sign3A_72 = arith.subi %sign3A_68, %sign3A_71 : i32
    %ne3A_73 = vector.broadcast %sign3A_72 : i32 to vector<128x4096xi32>
    %ne3A_74 = arith.cmpi ne, %sign3A_65, %ne3A_73 : vector<128x4096xi32>
    %rem3A_75 = vector.broadcast %jit3A_54 : i32 to vector<128x4096xi32>
    %rem3A_76 = arith.remsi %select_n3A_53, %rem3A_75 : vector<128x4096xi32>
    %ne3A_77 = arith.constant 0 : i32
    %ne3A_78 = vector.broadcast %ne3A_77 : i32 to vector<128x4096xi32>
    %ne3A_79 = arith.cmpi ne, %rem3A_76, %ne3A_78 : vector<128x4096xi32>
    %and3A_80 = arith.andi %ne3A_74, %ne3A_79 : vector<128x4096xi1>
    %sub3A_81 = arith.constant 1 : i32
    %sub3A_82 = vector.broadcast %sub3A_81 : i32 to vector<128x4096xi32>
    %sub3A_83 = arith.subi %div3A_56, %sub3A_82 : vector<128x4096xi32>
    %select_n3A_84 = arith.select %and3A_80, %sub3A_83, %div3A_56 : vector<128x4096xi1>, vector<128x4096xi32>
    %add3A_85 = arith.addi %mul3A_34, %select_n3A_84 : vector<128x4096xi32>
    %eq3A_86 = arith.cmpi eq, %iota3A, %add3A_85 : vector<128x4096xi32>
    %convert_element_type3A = arith.extui %eq3A_86 : vector<128x4096xi1> to vector<128x4096xi32>
    %convert_element_type3A_87 = arith.sitofp %convert_element_type3A : vector<128x4096xi32> to vector<128x4096xf32>
    %broadcast_in_dim3A_88 = arith.constant 0.000000e+00 : f32
    %broadcast_in_dim3A_89 = vector.broadcast %broadcast_in_dim3A_88 : f32 to vector<64x128xf32>
    %slice3A_90 = vector.extract_strided_slice %div3A_6 {offsets = [0, 0], sizes = [64, 128], strides = [1, 1]} : vector<64x512xf32> to vector<64x128xf32>
    %dot_general3A = arith.constant dense<0.000000e+00> : vector<64x4096xf32>
    %dot_general3A_91 = tpu.matmul %slice3A_90, %convert_element_type3A_87, %dot_general3A {dimension_numbers = #tpu.dot_dimension_numbers<[1], [0], [0], [1], [0, 0, 1, 1], [], []>, transpose_lhs_hint = false} : vector<64x128xf32>, vector<128x4096xf32>, vector<64x4096xf32> -> vector<64x4096xf32>
    %slice3A_92 = vector.extract_strided_slice %get3A_1 {offsets = [0, 512], sizes = [64, 4096], strides = [1, 1]} : vector<64x17408xf32> to vector<64x4096xf32>
    %mul3A_93 = arith.mulf %dot_general3A_91, %slice3A_92 : vector<64x4096xf32>
    %reshape3A = vector.shape_cast %mul3A_93 : vector<64x4096xf32> to vector<64x32x128xf32>
    %reduce_sum3A_94 = arith.constant dense<0.000000e+00> : vector<64x128xf32>
    %reduce_sum3A_95 = vector.multi_reduction <add>, %reshape3A, %reduce_sum3A_94 [1] : vector<64x32x128xf32> to vector<64x128xf32>
    %add3A_96 = arith.addf %broadcast_in_dim3A_89, %reduce_sum3A_95 : vector<64x128xf32>
    %slice3A_97 = vector.extract_strided_slice %div3A_6 {offsets = [0, 128], sizes = [64, 128], strides = [1, 1]} : vector<64x512xf32> to vector<64x128xf32>
    %dot_general3A_98 = arith.constant dense<0.000000e+00> : vector<64x4096xf32>
    %dot_general3A_99 = tpu.matmul %slice3A_97, %convert_element_type3A_87, %dot_general3A_98 {dimension_numbers = #tpu.dot_dimension_numbers<[1], [0], [0], [1], [0, 0, 1, 1], [], []>, transpose_lhs_hint = false} : vector<64x128xf32>, vector<128x4096xf32>, vector<64x4096xf32> -> vector<64x4096xf32>
    %slice3A_100 = vector.extract_strided_slice %get3A_1 {offsets = [0, 4608], sizes = [64, 4096], strides = [1, 1]} : vector<64x17408xf32> to vector<64x4096xf32>
    %mul3A_101 = arith.mulf %dot_general3A_99, %slice3A_100 : vector<64x4096xf32>
    %reshape3A_102 = vector.shape_cast %mul3A_101 : vector<64x4096xf32> to vector<64x32x128xf32>
    %reduce_sum3A_103 = arith.constant dense<0.000000e+00> : vector<64x128xf32>
    %reduce_sum3A_104 = vector.multi_reduction <add>, %reshape3A_102, %reduce_sum3A_103 [1] : vector<64x32x128xf32> to vector<64x128xf32>
    %add3A_105 = arith.addf %add3A_96, %reduce_sum3A_104 : vector<64x128xf32>
    %slice3A_106 = vector.extract_strided_slice %div3A_6 {offsets = [0, 256], sizes = [64, 128], strides = [1, 1]} : vector<64x512xf32> to vector<64x128xf32>
    %dot_general3A_107 = arith.constant dense<0.000000e+00> : vector<64x4096xf32>
    %dot_general3A_108 = tpu.matmul %slice3A_106, %convert_element_type3A_87, %dot_general3A_107 {dimension_numbers = #tpu.dot_dimension_numbers<[1], [0], [0], [1], [0, 0, 1, 1], [], []>, transpose_lhs_hint = false} : vector<64x128xf32>, vector<128x4096xf32>, vector<64x4096xf32> -> vector<64x4096xf32>
    %slice3A_109 = vector.extract_strided_slice %get3A_1 {offsets = [0, 8704], sizes = [64, 4096], strides = [1, 1]} : vector<64x17408xf32> to vector<64x4096xf32>
    %mul3A_110 = arith.mulf %dot_general3A_108, %slice3A_109 : vector<64x4096xf32>
    %reshape3A_111 = vector.shape_cast %mul3A_110 : vector<64x4096xf32> to vector<64x32x128xf32>
    %reduce_sum3A_112 = arith.constant dense<0.000000e+00> : vector<64x128xf32>
    %reduce_sum3A_113 = vector.multi_reduction <add>, %reshape3A_111, %reduce_sum3A_112 [1] : vector<64x32x128xf32> to vector<64x128xf32>
    %add3A_114 = arith.addf %add3A_105, %reduce_sum3A_113 : vector<64x128xf32>
    %slice3A_115 = vector.extract_strided_slice %div3A_6 {offsets = [0, 384], sizes = [64, 128], strides = [1, 1]} : vector<64x512xf32> to vector<64x128xf32>
    %dot_general3A_116 = arith.constant dense<0.000000e+00> : vector<64x4096xf32>
    %dot_general3A_117 = tpu.matmul %slice3A_115, %convert_element_type3A_87, %dot_general3A_116 {dimension_numbers = #tpu.dot_dimension_numbers<[1], [0], [0], [1], [0, 0, 1, 1], [], []>, transpose_lhs_hint = false} : vector<64x128xf32>, vector<128x4096xf32>, vector<64x4096xf32> -> vector<64x4096xf32>
    %slice3A_118 = vector.extract_strided_slice %get3A_1 {offsets = [0, 12800], sizes = [64, 4096], strides = [1, 1]} : vector<64x17408xf32> to vector<64x4096xf32>
    %mul3A_119 = arith.mulf %dot_general3A_117, %slice3A_118 : vector<64x4096xf32>
    %reshape3A_120 = vector.shape_cast %mul3A_119 : vector<64x4096xf32> to vector<64x32x128xf32>
    %reduce_sum3A_121 = arith.constant dense<0.000000e+00> : vector<64x128xf32>
    %reduce_sum3A_122 = vector.multi_reduction <add>, %reshape3A_120, %reduce_sum3A_121 [1] : vector<64x32x128xf32> to vector<64x128xf32>
    %add3A_123 = arith.addf %add3A_114, %reduce_sum3A_122 : vector<64x128xf32>
    %slice3A_124 = vector.extract_strided_slice %add3A_123 {offsets = [0, 0], sizes = [64, 32], strides = [1, 1]} : vector<64x128xf32> to vector<64x32xf32>
    %slice3A_125 = vector.extract_strided_slice %add3A_123 {offsets = [0, 32], sizes = [64, 32], strides = [1, 1]} : vector<64x128xf32> to vector<64x32xf32>
    %add3A_126 = arith.addf %slice3A_124, %slice3A_125 : vector<64x32xf32>
    %slice3A_127 = vector.extract_strided_slice %add3A_123 {offsets = [0, 64], sizes = [64, 32], strides = [1, 1]} : vector<64x128xf32> to vector<64x32xf32>
    %add3A_128 = arith.addf %add3A_126, %slice3A_127 : vector<64x32xf32>
    %slice3A_129 = vector.extract_strided_slice %add3A_123 {offsets = [0, 96], sizes = [64, 32], strides = [1, 1]} : vector<64x128xf32> to vector<64x32xf32>
    %add3A_130 = arith.addf %add3A_128, %slice3A_129 : vector<64x32xf32>
    %get3A_131 = arith.constant 0 : index
    %get3A_132 = arith.constant 0 : index
    %get3A_133 = vector.load %arg2[%get3A_131, %get3A_132] : memref<32x512xf32, #tpu.memory_space<vmem>>, vector<32x512xf32>
    %dot_general3A_134 = arith.constant dense<0.000000e+00> : vector<64x32xf32>
    %dot_general3A_135 = tpu.matmul %div3A_6, %get3A_133, %dot_general3A_134 {dimension_numbers = #tpu.dot_dimension_numbers<[1], [1], [0], [0], [0, 0, 1, 0], [], []>, transpose_lhs_hint = false} : vector<64x512xf32>, vector<32x512xf32>, vector<64x32xf32> -> vector<64x32xf32>
    %add3A_136 = arith.addf %add3A_130, %dot_general3A_135 : vector<64x32xf32>
    %swap3A = arith.constant 0 : index
    %swap3A_137 = arith.constant 0 : index
    %swap3A_138 = vector.load %arg3[%swap3A, %swap3A_137] : memref<64x32xf32, #tpu.memory_space<vmem>>, vector<64x32xf32>
    tpu.vector_store %arg3[%swap3A, %swap3A_137], %add3A_136 {strides = array<i32>} : memref<64x32xf32, #tpu.memory_space<vmem>>, vector<64x32xf32>,
    return
  }
  func.func @transform_0(%arg0: i32) -> (i32, i32) {
    %add3A = arith.constant 16 : i32
    %add3A_0 = arith.addi %arg0, %add3A : i32
    %c0_i32 = arith.constant 0 : i32
    %c0_i32_1 = arith.constant 0 : i32
    return %add3A_0, %c0_i32 : i32, i32
  }
  func.func @transform_1(%arg0: i32) -> (i32, i32) {
    %c0_i32 = arith.constant 0 : i32
    %c0_i32_0 = arith.constant 0 : i32
    %c0_i32_1 = arith.constant 0 : i32
    return %c0_i32, %c0_i32_0 : i32, i32
  }
  func.func @transform_2(%arg0: i32) -> (i32, i32) {
    %c0_i32 = arith.constant 0 : i32
    %c0_i32_0 = arith.constant 0 : i32
    return %arg0, %c0_i32 : i32, i32
  }
}

module attributes {stable_mosaic.version = 14 : i64} {
  func.func @_softmax_matvec_body(%arg0: i32, %arg1: memref<512x512xf32, #tpu.memory_space<vmem>>, %arg2: memref<32x512xf32, #tpu.memory_space<vmem>>, %arg3: memref<512x512xf32, #tpu.memory_space<vmem>>, %arg4: memref<512x32xf32, #tpu.memory_space<vmem>>) attributes {dimension_semantics = [#tpu.dimension_semantics<arbitrary>], iteration_bounds = array<i64: 2>, scalar_prefetch = 0 : i64, scratch_operands = 0 : i64, tpu.core_type = #tpu.core_type<tc>, window_params = [{transform_indices = @transform_0, window_bounds = array<i64: 512, 512>}, {pipeline_mode = #tpu.pipeline_mode<synchronous>, transform_indices = @transform_1, window_bounds = array<i64: 32, 512>}, {transform_indices = @transform_2, window_bounds = array<i64: 512, 512>}, {transform_indices = @transform_3, window_bounds = array<i64: 512, 32>}]} {
    %get3A = arith.constant 0 : index
    %get3A_0 = arith.constant 0 : index
    %get3A_1 = vector.load %arg1[%get3A, %get3A_0] : memref<512x512xf32, #tpu.memory_space<vmem>>, vector<512x512xf32>
    %reduce_max3A = arith.constant dense<0xFF800000> : vector<512xf32>
    %reduce_max3A_2 = vector.multi_reduction <maximumf>, %get3A_1, %reduce_max3A [1] : vector<512x512xf32> to vector<512xf32>
    %broadcast_in_dim3A = vector.shape_cast %reduce_max3A_2 : vector<512xf32> to vector<512x1xf32>
    %sub3A = vector.broadcast %broadcast_in_dim3A : vector<512x1xf32> to vector<512x512xf32>
    %sub3A_3 = arith.subf %get3A_1, %sub3A : vector<512x512xf32>
    %exp3A = math.exp %sub3A_3 : vector<512x512xf32>
    %reduce_sum3A = arith.constant dense<0.000000e+00> : vector<512xf32>
    %reduce_sum3A_4 = vector.multi_reduction <add>, %exp3A, %reduce_sum3A [1] : vector<512x512xf32> to vector<512xf32>
    %broadcast_in_dim3A_5 = vector.shape_cast %reduce_sum3A_4 : vector<512xf32> to vector<512x1xf32>
    %div3A = vector.broadcast %broadcast_in_dim3A_5 : vector<512x1xf32> to vector<512x512xf32>
    %div3A_6 = arith.divf %exp3A, %div3A : vector<512x512xf32>
    %swap3A = arith.constant 0 : index
    %swap3A_7 = arith.constant 0 : index
    %swap3A_8 = vector.load %arg3[%swap3A, %swap3A_7] : memref<512x512xf32, #tpu.memory_space<vmem>>, vector<512x512xf32>
    tpu.vector_store %arg3[%swap3A, %swap3A_7], %div3A_6 {strides = array<i32>} : memref<512x512xf32, #tpu.memory_space<vmem>>, vector<512x512xf32>,
    %get3A_9 = arith.constant 0 : index
    %get3A_10 = arith.constant 0 : index
    %get3A_11 = vector.load %arg2[%get3A_9, %get3A_10] : memref<32x512xf32, #tpu.memory_space<vmem>>, vector<32x512xf32>
    %dot_general3A = arith.constant dense<0.000000e+00> : vector<512x32xf32>
    %dot_general3A_12 = tpu.matmul %div3A_6, %get3A_11, %dot_general3A {dimension_numbers = #tpu.dot_dimension_numbers<[1], [1], [0], [0], [0, 0, 1, 0], [], []>, transpose_lhs_hint = false} : vector<512x512xf32>, vector<32x512xf32>, vector<512x32xf32> -> vector<512x32xf32>
    %swap3A_13 = arith.constant 0 : index
    %swap3A_14 = arith.constant 0 : index
    %swap3A_15 = vector.load %arg4[%swap3A_13, %swap3A_14] : memref<512x32xf32, #tpu.memory_space<vmem>>, vector<512x32xf32>
    tpu.vector_store %arg4[%swap3A_13, %swap3A_14], %dot_general3A_12 {strides = array<i32>} : memref<512x32xf32, #tpu.memory_space<vmem>>, vector<512x32xf32>,
    return
  }
  func.func @transform_0(%arg0: i32) -> (i32, i32) {
    %c0_i32 = arith.constant 0 : i32
    %c0_i32_0 = arith.constant 0 : i32
    return %arg0, %c0_i32 : i32, i32
  }
  func.func @transform_1(%arg0: i32) -> (i32, i32) {
    %c0_i32 = arith.constant 0 : i32
    %c0_i32_0 = arith.constant 0 : i32
    %c0_i32_1 = arith.constant 0 : i32
    return %c0_i32, %c0_i32_0 : i32, i32
  }
  func.func @transform_2(%arg0: i32) -> (i32, i32) {
    %c0_i32 = arith.constant 0 : i32
    %c0_i32_0 = arith.constant 0 : i32
    return %arg0, %c0_i32 : i32, i32
  }
  func.func @transform_3(%arg0: i32) -> (i32, i32) {
    %c0_i32 = arith.constant 0 : i32
    %c0_i32_0 = arith.constant 0 : i32
    return %arg0, %c0_i32 : i32, i32
  }
}

</mosaic_0001>

<sc_bundles>
// kernel: kernel.5.cloned.1.call-start
scs
__scs_entry_jumppad:
0x0: {  	(pc) =	sbr.rel $0x88, $3  }
0x1: {  	(tag) =	ssettag $0x0;
	lr =	simm.s32 $0x1  }
0x2: {  	[smem:$0x3F9F] =	sst lr;
	_ =	strace $0xD0000000  }
0x3: {  	_ = 	snop  }
0x4: {  	_ = 	snop  }
0x5: {  	_ = 	snop  }
0x6: {  	_ = 	snop  }
0x7: {  	_ = 	snop  }
__scs_overlays_trampoline_lowered:
0x8: {  	[smem:$0x3FAE] =	sst s0  }
0x9: {  	[smem:$0x3FAF] =	sst s1  }
0xa: {  	[smem:$0x3FB0] =	sst s2  }
0xb: {  	[smem:$0x3FB1] =	sst s3  }
0xc: {  	[smem:$0x3FB2] =	sst s4  }
0xd: {  	[smem:$0x3FB3] =	sst s5  }
0xe: {  	[smem:$0x3FB4] =	sst s6  }
0xf: {  	[smem:$0x3FB5] =	sst s7  }
0x10: {  	[smem:$0x3FB6] =	sst s8  }
0x11: {  	[smem:$0x3FB7] =	sst s9;
	s0 =	simm.s32 @!p0 $0x0  }
0x12: {  	s1 =	sld [smem:$0x3F9D];
	s0 =	simm.s32 @p0 $0x1  }
0x13: {  	[smem:$0x3FB8] =	sst s0;
	s0 =	simm.s32 @!p1 $0x0  }
0x14: {  	s2 =	sld [smem:$0x3F9C];
	s0 =	simm.s32 @p1 $0x1  }
0x15: {  	[smem:$0x3FB9] =	sst s0;
	s0 =	simm.s32 @!p2 $0x0  }
0x16: {  	s3 =	sld [smem:$0x3FDB];
	s0 =	simm.s32 @p2 $0x1  }
0x17: {  	s4 =	simm.s32 $0x1BF5;
	[smem:$0x3FBB] =	sst s0  }
0x18: {  	s0 =	sld [smem:$0x3F9E];
	_ =	swait.ge [sflag:s4], $0x0  }
0x19: {  	s7 =	sld [smem:$0x3F9F]  }
0x1a: {  	s8 =	sadd.s32 $0xFFFFE003, lr  }
0x1b: {  	s9 =	sadd.s32 $0xFFFFFEF7, lr;
	s5 =	simm.s32 $0xFFFFFFFF;
	p2 =	slt.u32 s8, $0xFFFFF086  }
0x1c: {  	p1 =	slt.u32 s9, $0xF7A;
	s5 =	simm.s32 @!p2 $0x0  }
0x1d: {  	s5 =	simm.s32 @p1 $0x1;
	p0 =	seq.s32 s7, s2  }
0x1e: {  	s7 =	smul.u32 @!p0 $0xF7A, s2;
	p2 =	seq.s32 @!p0 s5, $0x0  }
0x1f: {  	s9 =	smul.u32 $0xF7A, s1;
	s8 =	simm.s32 @!p0 $0x1BF5;
	p2 =	por !p2, p0  }
0x20: {  	[sflag:s8] =	ssyncset.s32 @!p0 $0xFFFFF086;
	s6 =	sadd.s32 @!p0 s3, s7;
	s7 =	simm.s32 @!p0 $0x108  }
0x21: {  	s3 =	sadd.s32 s3, s9;
	s6 =	sadd.s32 @!p0 $0x88, s6;
	s7 =	simm.s32 @p2 $0x1082  }
0x22: {  	[simem:s7], [sflag:s8] =	dma.local @!p0 [hbm:s6], $0xF7A  }
0x23: {  	s9 =	sor.u32 $0xD0000000, s2;
	s6 =	simm.s32 $0x108;
	_ =	swait.ge @!p0 [sflag:s8], $0x0  }
0x24: {  	s3 =	sadd.s32 $0x88, s3;
	s6 =	simm.s32 @!p1 $0x1082;
	[sflag:s4] =	ssyncset.s32 $0xFFFFF086  }
0x25: {  	[simem:s6], [sflag:s4] =	dma.local [hbm:s3], $0xF7A  }
0x26: {  	[smem:$0x3F9F] =	sst s1;
	(tag) =	ssettag s2;
	_ =	strace s9  }
0x27: {  	s1 =	sld [smem:$0x3FAF]  }
0x28: {  	s2 =	sld [smem:$0x3FB0]  }
0x29: {  	s4 =	sld [smem:$0x3FB2]  }
0x2a: {  	p0 =	seq.s32 s5, $0x0;
	s5 =	sld [smem:$0x3FB3]  }
0x2b: {  	s6 =	sld [smem:$0x3FB4]  }
0x2c: {  	s7 =	sld [smem:$0x3FB5]  }
0x2d: {  	s3 =	simm.s32 $0x108;
	s8 =	sld [smem:$0x3FB6]  }
0x2e: {  	s3 =	simm.s32 @!p0 $0x1082;
	s9 =	sld [smem:$0x3FB7]  }
0x2f: {  	lr =	sadd.s32 s0, s3;
	s0 =	sld [smem:$0x3FAE]  }
0x30: {  	s3 =	sld [smem:$0x3FB1]  }
0x31: {  	[smem:$0x3FBA] =	sst s10  }
0x32: {  	s10 =	sld [smem:$0x3FB8];
	_ =	sdelay $0x3  }
0x33: {  	p0 =	seq.s32 s10, $0x1;
	s10 =	sld [smem:$0x3FBA];
	_ =	sdelay $0x3  }
0x34: {  	[smem:$0x3FBA] =	sst s10  }
0x35: {  	s10 =	sld [smem:$0x3FB9];
	_ =	sdelay $0x3  }
0x36: {  	p1 =	seq.s32 s10, $0x1;
	s10 =	sld [smem:$0x3FBA];
	_ =	sdelay $0x3  }
0x37: {  	[smem:$0x3FBA] =	sst s10  }
0x38: {  	s10 =	sld [smem:$0x3FBB]  }
0x39: {  	_ = 	snop;
	(pc) =	sbr.ind lr, $3  }
0x3a: {  	_ = 	snop  }
0x3b: {  	_ = 	snop  }
0x3c: {  	p2 =	seq.s32 s10, $0x1;
	s10 =	sld [smem:$0x3FBA]  }
0x3d: {  	_ =	shalt  }
0x3e: {  	_ =	shalt  }
0x3f: {  	_ =	shalt  }
0x40: {  	_ =	shalt  }
0x41: {  	_ =	shalt  }
0x42: {  	_ =	shalt  }
0x43: {  	_ =	shalt  }
0x44: {  	_ =	shalt  }
0x45: {  	_ =	shalt  }
0x46: {  	_ =	shalt  }
0x47: {  	_ =	shalt  }
0x48: {  	_ =	shalt  }
0x49: {  	_ =	shalt  }
0x4a: {  	_ =	shalt  }
0x4b: {  	_ =	shalt  }
0x4c: {  	_ =	shalt  }
0x4d: {  	_ =	shalt  }
0x4e: {  	_ =	shalt  }
0x4f: {  	_ =	shalt  }
0x50: {  	_ =	shalt  }
0x51: {  	_ =	shalt  }
0x52: {  	_ =	shalt  }
0x53: {  	_ =	shalt  }
0x54: {  	_ =	shalt  }
0x55: {  	_ =	shalt  }
0x56: {  	_ =	shalt  }
0x57: {  	_ =	shalt  }
0x58: {  	_ =	shalt  }
0x59: {  	_ =	shalt  }
0x5a: {  	_ =	shalt  }
0x5b: {  	_ =	shalt  }
0x5c: {  	_ =	shalt  }
0x5d: {  	_ =	shalt  }
0x5e: {  	_ =	shalt  }
0x5f: {  	_ =	shalt  }
0x60: {  	_ =	shalt  }
0x61: {  	_ =	shalt  }
0x62: {  	_ =	shalt  }
0x63: {  	_ =	shalt  }
0x64: {  	_ =	shalt  }
0x65: {  	_ =	shalt  }
0x66: {  	_ =	shalt  }
0x67: {  	_ =	shalt  }
0x68: {  	_ =	shalt  }
0x69: {  	_ =	shalt  }
0x6a: {  	_ =	shalt  }
0x6b: {  	_ =	shalt  }
0x6c: {  	_ =	shalt  }
0x6d: {  	_ =	shalt  }
0x6e: {  	_ =	shalt  }
0x6f: {  	_ =	shalt  }
0x70: {  	_ =	shalt  }
0x71: {  	_ =	shalt  }
0x72: {  	_ =	shalt  }
0x73: {  	_ =	shalt  }
0x74: {  	_ =	shalt  }
0x75: {  	_ =	shalt  }
0x76: {  	_ =	shalt  }
0x77: {  	_ =	shalt  }
0x78: {  	_ =	shalt  }
0x79: {  	_ =	shalt  }
0x7a: {  	_ =	shalt  }
0x7b: {  	_ =	shalt  }
0x7c: {  	_ =	shalt  }
0x7d: {  	_ =	shalt  }
0x7e: {  	_ =	shalt  }
0x7f: {  	_ =	shalt  }
0x80: {  	_ =	shalt  }
0x81: {  	_ =	shalt  }
0x82: {  	_ =	shalt  }
0x83: {  	_ =	shalt  }
0x84: {  	_ =	shalt  }
0x85: {  	_ =	shalt  }
0x86: {  	_ =	shalt  }
0x87: {  	_ =	shalt  }
.Lfunc_end0:
.L_simem_size_0:
called_computation_lowered:
.L_overlay_start_0:
0x88: {  	s2 =	sld [smem:$0x3FD9]  }
0x89: {  	s3 =	sld [smem:$0x3FFE];
	_ =	sdelay $0x1  }
0x8a: {  	s1 =	srdreg.scid  }
0x8b: {  	s0 =	sand.u32 $0x1, s1  }
0x8c: {  	s17 =	sshll.u32 s0, $0xA;
	s2 =	sadd.s32 s3, s2  }
0x8d: {  	s2 =	sadd.s32 s2, s17  }
0x8e: {  	[smem:$0x3FC6] =	sst s2  }
0x8f: {  	_ = 	snop  }
0x90: {  	s2 =	sld [smem:$0x3FC9];
	(tm) =	ssettm $0x1  }
0x91: {  	s18 =	sld [smem:$0x3FFB];
	_ =	sdelay $0x3  }
0x92: {  	_ =	strace s18  }
0x93: {  	s3 =	sld [smem:$0x3FFC];
	_ =	sdelay $0x3  }
0x94: {  	_ =	strace s3  }
0x95: {  	s3 =	sld [smem:$0x3FFD];
	_ =	sdelay $0x3  }
0x96: {  	_ =	strace s3  }
0x97: {  	_ =	strace $0x8FFFFFFF  }
0x98: {  	s19 =	sld [smem:$0x3FDB];
	_ =	sdelay $0x1  }
0x99: {  	s4 =	simm.s32 $_scs_section_size  }
0x9a: {  	s5 =	simm.s32 $_size__tile_overlayer_lowered;
	s6 =	simm.s32 $_tile_overlayer_lowered  }
0x9b: {  	s22 =	simm.s32 $0x1BFF;
	s21 =	sshll.u32 s6, $0x1;
	s3 =	sadd.s32 s4, s19  }
0x9c: {  	s7 =	simm.s32 $0x0;
	s20 =	sshll.u32 s5, $0x1;
	s5 =	sadd.s32 s21, s3  }
0x9d: {  	[timem:s7], [sflag:s22] =	dma.local [hbm:s5], s20  }
0x9e: {  	_ =	swait.ge [sflag:s22], s20  }
0x9f: {  	s4 =	ssub.s32 $0x0, s20;
	[sflag:s22] =	ssyncset.done $0x0  }
0xa0: {  	[sflag:s22] =	ssyncadd.s32 s4;
	_ =	sdelay $0x1  }
0xa1: {  	s23 =	simm.s32 $0x1B8B  }
0xa2: {  	_ =	swait.ge [sflag:s23], $0x1  }
0xa3: {  	[sflag:s23] =	ssyncset.done $0x0  }
0xa4: {  	s25 =	simm.s32 $0x1B8E;
	s24 =	sld [smem:$0x3FFE];
	[sflag:s23] =	ssyncadd.s32 $0xFFFFFFFF  }
0xa5: {  	s26 =	simm.s32 $execute0_lowered;
	[smem:$0x3FD2] =	sst s25  }
0xa6: {  	s5 =	sshll.u32 s26, $0x1;
	_ =	strace $0x80000046;
	[dreg:$0x1] =	wrdreg $0xFFFFFFFF  }
0xa7: {  	s28 =	simm.s32 $_size_execute0_lowered;
	s3 =	sadd.s32 s3, s5;
	[dreg:$0x0] =	wrdreg $0x0  }
0xa8: {  	s5 =	sshll.u32 s28, $0x1;
	[dreg:$0x2] =	wrdreg s3  }
0xa9: {  	[dreg:$0x3] =	wrdreg s5  }
0xaa: {  	[dreg:$0x4] =	wrdreg $0xC0  }
0xab: {  	_ =	task [dreg:s7], $0x5FFFF  }
0xac: {  	[dreg:$0x1] =	wrdreg $0xFFFFFFFF  }
0xad: {  	[dreg:$0x0] =	wrdreg $0x60  }
0xae: {  	[dreg:$0x2] =	wrdreg s2  }
0xaf: {  	[dreg:$0x3] =	wrdreg s24  }
0xb0: {  	[dreg:$0x4] =	wrdreg $0x9  }
0xb1: {  	_ =	task.clear_ibuf [dreg:s7], $0x5FFFF;
	_ =	strace $0x90000046  }
0xb2: {  	s29 =	simm.s32 $0x9;
	_ =	strace $0x80000048  }
0xb3: {  	_ =	swait.ge [sflag:s29], $0x1  }
0xb4: {  	[sflag:s29] =	ssyncadd.s32 $0xFFFFFFFF  }
0xb5: {  	_ =	strace $0x90000048  }
0xb6: {  	_ =	sfence  }
0xb7: {  	s30 =	sld [smem:$0x0];
	_ =	sdelay $0x2  }
0xb8: {  	s31 =	sshll.u32 s1, $0xD;
	s1 =	sshrl.u32 s1, $0x2  }
0xb9: {  	s3 =	sand.u32 $0x4000, s31;
	s1 =	sadd.s32 s1, s30  }
0xba: {  	s0 =	sor.u32 s3, s0;
	s1 =	sshll.u32 s1, $0x11  }
0xbb: {  	s0 =	sor.u32 s1, s0  }
0xbc: {  	s0 =	sadd.s32 $0x8F2B, s0  }
0xbd: {  	[sflag:s0] =	ssyncadd.remote.s32 $0x1  }
0xbe: {  	_ =	sfence.sel $0xFFFF  }
0xbf: {  	[dreg:$0x0] =	wrdreg $0xFFFFFFFF;
	(pc) =	sbr.abs _section_cstart, $3  }
0xc0: {  	[dreg:$0x1] =	wrdreg $0xFFFFFFFF  }
0xc1: {  	_ =	task.clear_ibuf [dreg:s7], $0x2FFFF;
	_ =	strace $0x9FFFFFFF  }
0xc2: {  	(tm) =	ssettm $0x7FFFFFFF  }
0xc3: {  	_ =	shalt  }
tec
execute0_lowered:
.L_overlay_start_1:
0x0: {  	(tag) =	ssettag $0x1  }
0x1: {  	s5 =	rddreg [dreg:$0x0]  }
0x2: {  	s4 =	rddreg [dreg:$0x1];
	s2 =	srdreg.scid  }
0x3: {  	s0 =	rddreg [dreg:$0x2];
	s1 =	stileid.u32  }
0x4: {  	s12 =	simm.s32 $0x1;
	s13 =	simm.s32 $0x2;
	s14 =	simm.s32 $0xC000  }
0x5: {  	s15 =	simm.s32 $0x4;
	s16 =	simm.s32 $0x0;
	s6 =	sand.u32 $0x1, s2  }
0x6: {  	s2 =	simm.s32 $0x0;
	s3 =	sshll.u32 s1, $0x6;
	s7 =	sshll.u32 s6, $0x5  }
0x7: {  	[smem:$0x7FF] =	sst s2;
	s6 =	ssub.s32 $0x2, s6;
	s3 =	sor.u32 s7, s3  }
0x8: {  	_ =	strace $0x80000047;
	s31 =	sshrl.u32 s6, $0x1;
	s8 =	sshrl.u32 s3, $0x3  }
0x9: {  	s7 =	sshll.u32 s3, $0x6;
	s9 =	sshll.u32 s3, $0x4;
	s8 =	smul.u32 $0x4400, s8  }
0xa: {  	s10 =	ssub.s32 s6, s31;
	s7 =	sadd.s32 s7, s4;
	s9 =	sadd.s32 s9, s4  }
0xb: {  	s4 =	sadd.s32 $0x200, s5;
	s11 =	sadd.s32 s8, s5;
	s5 =	sadd.s32 $0xE00, s7  }
0xc: {  	s6 =	sadd.s32 s8, s4;
	s8 =	sadd.s32 $0x14E00, s9;
	s9 =	smax.u32 s10, $0x1  }
0xd: {  	s10 =	simm.s32 $0x8000;
	s7 =	sadd.s32 $0x210, s11;
	s11 =	simm.s32 $0x3  }
.LBB2_1:
0xe: {  	[tilespmem:s10], [sflag:$0x3] =	stream.linear.gather [hbm4b:s5+s2], $0x4000, $0x38;
	[tilespmem:$0xD000] =	vst v63  }
0xf: {  	s17 =	simm.s32 $0x80  }
0x10: {  	s20 =	sadd.s32 $0x0, s6;
	s18 =	simm.s32 $0x100;
	s19 =	simm.s32 $0x0  }
.LBB2_2:
0x11: {  	[tilespmem:s19], [sflag:$0x1] =	stream.linear.gather [hbm4b:s20+s2], $0x80, $0x38;
	[tilespmem:$0xD000] =	vst v63  }
0x12: {  	s20 =	smov.u32 s17;
	s19 =	smov.u32 s18;
	p0 =	sne.s32 s17, $0x3F80  }
.Ltmp0:
0x13: {  	s17 =	sadd.s32 $0x80, s17;
	(pc) =	sbr.rel @p0 .LBB2_2-.Ltmp0, $2  }
0x14: {  	_ =	sdelay $0x2  }
0x15: {  	s18 =	sadd.s32 $0x100, s18;
	s20 =	sadd.s32 s20, s6  }
0x16: {  	[tilespmem:s19], [sflag:$0x1] =	stream.linear.gather [hbm4b:s20+s2], $0x80, $0x38;
	[tilespmem:$0xD000] =	vst v63  }
0x17: {  	s17 =	simm.s32 $0x80  }
0x18: {  	s18 =	simm.s32 $0x80;
	s20 =	sadd.s32 $0x0, s7;
	s19 =	simm.s32 $0x180  }
.LBB2_4:
0x19: {  	[tilespmem:s17], [sflag:$0x2] =	stream.linear.gather [hbm4b:s20+s2], $0x80, $0x38;
	[tilespmem:$0xD000] =	vst v63  }
0x1a: {  	s20 =	smov.u32 s18;
	s17 =	smov.u32 s19;
	p0 =	sne.s32 s18, $0x3F80  }
.Ltmp1:
0x1b: {  	s18 =	sadd.s32 $0x80, s18;
	(pc) =	sbr.rel @p0 .LBB2_4-.Ltmp1, $2  }
0x1c: {  	_ =	sdelay $0x2  }
0x1d: {  	s19 =	sadd.s32 $0x100, s19;
	s20 =	sadd.s32 s20, s7  }
0x1e: {  	[tilespmem:s17], [sflag:$0x2] =	stream.linear.gather [hbm4b:s20+s2], $0x80, $0x38;
	[tilespmem:$0xD000] =	vst v63  }
0x1f: {  	_ =	swait.ge [sflag:s11], $0x4000  }
0x20: {  	[sflag:s11] =	ssyncset.done $0x0  }
0x21: {  	s17 =	simm.s32 $0x0;
	s18 =	simm.s32 $0x0;
	[sflag:s11] =	ssyncadd.s32 $0xFFFFC000  }
.LBB2_6:
0x22: {  	s21 =	sshll.u32 s18, $0xA;
	_ =	swait.ge [sflag:s12], $0x4000  }
0x23: {  	s20 =	sshll.u32 s18, $0x8;
	s23 =	sand.u32 $0xC00, s17;
	s19 =	sand.u32 $0x3000, s21  }
0x24: {  	[sflag:s12] =	ssyncset.done $0x0;
	s20 =	sand.u32 $0x300, s20;
	s19 =	sor.u32 $0x8000, s19  }
0x25: {  	[sflag:s12] =	ssyncadd.s32 $0xFFFFC000;
	s22 =	sor.u32 s20, s19;
	s20 =	simm.s32 $0x200  }
0x26: {  	s24 =	sand.u32 $0x70, s17;
	s23 =	sadd.s32 s23, s22;
	v10 =	vld [tilespmem:s20+$0x140]  }
0x27: {  	v11 =	vld [tilespmem:s20+$0x150];
	s23 =	sadd.s32 s24, s23  }
0x28: {  	v16 =	vld [tilespmem:s23+$0x0]  }
0x29: {  	v12 =	vld [tilespmem:s20+$0x100]  }
0x2a: {  	v14 =	vld [tilespmem:s20+$0x110]  }
0x2b: {  	v15 =	vld [tilespmem:s20+$0x40]  }
0x2c: {  	v17 =	vld [tilespmem:s20+$0x50]  }
0x2d: {  	v18 =	vld [tilespmem:s20+$0x0];
	v24 =	vbroadcast v16, $0xE;
	v0 =	vbroadcast v16, $0xF  }
0x2e: {  	v19 =	vld [tilespmem:s20+$0x10];
	v25 =	vbroadcast v16, $0xC;
	v1 =	vbroadcast v16, $0xD  }
0x2f: {  	v20 =	vld [tilespmem:s20+$0xFFFFFF40];
	v26 =	vbroadcast v16, $0xA;
	v2 =	vbroadcast v16, $0xB  }
0x30: {  	v6 =	vimm.f32 $0.0e+00;
	v21 =	vld [tilespmem:s20+$0xFFFFFF50];
	v27 =	vbroadcast v16, $0x8;
	v3 =	vbroadcast v16, $0x9  }
0x31: {  	v7 =	vimm.f32 $0.0e+00;
	v22 =	vld [tilespmem:s20+$0xFFFFFF00];
	v28 =	vbroadcast v16, $0x6;
	v4 =	vbroadcast v16, $0x7  }
0x32: {  	v9 =	vimm.f32 $0.0e+00;
	v29 =	vld [tilespmem:s20+$0xFFFFFF10];
	v23 =	vbroadcast v16, $0x4;
	v5 =	vbroadcast v16, $0x5  }
0x33: {  	v8 =	vimm.f32 $0.0e+00;
	v31 =	vld [tilespmem:s20+$0xFFFFFE40];
	s24 =	simm.s32 $0x0;
	s23 =	simm.s32 $0x10;
	v30 =	vbroadcast v16, $0x2;
	v13 =	vbroadcast v16, $0x3  }
.LBB2_7:
0x34: {  	p0 =	sne.s32 s23, $0x1F0;
	v32 =	vbroadcast v16, $0x0;
	v16 =	vbroadcast v16, $0x1;
	v33 =	vld [tilespmem:s20+$0xFFFFFE50]  }
0x35: {  	v35 =	vmul.f32 v10, v24;
	v24 =	vmul.f32 v11, v24;
	v34 =	vld [tilespmem:s20+$0xFFFFFE00]  }
0x36: {  	v36 =	vmul.f32 v12, v25;
	v14 =	vmul.f32 v14, v25;
	v10 =	vld [tilespmem:s20+$0xFFFFFE10]  }
0x37: {  	v12 =	vmul.f32 v15, v26;
	v15 =	vmul.f32 v17, v26;
	v11 =	vld [tilespmem:s20+$0xFFFFFE20]  }
0x38: {  	v18 =	vmul.f32 v18, v27;
	v19 =	vmul.f32 v19, v27;
	v17 =	vld [tilespmem:s20+$0xFFFFFE30]  }
0x39: {  	v20 =	vmul.f32 v20, v28;
	v21 =	vmul.f32 v21, v28;
	v25 =	vld [tilespmem:s20+$0xFFFFFE60]  }
0x3a: {  	v22 =	vmul.f32 v22, v23;
	v23 =	vmul.f32 v29, v23;
	v26 =	vld [tilespmem:s20+$0xFFFFFE70]  }
0x3b: {  	v27 =	vmul.f32 v31, v30;
	v28 =	vmul.f32 v33, v30;
	v29 =	vld [tilespmem:s20+$0xFFFFFF20]  }
0x3c: {  	v30 =	vmul.f32 v34, v32;
	v10 =	vmul.f32 v10, v32;
	v31 =	vld [tilespmem:s20+$0xFFFFFF30]  }
0x3d: {  	v11 =	vmul.f32 v11, v16;
	v16 =	vmul.f32 v17, v16;
	v17 =	vld [tilespmem:s20+$0xFFFFFF60]  }
0x3e: {  	v6 =	vadd.f32 v30, v6;
	v7 =	vadd.f32 v10, v7;
	v10 =	vmul.f32 v25, v13;
	v25 =	vld [tilespmem:s20+$0xFFFFFF70]  }
0x3f: {  	v9 =	vadd.f32 v11, v9;
	v8 =	vadd.f32 v16, v8;
	v11 =	vmul.f32 v26, v13;
	v13 =	vld [tilespmem:s20+$0x20]  }
0x40: {  	v6 =	vadd.f32 v27, v6;
	v7 =	vadd.f32 v28, v7;
	v16 =	vmul.f32 v29, v5;
	v26 =	vld [tilespmem:s20+$0x30]  }
0x41: {  	v9 =	vadd.f32 v10, v9;
	v8 =	vadd.f32 v11, v8;
	v5 =	vmul.f32 v31, v5;
	v10 =	vld [tilespmem:s20+$0x60]  }
0x42: {  	v6 =	vadd.f32 v22, v6;
	v7 =	vadd.f32 v23, v7;
	v11 =	vmul.f32 v17, v4;
	v17 =	vld [tilespmem:s20+$0x70]  }
0x43: {  	v9 =	vadd.f32 v16, v9;
	v5 =	vadd.f32 v5, v8;
	v4 =	vmul.f32 v25, v4;
	v8 =	vld [tilespmem:s20+$0x120]  }
0x44: {  	v6 =	vadd.f32 v20, v6;
	v7 =	vadd.f32 v21, v7;
	v13 =	vmul.f32 v13, v3;
	v20 =	vld [tilespmem:s20+$0x130]  }
0x45: {  	s24 =	sadd.s32 $0x80, s24;
	v9 =	vadd.f32 v11, v9;
	v4 =	vadd.f32 v4, v5;
	v3 =	vmul.f32 v26, v3;
	v5 =	vld [tilespmem:s20+$0x160]  }
0x46: {  	s25 =	sand.u32 $0xC00, s24;
	v6 =	vadd.f32 v18, v6;
	v7 =	vadd.f32 v19, v7;
	v18 =	vmul.f32 v10, v2;
	v19 =	vld [tilespmem:s20+$0x170];
	s20 =	sadd.s32 $0x400, s20  }
0x47: {  	s26 =	sand.u32 $0x70, s23;
	s25 =	sadd.s32 s25, s22;
	v9 =	vadd.f32 v13, v9;
	v10 =	vld [tilespmem:s20+$0x140];
	v3 =	vadd.f32 v3, v4;
	v2 =	vmul.f32 v17, v2  }
0x48: {  	s25 =	sadd.s32 s26, s25;
	v4 =	vadd.f32 v12, v6;
	v6 =	vadd.f32 v15, v7;
	v11 =	vld [tilespmem:s20+$0x150];
	v7 =	vmul.f32 v8, v1  }
0x49: {  	v8 =	vadd.f32 v18, v9;
	v16 =	vld [tilespmem:s25+$0x0];
	v2 =	vadd.f32 v2, v3;
	v1 =	vmul.f32 v20, v1  }
0x4a: {  	v3 =	vadd.f32 v36, v4;
	v4 =	vadd.f32 v14, v6;
	v12 =	vld [tilespmem:s20+$0x100];
	v5 =	vmul.f32 v5, v0  }
0x4b: {  	v8 =	vadd.f32 v7, v8;
	v14 =	vld [tilespmem:s20+$0x110];
	v1 =	vadd.f32 v1, v2;
	v0 =	vmul.f32 v19, v0  }
0x4c: {  	v6 =	vadd.f32 v35, v3;
	v7 =	vadd.f32 v24, v4;
	v15 =	vld [tilespmem:s20+$0x40]  }
0x4d: {  	v9 =	vadd.f32 v5, v8;
	v17 =	vld [tilespmem:s20+$0x50];
	v8 =	vadd.f32 v0, v1  }
0x4e: {  	v18 =	vld [tilespmem:s20+$0x0];
	v24 =	vbroadcast v16, $0xE;
	v0 =	vbroadcast v16, $0xF  }
0x4f: {  	v25 =	vbroadcast v16, $0xC;
	v1 =	vbroadcast v16, $0xD;
	v19 =	vld [tilespmem:s20+$0x10]  }
.Ltmp2:
0x50: {  	v26 =	vbroadcast v16, $0xA;
	v2 =	vbroadcast v16, $0xB;
	v20 =	vld [tilespmem:s20+$0xFFFFFF40];
	(pc) =	sbr.rel @p0 .LBB2_7-.Ltmp2, $4  }
0x51: {  	v27 =	vbroadcast v16, $0x8;
	v3 =	vbroadcast v16, $0x9;
	v21 =	vld [tilespmem:s20+$0xFFFFFF50]  }
0x52: {  	v28 =	vbroadcast v16, $0x6;
	v4 =	vbroadcast v16, $0x7;
	v22 =	vld [tilespmem:s20+$0xFFFFFF00]  }
0x53: {  	v23 =	vbroadcast v16, $0x4;
	v5 =	vbroadcast v16, $0x5;
	v29 =	vld [tilespmem:s20+$0xFFFFFF10]  }
0x54: {  	s23 =	sadd.s32 $0x10, s23;
	v30 =	vbroadcast v16, $0x2;
	v13 =	vbroadcast v16, $0x3;
	v31 =	vld [tilespmem:s20+$0xFFFFFE40]  }
0x55: {  	v32 =	vbroadcast v16, $0x0;
	v50 =	vbroadcast v16, $0x1;
	v33 =	vld [tilespmem:s20+$0xFFFFFE50]  }
0x56: {  	v34 =	vld [tilespmem:s20+$0xFFFFFE00];
	v10 =	vmul.f32 v10, v24;
	v11 =	vmul.f32 v11, v24  }
0x57: {  	v51 =	vld [tilespmem:s20+$0xFFFFFE10];
	v12 =	vmul.f32 v12, v25;
	v14 =	vmul.f32 v14, v25  }
0x58: {  	v52 =	vld [tilespmem:s20+$0xFFFFFE20];
	v15 =	vmul.f32 v15, v26;
	v17 =	vmul.f32 v17, v26  }
0x59: {  	v53 =	vld [tilespmem:s20+$0xFFFFFE30];
	v18 =	vmul.f32 v18, v27;
	v19 =	vmul.f32 v19, v27  }
0x5a: {  	v54 =	vld [tilespmem:s20+$0xFFFFFE60];
	v20 =	vmul.f32 v20, v28;
	v21 =	vmul.f32 v21, v28  }
0x5b: {  	v55 =	vld [tilespmem:s20+$0xFFFFFE70];
	v22 =	vmul.f32 v22, v23;
	v56 =	vmul.f32 v29, v23  }
0x5c: {  	v59 =	vld [tilespmem:s20+$0xFFFFFF20];
	v57 =	vmul.f32 v31, v30;
	v58 =	vmul.f32 v33, v30  }
0x5d: {  	v61 =	vld [tilespmem:s20+$0xFFFFFF30];
	v60 =	vmul.f32 v34, v32;
	v25 =	vmul.f32 v52, v50  }
0x5e: {  	v62 =	vld [tilespmem:s20+$0xFFFFFF60];
	v24 =	vmul.f32 v51, v32;
	v16 =	vmul.f32 v53, v50  }
0x5f: {  	v63 =	vld [tilespmem:s20+$0xFFFFFF70];
	v27 =	vmul.f32 v54, v13;
	v6 =	vadd.f32 v60, v6;
	v9 =	vadd.f32 v25, v9  }
0x60: {  	v37 =	vld [tilespmem:s20+$0x20];
	v36 =	vmul.f32 v55, v13;
	v7 =	vadd.f32 v24, v7;
	v8 =	vadd.f32 v16, v8  }
0x61: {  	v39 =	vld [tilespmem:s20+$0x30];
	v38 =	vmul.f32 v59, v5;
	v6 =	vadd.f32 v57, v6;
	v9 =	vadd.f32 v27, v9  }
0x62: {  	v41 =	vld [tilespmem:s20+$0x60];
	v40 =	vmul.f32 v61, v5;
	v7 =	vadd.f32 v58, v7;
	v8 =	vadd.f32 v36, v8  }
0x63: {  	v43 =	vld [tilespmem:s20+$0x70];
	v42 =	vmul.f32 v62, v4;
	v6 =	vadd.f32 v22, v6;
	v9 =	vadd.f32 v38, v9  }
0x64: {  	v45 =	vld [tilespmem:s20+$0x120];
	v44 =	vmul.f32 v63, v4;
	v7 =	vadd.f32 v56, v7;
	v5 =	vadd.f32 v40, v8  }
0x65: {  	v46 =	vld [tilespmem:s20+$0x130];
	v16 =	vmul.f32 v37, v3;
	v6 =	vadd.f32 v20, v6;
	v9 =	vadd.f32 v42, v9  }
0x66: {  	v48 =	vld [tilespmem:s20+$0x160];
	v47 =	vmul.f32 v39, v3;
	v7 =	vadd.f32 v21, v7;
	v4 =	vadd.f32 v44, v5  }
0x67: {  	v49 =	vld [tilespmem:s20+$0x170];
	v13 =	vmul.f32 v41, v2;
	v6 =	vadd.f32 v18, v6;
	v9 =	vadd.f32 v16, v9  }
0x68: {  	v50 =	vmul.f32 v43, v2;
	v7 =	vadd.f32 v19, v7;
	v3 =	vadd.f32 v47, v4  }
0x69: {  	s22 =	sshll.u32 s18, $0x1;
	v52 =	vmul.f32 v45, v1;
	v51 =	vadd.f32 v15, v6;
	v53 =	vadd.f32 v13, v9  }
0x6a: {  	s20 =	sor.u32 s3, s22;
	v54 =	vmul.f32 v46, v1;
	v7 =	vadd.f32 v17, v7;
	v2 =	vadd.f32 v50, v3  }
0x6b: {  	s23 =	sadd.s32 $0x2, s20;
	v56 =	vmul.f32 v48, v0;
	v55 =	vadd.f32 v12, v51;
	v57 =	vadd.f32 v52, v53  }
0x6c: {  	s24 =	sshrl.u32 s23, $0x3;
	v59 =	vmul.f32 v49, v0;
	v58 =	vadd.f32 v14, v7;
	v1 =	vadd.f32 v54, v2  }
0x6d: {  	s23 =	sshll.u32 s23, $0x7;
	s24 =	smul.u32 $0x22000, s24;
	v60 =	vadd.f32 v10, v55;
	v61 =	vadd.f32 v56, v57  }
0x6e: {  	s23 =	sand.u32 $0x300, s23;
	v62 =	vadd.f32 v11, v58;
	v0 =	vadd.f32 v59, v1  }
0x6f: {  	s23 =	sor.u32 s23, s24;
	v63 =	vadd.f32 v61, v60  }
0x70: {  	s30 =	sshrl.u32 s21, $0x2;
	s31 =	sshrl.u32 s23, $0x3;
	v0 =	vadd.f32 v0, v62  }
0x71: {  	s25 =	simm.s32 $0x100;
	s21 =	sadd.s32 s31, s4;
	[tilespmem:s30+$0xC000] =	vst v63  }
0x72: {  	s24 =	simm.s32 $0x80;
	s23 =	simm.s32 $0x0;
	s26 =	sadd.s32 $0x0, s21;
	[tilespmem:s30+$0xC010] =	vst v0  }
.LBB2_9:
0x73: {  	[tilespmem:s23], [sflag:$0x1] =	stream.linear.gather [hbm4b:s26+s2], $0x80, $0x38;
	[tilespmem:$0xD000] =	vst v63  }
0x74: {  	s26 =	smov.u32 s24;
	s23 =	smov.u32 s25;
	p0 =	sne.s32 s24, $0x3F80  }
.Ltmp3:
0x75: {  	s24 =	sadd.s32 $0x80, s24;
	(pc) =	sbr.rel @p0 .LBB2_9-.Ltmp3, $2  }
0x76: {  	_ =	sdelay $0x2  }
0x77: {  	s25 =	sadd.s32 $0x100, s25;
	s26 =	sadd.s32 s26, s21  }
0x78: {  	[tilespmem:s23], [sflag:$0x1] =	stream.linear.gather [hbm4b:s26+s2], $0x80, $0x38;
	[tilespmem:$0xD000] =	vst v63  }
0x79: {  	s21 =	sor.u32 $0x1, s22  }
0x7a: {  	s22 =	simm.s32 $0x0;
	_ =	swait.ge [sflag:s13], $0x4000;
	s21 =	sshll.u32 s21, $0x7  }
0x7b: {  	s24 =	sand.u32 $0xC00, s22;
	[sflag:s13] =	ssyncset.done $0x0;
	s31 =	sand.u32 $0x380, s21  }
0x7c: {  	[sflag:s13] =	ssyncadd.s32 $0xFFFFC000;
	s23 =	sadd.s32 s31, s19;
	s19 =	simm.s32 $0x280  }
0x7d: {  	s25 =	sand.u32 $0x70, s22;
	s24 =	sadd.s32 s24, s23;
	v10 =	vld [tilespmem:s19+$0x140]  }
0x7e: {  	v11 =	vld [tilespmem:s19+$0x150];
	s24 =	sadd.s32 s25, s24  }
0x7f: {  	v16 =	vld [tilespmem:s24+$0x0]  }
0x80: {  	v12 =	vld [tilespmem:s19+$0x100]  }
0x81: {  	v14 =	vld [tilespmem:s19+$0x110]  }
0x82: {  	v15 =	vld [tilespmem:s19+$0x40]  }
0x83: {  	v17 =	vld [tilespmem:s19+$0x50]  }
0x84: {  	v18 =	vld [tilespmem:s19+$0x0];
	v24 =	vbroadcast v16, $0xE;
	v0 =	vbroadcast v16, $0xF  }
0x85: {  	v19 =	vld [tilespmem:s19+$0x10];
	v25 =	vbroadcast v16, $0xC;
	v1 =	vbroadcast v16, $0xD  }
0x86: {  	v20 =	vld [tilespmem:s19+$0xFFFFFF40];
	v26 =	vbroadcast v16, $0xA;
	v2 =	vbroadcast v16, $0xB  }
0x87: {  	v6 =	vimm.f32 $0.0e+00;
	v21 =	vld [tilespmem:s19+$0xFFFFFF50];
	v27 =	vbroadcast v16, $0x8;
	v3 =	vbroadcast v16, $0x9  }
0x88: {  	v7 =	vimm.f32 $0.0e+00;
	v22 =	vld [tilespmem:s19+$0xFFFFFF00];
	v28 =	vbroadcast v16, $0x6;
	v4 =	vbroadcast v16, $0x7  }
0x89: {  	v9 =	vimm.f32 $0.0e+00;
	v29 =	vld [tilespmem:s19+$0xFFFFFF10];
	v23 =	vbroadcast v16, $0x4;
	v5 =	vbroadcast v16, $0x5  }
0x8a: {  	v8 =	vimm.f32 $0.0e+00;
	v31 =	vld [tilespmem:s19+$0xFFFFFE40];
	s24 =	simm.s32 $0x10;
	v30 =	vbroadcast v16, $0x2;
	v13 =	vbroadcast v16, $0x3  }
.LBB2_11:
0x8b: {  	p0 =	sne.s32 s24, $0x1F0;
	v32 =	vbroadcast v16, $0x0;
	v16 =	vbroadcast v16, $0x1;
	v33 =	vld [tilespmem:s19+$0xFFFFFE50]  }
0x8c: {  	v35 =	vmul.f32 v10, v24;
	v24 =	vmul.f32 v11, v24;
	v34 =	vld [tilespmem:s19+$0xFFFFFE00]  }
0x8d: {  	v36 =	vmul.f32 v12, v25;
	v14 =	vmul.f32 v14, v25;
	v10 =	vld [tilespmem:s19+$0xFFFFFE10]  }
0x8e: {  	v12 =	vmul.f32 v15, v26;
	v15 =	vmul.f32 v17, v26;
	v11 =	vld [tilespmem:s19+$0xFFFFFE20]  }
0x8f: {  	v18 =	vmul.f32 v18, v27;
	v19 =	vmul.f32 v19, v27;
	v17 =	vld [tilespmem:s19+$0xFFFFFE30]  }
0x90: {  	v20 =	vmul.f32 v20, v28;
	v21 =	vmul.f32 v21, v28;
	v25 =	vld [tilespmem:s19+$0xFFFFFE60]  }
0x91: {  	v22 =	vmul.f32 v22, v23;
	v23 =	vmul.f32 v29, v23;
	v26 =	vld [tilespmem:s19+$0xFFFFFE70]  }
0x92: {  	v27 =	vmul.f32 v31, v30;
	v28 =	vmul.f32 v33, v30;
	v29 =	vld [tilespmem:s19+$0xFFFFFF20]  }
0x93: {  	v30 =	vmul.f32 v34, v32;
	v10 =	vmul.f32 v10, v32;
	v31 =	vld [tilespmem:s19+$0xFFFFFF30]  }
0x94: {  	v11 =	vmul.f32 v11, v16;
	v16 =	vmul.f32 v17, v16;
	v17 =	vld [tilespmem:s19+$0xFFFFFF60]  }
0x95: {  	v6 =	vadd.f32 v30, v6;
	v7 =	vadd.f32 v10, v7;
	v10 =	vmul.f32 v25, v13;
	v25 =	vld [tilespmem:s19+$0xFFFFFF70]  }
0x96: {  	v9 =	vadd.f32 v11, v9;
	v8 =	vadd.f32 v16, v8;
	v11 =	vmul.f32 v26, v13;
	v13 =	vld [tilespmem:s19+$0x20]  }
0x97: {  	v6 =	vadd.f32 v27, v6;
	v7 =	vadd.f32 v28, v7;
	v16 =	vmul.f32 v29, v5;
	v26 =	vld [tilespmem:s19+$0x30]  }
0x98: {  	v9 =	vadd.f32 v10, v9;
	v8 =	vadd.f32 v11, v8;
	v5 =	vmul.f32 v31, v5;
	v10 =	vld [tilespmem:s19+$0x60]  }
0x99: {  	v6 =	vadd.f32 v22, v6;
	v7 =	vadd.f32 v23, v7;
	v11 =	vmul.f32 v17, v4;
	v17 =	vld [tilespmem:s19+$0x70]  }
0x9a: {  	v9 =	vadd.f32 v16, v9;
	v5 =	vadd.f32 v5, v8;
	v4 =	vmul.f32 v25, v4;
	v8 =	vld [tilespmem:s19+$0x120]  }
0x9b: {  	v6 =	vadd.f32 v20, v6;
	v7 =	vadd.f32 v21, v7;
	v13 =	vmul.f32 v13, v3;
	v20 =	vld [tilespmem:s19+$0x130]  }
0x9c: {  	s22 =	sadd.s32 $0x80, s22;
	v9 =	vadd.f32 v11, v9;
	v4 =	vadd.f32 v4, v5;
	v3 =	vmul.f32 v26, v3;
	v5 =	vld [tilespmem:s19+$0x160]  }
0x9d: {  	s25 =	sand.u32 $0xC00, s22;
	v6 =	vadd.f32 v18, v6;
	v7 =	vadd.f32 v19, v7;
	v18 =	vmul.f32 v10, v2;
	v19 =	vld [tilespmem:s19+$0x170];
	s19 =	sadd.s32 $0x400, s19  }
0x9e: {  	s26 =	sand.u32 $0x70, s24;
	s25 =	sadd.s32 s25, s23;
	v9 =	vadd.f32 v13, v9;
	v10 =	vld [tilespmem:s19+$0x140];
	v3 =	vadd.f32 v3, v4;
	v2 =	vmul.f32 v17, v2  }
0x9f: {  	s25 =	sadd.s32 s26, s25;
	v4 =	vadd.f32 v12, v6;
	v6 =	vadd.f32 v15, v7;
	v11 =	vld [tilespmem:s19+$0x150];
	v7 =	vmul.f32 v8, v1  }
0xa0: {  	v8 =	vadd.f32 v18, v9;
	v16 =	vld [tilespmem:s25+$0x0];
	v2 =	vadd.f32 v2, v3;
	v1 =	vmul.f32 v20, v1  }
0xa1: {  	v3 =	vadd.f32 v36, v4;
	v4 =	vadd.f32 v14, v6;
	v12 =	vld [tilespmem:s19+$0x100];
	v5 =	vmul.f32 v5, v0  }
0xa2: {  	v8 =	vadd.f32 v7, v8;
	v14 =	vld [tilespmem:s19+$0x110];
	v1 =	vadd.f32 v1, v2;
	v0 =	vmul.f32 v19, v0  }
0xa3: {  	v6 =	vadd.f32 v35, v3;
	v7 =	vadd.f32 v24, v4;
	v15 =	vld [tilespmem:s19+$0x40]  }
0xa4: {  	v9 =	vadd.f32 v5, v8;
	v17 =	vld [tilespmem:s19+$0x50];
	v8 =	vadd.f32 v0, v1  }
0xa5: {  	v18 =	vld [tilespmem:s19+$0x0];
	v24 =	vbroadcast v16, $0xE;
	v0 =	vbroadcast v16, $0xF  }
0xa6: {  	v25 =	vbroadcast v16, $0xC;
	v1 =	vbroadcast v16, $0xD;
	v19 =	vld [tilespmem:s19+$0x10]  }
.Ltmp4:
0xa7: {  	v26 =	vbroadcast v16, $0xA;
	v2 =	vbroadcast v16, $0xB;
	v20 =	vld [tilespmem:s19+$0xFFFFFF40];
	(pc) =	sbr.rel @p0 .LBB2_11-.Ltmp4, $4  }
0xa8: {  	v27 =	vbroadcast v16, $0x8;
	v3 =	vbroadcast v16, $0x9;
	v21 =	vld [tilespmem:s19+$0xFFFFFF50]  }
0xa9: {  	v28 =	vbroadcast v16, $0x6;
	v4 =	vbroadcast v16, $0x7;
	v22 =	vld [tilespmem:s19+$0xFFFFFF00]  }
0xaa: {  	v23 =	vbroadcast v16, $0x4;
	v5 =	vbroadcast v16, $0x5;
	v29 =	vld [tilespmem:s19+$0xFFFFFF10]  }
0xab: {  	s24 =	sadd.s32 $0x10, s24;
	v30 =	vbroadcast v16, $0x2;
	v13 =	vbroadcast v16, $0x3;
	v31 =	vld [tilespmem:s19+$0xFFFFFE40]  }
0xac: {  	v32 =	vbroadcast v16, $0x0;
	v50 =	vbroadcast v16, $0x1;
	v33 =	vld [tilespmem:s19+$0xFFFFFE50]  }
0xad: {  	v34 =	vld [tilespmem:s19+$0xFFFFFE00];
	v10 =	vmul.f32 v10, v24;
	v11 =	vmul.f32 v11, v24  }
0xae: {  	v51 =	vld [tilespmem:s19+$0xFFFFFE10];
	v12 =	vmul.f32 v12, v25;
	v14 =	vmul.f32 v14, v25  }
0xaf: {  	v52 =	vld [tilespmem:s19+$0xFFFFFE20];
	v15 =	vmul.f32 v15, v26;
	v17 =	vmul.f32 v17, v26  }
0xb0: {  	v53 =	vld [tilespmem:s19+$0xFFFFFE30];
	v18 =	vmul.f32 v18, v27;
	v19 =	vmul.f32 v19, v27  }
0xb1: {  	v54 =	vld [tilespmem:s19+$0xFFFFFE60];
	v20 =	vmul.f32 v20, v28;
	v21 =	vmul.f32 v21, v28  }
0xb2: {  	v55 =	vld [tilespmem:s19+$0xFFFFFE70];
	v22 =	vmul.f32 v22, v23;
	v56 =	vmul.f32 v29, v23  }
0xb3: {  	v59 =	vld [tilespmem:s19+$0xFFFFFF20];
	v57 =	vmul.f32 v31, v30;
	v58 =	vmul.f32 v33, v30  }
0xb4: {  	v61 =	vld [tilespmem:s19+$0xFFFFFF30];
	v60 =	vmul.f32 v34, v32;
	v25 =	vmul.f32 v52, v50  }
0xb5: {  	v62 =	vld [tilespmem:s19+$0xFFFFFF60];
	v24 =	vmul.f32 v51, v32;
	v16 =	vmul.f32 v53, v50  }
0xb6: {  	v63 =	vld [tilespmem:s19+$0xFFFFFF70];
	v27 =	vmul.f32 v54, v13;
	v6 =	vadd.f32 v60, v6;
	v9 =	vadd.f32 v25, v9  }
0xb7: {  	v37 =	vld [tilespmem:s19+$0x20];
	v36 =	vmul.f32 v55, v13;
	v7 =	vadd.f32 v24, v7;
	v8 =	vadd.f32 v16, v8  }
0xb8: {  	v39 =	vld [tilespmem:s19+$0x30];
	v38 =	vmul.f32 v59, v5;
	v6 =	vadd.f32 v57, v6;
	v9 =	vadd.f32 v27, v9  }
0xb9: {  	v41 =	vld [tilespmem:s19+$0x60];
	v40 =	vmul.f32 v61, v5;
	v7 =	vadd.f32 v58, v7;
	v8 =	vadd.f32 v36, v8  }
0xba: {  	v43 =	vld [tilespmem:s19+$0x70];
	v42 =	vmul.f32 v62, v4;
	v6 =	vadd.f32 v22, v6;
	v9 =	vadd.f32 v38, v9  }
0xbb: {  	v45 =	vld [tilespmem:s19+$0x120];
	v44 =	vmul.f32 v63, v4;
	v7 =	vadd.f32 v56, v7;
	v5 =	vadd.f32 v40, v8  }
0xbc: {  	v46 =	vld [tilespmem:s19+$0x130];
	v16 =	vmul.f32 v37, v3;
	v6 =	vadd.f32 v20, v6;
	v9 =	vadd.f32 v42, v9  }
0xbd: {  	v48 =	vld [tilespmem:s19+$0x160];
	v47 =	vmul.f32 v39, v3;
	v7 =	vadd.f32 v21, v7;
	v4 =	vadd.f32 v44, v5  }
0xbe: {  	v49 =	vld [tilespmem:s19+$0x170];
	v13 =	vmul.f32 v41, v2;
	v6 =	vadd.f32 v18, v6;
	v9 =	vadd.f32 v16, v9  }
0xbf: {  	v50 =	vmul.f32 v43, v2;
	v7 =	vadd.f32 v19, v7;
	v3 =	vadd.f32 v47, v4  }
0xc0: {  	v52 =	vmul.f32 v45, v1;
	v51 =	vadd.f32 v15, v6;
	v53 =	vadd.f32 v13, v9  }
0xc1: {  	v54 =	vmul.f32 v46, v1;
	v7 =	vadd.f32 v17, v7;
	v2 =	vadd.f32 v50, v3  }
0xc2: {  	s31 =	sadd.s32 $0x3, s20;
	v56 =	vmul.f32 v48, v0;
	v55 =	vadd.f32 v12, v51;
	v57 =	vadd.f32 v52, v53  }
0xc3: {  	s20 =	sshrl.u32 s31, $0x3;
	v59 =	vmul.f32 v49, v0;
	v58 =	vadd.f32 v14, v7;
	v1 =	vadd.f32 v54, v2  }
0xc4: {  	s19 =	sshll.u32 s31, $0x7;
	s20 =	smul.u32 $0x22000, s20;
	v60 =	vadd.f32 v10, v55;
	v61 =	vadd.f32 v56, v57  }
0xc5: {  	s19 =	sand.u32 $0x380, s19;
	v62 =	vadd.f32 v11, v58;
	v0 =	vadd.f32 v59, v1  }
0xc6: {  	s19 =	sor.u32 s19, s20;
	v63 =	vadd.f32 v61, v60  }
0xc7: {  	s21 =	sand.u32 $0x3FFFFF80, s21;
	s19 =	sshrl.u32 s19, $0x3;
	v0 =	vadd.f32 v0, v62  }
0xc8: {  	s22 =	simm.s32 $0x180;
	s19 =	sadd.s32 s19, s4;
	[tilespmem:s21+$0xC000] =	vst v63  }
0xc9: {  	s20 =	simm.s32 $0x80;
	s23 =	sadd.s32 $0x0, s19;
	[tilespmem:s21+$0xC010] =	vst v0;
	s21 =	simm.s32 $0x80  }
.LBB2_13:
0xca: {  	[tilespmem:s20], [sflag:$0x2] =	stream.linear.gather [hbm4b:s23+s2], $0x80, $0x38;
	[tilespmem:$0xD000] =	vst v63  }
0xcb: {  	s23 =	smov.u32 s21;
	s20 =	smov.u32 s22;
	p0 =	sne.s32 s21, $0x3F80  }
.Ltmp5:
0xcc: {  	s21 =	sadd.s32 $0x80, s21;
	(pc) =	sbr.rel @p0 .LBB2_13-.Ltmp5, $2  }
0xcd: {  	_ =	sdelay $0x2  }
0xce: {  	s22 =	sadd.s32 $0x100, s22;
	s23 =	sadd.s32 s23, s19  }
0xcf: {  	s18 =	sadd.s32 $0x1, s18  }
0xd0: {  	p0 =	sne.s32 s18, $0xF  }
.Ltmp6:
0xd1: {  	_ = 	snop;
	(pc) =	sbr.rel @p0 .LBB2_6-.Ltmp6, $2  }
0xd2: {  	_ =	sdelay $0x2  }
0xd3: {  	[tilespmem:s20], [sflag:$0x2] =	stream.linear.gather [hbm4b:s23+s2], $0x80, $0x38;
	[tilespmem:$0xD000] =	vst v63  }
0xd4: {  	_ =	swait.ge [sflag:s12], $0x4000  }
0xd5: {  	s18 =	simm.s32 $0x0;
	s17 =	simm.s32 $0x200;
	[sflag:s12] =	ssyncset.done $0x0  }
0xd6: {  	s19 =	sand.u32 $0x70, s18;
	s20 =	sand.u32 $0xC00, s18;
	[sflag:s12] =	ssyncadd.s32 $0xFFFFC000  }
0xd7: {  	s19 =	sor.u32 s19, s20;
	v10 =	vld [tilespmem:s17+$0x140]  }
0xd8: {  	v7 =	vld [tilespmem:s19+$0xB300]  }
0xd9: {  	v11 =	vld [tilespmem:s17+$0x150]  }
0xda: {  	v12 =	vld [tilespmem:s17+$0x100]  }
0xdb: {  	v14 =	vld [tilespmem:s17+$0x110]  }
0xdc: {  	v15 =	vld [tilespmem:s17+$0x40]  }
0xdd: {  	v16 =	vld [tilespmem:s17+$0x50]  }
0xde: {  	v17 =	vld [tilespmem:s17+$0x0];
	v24 =	vbroadcast v7, $0xE;
	v0 =	vbroadcast v7, $0xF  }
0xdf: {  	v18 =	vld [tilespmem:s17+$0x10];
	v25 =	vbroadcast v7, $0xC;
	v1 =	vbroadcast v7, $0xD  }
0xe0: {  	v19 =	vld [tilespmem:s17+$0xFFFFFF40];
	v26 =	vbroadcast v7, $0xA;
	v2 =	vbroadcast v7, $0xB  }
0xe1: {  	v20 =	vld [tilespmem:s17+$0xFFFFFF50];
	v27 =	vbroadcast v7, $0x8;
	v3 =	vbroadcast v7, $0x9  }
0xe2: {  	v6 =	vimm.f32 $0.0e+00;
	v21 =	vld [tilespmem:s17+$0xFFFFFF00];
	v28 =	vbroadcast v7, $0x6;
	v4 =	vbroadcast v7, $0x7  }
0xe3: {  	v9 =	vimm.f32 $0.0e+00;
	v30 =	vld [tilespmem:s17+$0xFFFFFF10];
	v23 =	vbroadcast v7, $0x4;
	v5 =	vbroadcast v7, $0x5  }
0xe4: {  	v8 =	vimm.f32 $0.0e+00;
	v32 =	vld [tilespmem:s17+$0xFFFFFE40];
	v31 =	vbroadcast v7, $0x2;
	v13 =	vbroadcast v7, $0x3  }
0xe5: {  	v33 =	vld [tilespmem:s17+$0xFFFFFE50];
	s19 =	simm.s32 $0x10;
	v29 =	vbroadcast v7, $0x0;
	v22 =	vbroadcast v7, $0x1;
	v7 =	vimm.f32 $0.0e+00  }
.LBB2_16:
0xe6: {  	p0 =	sne.s32 s19, $0x1F0;
	v34 =	vld [tilespmem:s17+$0xFFFFFE00];
	v35 =	vmul.f32 v10, v24;
	v24 =	vmul.f32 v11, v24  }
0xe7: {  	v36 =	vmul.f32 v12, v25;
	v14 =	vmul.f32 v14, v25;
	v10 =	vld [tilespmem:s17+$0xFFFFFE10]  }
0xe8: {  	v12 =	vmul.f32 v15, v26;
	v15 =	vmul.f32 v16, v26;
	v11 =	vld [tilespmem:s17+$0xFFFFFE20]  }
0xe9: {  	v17 =	vmul.f32 v17, v27;
	v18 =	vmul.f32 v18, v27;
	v16 =	vld [tilespmem:s17+$0xFFFFFE30]  }
0xea: {  	v19 =	vmul.f32 v19, v28;
	v20 =	vmul.f32 v20, v28;
	v25 =	vld [tilespmem:s17+$0xFFFFFE60]  }
0xeb: {  	v21 =	vmul.f32 v21, v23;
	v23 =	vmul.f32 v30, v23;
	v26 =	vld [tilespmem:s17+$0xFFFFFE70]  }
0xec: {  	v27 =	vmul.f32 v32, v31;
	v28 =	vmul.f32 v33, v31;
	v30 =	vld [tilespmem:s17+$0xFFFFFF20]  }
0xed: {  	v31 =	vmul.f32 v34, v29;
	v10 =	vmul.f32 v10, v29;
	v29 =	vld [tilespmem:s17+$0xFFFFFF30]  }
0xee: {  	v11 =	vmul.f32 v11, v22;
	v16 =	vmul.f32 v16, v22;
	v22 =	vld [tilespmem:s17+$0xFFFFFF60]  }
0xef: {  	v6 =	vadd.f32 v31, v6;
	v7 =	vadd.f32 v10, v7;
	v10 =	vmul.f32 v25, v13;
	v25 =	vld [tilespmem:s17+$0xFFFFFF70]  }
0xf0: {  	v9 =	vadd.f32 v11, v9;
	v8 =	vadd.f32 v16, v8;
	v11 =	vmul.f32 v26, v13;
	v13 =	vld [tilespmem:s17+$0x20]  }
0xf1: {  	v6 =	vadd.f32 v27, v6;
	v7 =	vadd.f32 v28, v7;
	v16 =	vmul.f32 v30, v5;
	v26 =	vld [tilespmem:s17+$0x30]  }
0xf2: {  	v9 =	vadd.f32 v10, v9;
	v8 =	vadd.f32 v11, v8;
	v5 =	vmul.f32 v29, v5;
	v10 =	vld [tilespmem:s17+$0x60]  }
0xf3: {  	v6 =	vadd.f32 v21, v6;
	v7 =	vadd.f32 v23, v7;
	v11 =	vmul.f32 v22, v4;
	v21 =	vld [tilespmem:s17+$0x70]  }
0xf4: {  	v9 =	vadd.f32 v16, v9;
	v5 =	vadd.f32 v5, v8;
	v4 =	vmul.f32 v25, v4;
	v8 =	vld [tilespmem:s17+$0x120]  }
0xf5: {  	v6 =	vadd.f32 v19, v6;
	v7 =	vadd.f32 v20, v7;
	v13 =	vmul.f32 v13, v3;
	v16 =	vld [tilespmem:s17+$0x130]  }
0xf6: {  	v9 =	vadd.f32 v11, v9;
	v4 =	vadd.f32 v4, v5;
	v3 =	vmul.f32 v26, v3;
	v5 =	vld [tilespmem:s17+$0x160]  }
0xf7: {  	s18 =	sadd.s32 $0x80, s18;
	v6 =	vadd.f32 v17, v6;
	v7 =	vadd.f32 v18, v7;
	v17 =	vmul.f32 v10, v2;
	v18 =	vld [tilespmem:s17+$0x170];
	s17 =	sadd.s32 $0x400, s17  }
0xf8: {  	s20 =	sand.u32 $0x70, s19;
	s21 =	sand.u32 $0xC00, s18;
	v9 =	vadd.f32 v13, v9;
	v10 =	vld [tilespmem:s17+$0x140];
	v3 =	vadd.f32 v3, v4;
	v2 =	vmul.f32 v21, v2  }
0xf9: {  	s20 =	sor.u32 s20, s21;
	v4 =	vadd.f32 v12, v6;
	v6 =	vadd.f32 v15, v7;
	v11 =	vld [tilespmem:s17+$0x150];
	v7 =	vmul.f32 v8, v1  }
0xfa: {  	v8 =	vadd.f32 v17, v9;
	v22 =	vld [tilespmem:s20+$0xB300];
	v2 =	vadd.f32 v2, v3;
	v1 =	vmul.f32 v16, v1  }
0xfb: {  	v3 =	vadd.f32 v36, v4;
	v4 =	vadd.f32 v14, v6;
	v12 =	vld [tilespmem:s17+$0x100];
	v5 =	vmul.f32 v5, v0  }
0xfc: {  	v8 =	vadd.f32 v7, v8;
	v14 =	vld [tilespmem:s17+$0x110];
	v1 =	vadd.f32 v1, v2;
	v0 =	vmul.f32 v18, v0  }
0xfd: {  	v6 =	vadd.f32 v35, v3;
	v7 =	vadd.f32 v24, v4;
	v15 =	vld [tilespmem:s17+$0x40]  }
0xfe: {  	v9 =	vadd.f32 v5, v8;
	v16 =	vld [tilespmem:s17+$0x50];
	v8 =	vadd.f32 v0, v1  }
0xff: {  	v17 =	vld [tilespmem:s17+$0x0];
	v24 =	vbroadcast v22, $0xE;
	v0 =	vbroadcast v22, $0xF  }
0x100: {  	v25 =	vbroadcast v22, $0xC;
	v1 =	vbroadcast v22, $0xD;
	v18 =	vld [tilespmem:s17+$0x10]  }
0x101: {  	v26 =	vbroadcast v22, $0xA;
	v2 =	vbroadcast v22, $0xB;
	v19 =	vld [tilespmem:s17+$0xFFFFFF40]  }
.Ltmp7:
0x102: {  	v27 =	vbroadcast v22, $0x8;
	v3 =	vbroadcast v22, $0x9;
	v20 =	vld [tilespmem:s17+$0xFFFFFF50];
	(pc) =	sbr.rel @p0 .LBB2_16-.Ltmp7, $4  }
0x103: {  	v28 =	vbroadcast v22, $0x6;
	v4 =	vbroadcast v22, $0x7;
	v21 =	vld [tilespmem:s17+$0xFFFFFF00]  }
0x104: {  	v23 =	vbroadcast v22, $0x4;
	v5 =	vbroadcast v22, $0x5;
	v30 =	vld [tilespmem:s17+$0xFFFFFF10]  }
0x105: {  	v31 =	vbroadcast v22, $0x2;
	v13 =	vbroadcast v22, $0x3;
	v32 =	vld [tilespmem:s17+$0xFFFFFE40]  }
0x106: {  	s19 =	sadd.s32 $0x10, s19;
	v29 =	vbroadcast v22, $0x0;
	v22 =	vbroadcast v22, $0x1;
	v33 =	vld [tilespmem:s17+$0xFFFFFE50]  }
0x107: {  	v34 =	vld [tilespmem:s17+$0xFFFFFE00];
	v10 =	vmul.f32 v10, v24;
	v11 =	vmul.f32 v11, v24  }
0x108: {  	v24 =	vld [tilespmem:s17+$0xFFFFFE10];
	v12 =	vmul.f32 v12, v25;
	v14 =	vmul.f32 v14, v25  }
0x109: {  	v25 =	vld [tilespmem:s17+$0xFFFFFE20];
	v15 =	vmul.f32 v15, v26;
	v16 =	vmul.f32 v16, v26  }
0x10a: {  	v26 =	vld [tilespmem:s17+$0xFFFFFE30];
	v17 =	vmul.f32 v17, v27;
	v18 =	vmul.f32 v18, v27  }
0x10b: {  	v27 =	vld [tilespmem:s17+$0xFFFFFE60];
	v19 =	vmul.f32 v19, v28;
	v20 =	vmul.f32 v20, v28  }
0x10c: {  	v28 =	vld [tilespmem:s17+$0xFFFFFE70];
	v21 =	vmul.f32 v21, v23;
	v23 =	vmul.f32 v30, v23  }
0x10d: {  	v61 =	vld [tilespmem:s17+$0xFFFFFF20];
	v30 =	vmul.f32 v32, v31;
	v31 =	vmul.f32 v33, v31  }
0x10e: {  	v63 =	vld [tilespmem:s17+$0xFFFFFF30];
	v62 =	vmul.f32 v34, v29;
	v25 =	vmul.f32 v25, v22  }
0x10f: {  	v24 =	vmul.f32 v24, v29;
	v22 =	vmul.f32 v26, v22;
	v26 =	vld [tilespmem:s17+$0xFFFFFF60]  }
0x110: {  	v27 =	vmul.f32 v27, v13;
	v29 =	vld [tilespmem:s17+$0xFFFFFF70];
	v6 =	vadd.f32 v62, v6;
	v9 =	vadd.f32 v25, v9  }
0x111: {  	v13 =	vmul.f32 v28, v13;
	v7 =	vadd.f32 v24, v7;
	v8 =	vadd.f32 v22, v8;
	v22 =	vld [tilespmem:s17+$0x20]  }
0x112: {  	v24 =	vmul.f32 v61, v5;
	v25 =	vld [tilespmem:s17+$0x30];
	v6 =	vadd.f32 v30, v6;
	v9 =	vadd.f32 v27, v9  }
0x113: {  	v5 =	vmul.f32 v63, v5;
	v7 =	vadd.f32 v31, v7;
	v8 =	vadd.f32 v13, v8;
	v13 =	vld [tilespmem:s17+$0x60]  }
0x114: {  	v6 =	vadd.f32 v21, v6;
	v21 =	vmul.f32 v26, v4;
	v26 =	vld [tilespmem:s17+$0x70];
	v9 =	vadd.f32 v24, v9  }
0x115: {  	v7 =	vadd.f32 v23, v7;
	v5 =	vadd.f32 v5, v8;
	v4 =	vmul.f32 v29, v4;
	v8 =	vld [tilespmem:s17+$0x120]  }
0x116: {  	v6 =	vadd.f32 v19, v6;
	v19 =	vmul.f32 v22, v3;
	v22 =	vld [tilespmem:s17+$0x130];
	v9 =	vadd.f32 v21, v9  }
0x117: {  	v7 =	vadd.f32 v20, v7;
	v4 =	vadd.f32 v4, v5;
	v3 =	vmul.f32 v25, v3;
	v5 =	vld [tilespmem:s17+$0x160]  }
0x118: {  	v13 =	vmul.f32 v13, v2;
	v6 =	vadd.f32 v17, v6;
	v17 =	vld [tilespmem:s17+$0x170];
	v9 =	vadd.f32 v19, v9  }
0x119: {  	v7 =	vadd.f32 v18, v7;
	v3 =	vadd.f32 v3, v4;
	v2 =	vmul.f32 v26, v2  }
0x11a: {  	v4 =	vadd.f32 v15, v6;
	v6 =	vmul.f32 v8, v1;
	v8 =	vadd.f32 v13, v9  }
0x11b: {  	v7 =	vadd.f32 v16, v7;
	v2 =	vadd.f32 v2, v3;
	v1 =	vmul.f32 v22, v1  }
0x11c: {  	v3 =	vadd.f32 v12, v4;
	v4 =	vmul.f32 v5, v0;
	v5 =	vadd.f32 v6, v8  }
0x11d: {  	v6 =	vadd.f32 v14, v7;
	v1 =	vadd.f32 v1, v2;
	v0 =	vmul.f32 v17, v0  }
0x11e: {  	v2 =	vadd.f32 v10, v3;
	v3 =	vadd.f32 v4, v5  }
0x11f: {  	v4 =	vadd.f32 v11, v6;
	v0 =	vadd.f32 v0, v1  }
0x120: {  	v1 =	vadd.f32 v3, v2  }
0x121: {  	v0 =	vadd.f32 v0, v4  }
0x122: {  	[tilespmem:$0xCF00] =	vst v1  }
0x123: {  	[tilespmem:$0xCF10] =	vst v0  }
0x124: {  	s18 =	simm.s32 $0x0;
	_ =	swait.ge [sflag:s13], $0x4000  }
0x125: {  	s19 =	sand.u32 $0x70, s18;
	[sflag:s13] =	ssyncset.done $0x0  }
0x126: {  	s20 =	sand.u32 $0xC00, s18;
	s17 =	simm.s32 $0x280;
	[sflag:s13] =	ssyncadd.s32 $0xFFFFC000  }
0x127: {  	s19 =	sor.u32 s19, s20;
	v10 =	vld [tilespmem:s17+$0x140]  }
0x128: {  	v7 =	vld [tilespmem:s19+$0xB380]  }
0x129: {  	v11 =	vld [tilespmem:s17+$0x150]  }
0x12a: {  	v12 =	vld [tilespmem:s17+$0x100]  }
0x12b: {  	v14 =	vld [tilespmem:s17+$0x110]  }
0x12c: {  	v15 =	vld [tilespmem:s17+$0x40]  }
0x12d: {  	v16 =	vld [tilespmem:s17+$0x50]  }
0x12e: {  	v17 =	vld [tilespmem:s17+$0x0];
	v24 =	vbroadcast v7, $0xE;
	v0 =	vbroadcast v7, $0xF  }
0x12f: {  	v18 =	vld [tilespmem:s17+$0x10];
	v25 =	vbroadcast v7, $0xC;
	v1 =	vbroadcast v7, $0xD  }
0x130: {  	v19 =	vld [tilespmem:s17+$0xFFFFFF40];
	v26 =	vbroadcast v7, $0xA;
	v2 =	vbroadcast v7, $0xB  }
0x131: {  	v20 =	vld [tilespmem:s17+$0xFFFFFF50];
	v27 =	vbroadcast v7, $0x8;
	v3 =	vbroadcast v7, $0x9  }
0x132: {  	v9 =	vimm.f32 $0.0e+00;
	v21 =	vld [tilespmem:s17+$0xFFFFFF00];
	v28 =	vbroadcast v7, $0x6;
	v4 =	vbroadcast v7, $0x7  }
0x133: {  	v8 =	vimm.f32 $0.0e+00;
	v30 =	vld [tilespmem:s17+$0xFFFFFF10];
	v23 =	vbroadcast v7, $0x4;
	v5 =	vbroadcast v7, $0x5  }
0x134: {  	v6 =	vimm.f32 $0.0e+00;
	v32 =	vld [tilespmem:s17+$0xFFFFFE40];
	v31 =	vbroadcast v7, $0x2;
	v13 =	vbroadcast v7, $0x3  }
0x135: {  	v33 =	vld [tilespmem:s17+$0xFFFFFE50];
	s19 =	simm.s32 $0x10;
	v29 =	vbroadcast v7, $0x0;
	v22 =	vbroadcast v7, $0x1;
	v7 =	vimm.f32 $0.0e+00  }
.LBB2_18:
0x136: {  	p0 =	sne.s32 s19, $0x1F0;
	v34 =	vld [tilespmem:s17+$0xFFFFFE00];
	v35 =	vmul.f32 v10, v24;
	v24 =	vmul.f32 v11, v24  }
0x137: {  	v36 =	vmul.f32 v12, v25;
	v14 =	vmul.f32 v14, v25;
	v10 =	vld [tilespmem:s17+$0xFFFFFE10]  }
0x138: {  	v12 =	vmul.f32 v15, v26;
	v15 =	vmul.f32 v16, v26;
	v11 =	vld [tilespmem:s17+$0xFFFFFE20]  }
0x139: {  	v17 =	vmul.f32 v17, v27;
	v18 =	vmul.f32 v18, v27;
	v16 =	vld [tilespmem:s17+$0xFFFFFE30]  }
0x13a: {  	v19 =	vmul.f32 v19, v28;
	v20 =	vmul.f32 v20, v28;
	v25 =	vld [tilespmem:s17+$0xFFFFFE60]  }
0x13b: {  	v21 =	vmul.f32 v21, v23;
	v23 =	vmul.f32 v30, v23;
	v26 =	vld [tilespmem:s17+$0xFFFFFE70]  }
0x13c: {  	v27 =	vmul.f32 v32, v31;
	v28 =	vmul.f32 v33, v31;
	v30 =	vld [tilespmem:s17+$0xFFFFFF20]  }
0x13d: {  	v31 =	vmul.f32 v34, v29;
	v10 =	vmul.f32 v10, v29;
	v29 =	vld [tilespmem:s17+$0xFFFFFF30]  }
0x13e: {  	v11 =	vmul.f32 v11, v22;
	v16 =	vmul.f32 v16, v22;
	v22 =	vld [tilespmem:s17+$0xFFFFFF60]  }
0x13f: {  	v6 =	vadd.f32 v31, v6;
	v7 =	vadd.f32 v10, v7;
	v10 =	vmul.f32 v25, v13;
	v25 =	vld [tilespmem:s17+$0xFFFFFF70]  }
0x140: {  	v9 =	vadd.f32 v11, v9;
	v8 =	vadd.f32 v16, v8;
	v11 =	vmul.f32 v26, v13;
	v13 =	vld [tilespmem:s17+$0x20]  }
0x141: {  	v6 =	vadd.f32 v27, v6;
	v7 =	vadd.f32 v28, v7;
	v16 =	vmul.f32 v30, v5;
	v26 =	vld [tilespmem:s17+$0x30]  }
0x142: {  	v9 =	vadd.f32 v10, v9;
	v8 =	vadd.f32 v11, v8;
	v5 =	vmul.f32 v29, v5;
	v10 =	vld [tilespmem:s17+$0x60]  }
0x143: {  	v6 =	vadd.f32 v21, v6;
	v7 =	vadd.f32 v23, v7;
	v11 =	vmul.f32 v22, v4;
	v21 =	vld [tilespmem:s17+$0x70]  }
0x144: {  	v9 =	vadd.f32 v16, v9;
	v5 =	vadd.f32 v5, v8;
	v4 =	vmul.f32 v25, v4;
	v8 =	vld [tilespmem:s17+$0x120]  }
0x145: {  	v6 =	vadd.f32 v19, v6;
	v7 =	vadd.f32 v20, v7;
	v13 =	vmul.f32 v13, v3;
	v16 =	vld [tilespmem:s17+$0x130]  }
0x146: {  	v9 =	vadd.f32 v11, v9;
	v4 =	vadd.f32 v4, v5;
	v3 =	vmul.f32 v26, v3;
	v5 =	vld [tilespmem:s17+$0x160]  }
0x147: {  	s18 =	sadd.s32 $0x80, s18;
	v6 =	vadd.f32 v17, v6;
	v7 =	vadd.f32 v18, v7;
	v17 =	vmul.f32 v10, v2;
	v18 =	vld [tilespmem:s17+$0x170];
	s17 =	sadd.s32 $0x400, s17  }
0x148: {  	s20 =	sand.u32 $0x70, s19;
	s21 =	sand.u32 $0xC00, s18;
	v9 =	vadd.f32 v13, v9;
	v10 =	vld [tilespmem:s17+$0x140];
	v3 =	vadd.f32 v3, v4;
	v2 =	vmul.f32 v21, v2  }
0x149: {  	s20 =	sor.u32 s20, s21;
	v4 =	vadd.f32 v12, v6;
	v6 =	vadd.f32 v15, v7;
	v11 =	vld [tilespmem:s17+$0x150];
	v7 =	vmul.f32 v8, v1  }
0x14a: {  	v8 =	vadd.f32 v17, v9;
	v22 =	vld [tilespmem:s20+$0xB380];
	v2 =	vadd.f32 v2, v3;
	v1 =	vmul.f32 v16, v1  }
0x14b: {  	v3 =	vadd.f32 v36, v4;
	v4 =	vadd.f32 v14, v6;
	v12 =	vld [tilespmem:s17+$0x100];
	v5 =	vmul.f32 v5, v0  }
0x14c: {  	v8 =	vadd.f32 v7, v8;
	v14 =	vld [tilespmem:s17+$0x110];
	v1 =	vadd.f32 v1, v2;
	v0 =	vmul.f32 v18, v0  }
0x14d: {  	v6 =	vadd.f32 v35, v3;
	v7 =	vadd.f32 v24, v4;
	v15 =	vld [tilespmem:s17+$0x40]  }
0x14e: {  	v9 =	vadd.f32 v5, v8;
	v16 =	vld [tilespmem:s17+$0x50];
	v8 =	vadd.f32 v0, v1  }
0x14f: {  	v17 =	vld [tilespmem:s17+$0x0];
	v24 =	vbroadcast v22, $0xE;
	v0 =	vbroadcast v22, $0xF  }
0x150: {  	v25 =	vbroadcast v22, $0xC;
	v1 =	vbroadcast v22, $0xD;
	v18 =	vld [tilespmem:s17+$0x10]  }
0x151: {  	v26 =	vbroadcast v22, $0xA;
	v2 =	vbroadcast v22, $0xB;
	v19 =	vld [tilespmem:s17+$0xFFFFFF40]  }
.Ltmp8:
0x152: {  	v27 =	vbroadcast v22, $0x8;
	v3 =	vbroadcast v22, $0x9;
	v20 =	vld [tilespmem:s17+$0xFFFFFF50];
	(pc) =	sbr.rel @p0 .LBB2_18-.Ltmp8, $4  }
0x153: {  	v28 =	vbroadcast v22, $0x6;
	v4 =	vbroadcast v22, $0x7;
	v21 =	vld [tilespmem:s17+$0xFFFFFF00]  }
0x154: {  	v23 =	vbroadcast v22, $0x4;
	v5 =	vbroadcast v22, $0x5;
	v30 =	vld [tilespmem:s17+$0xFFFFFF10]  }
0x155: {  	v31 =	vbroadcast v22, $0x2;
	v13 =	vbroadcast v22, $0x3;
	v32 =	vld [tilespmem:s17+$0xFFFFFE40]  }
0x156: {  	s19 =	sadd.s32 $0x10, s19;
	v29 =	vbroadcast v22, $0x0;
	v22 =	vbroadcast v22, $0x1;
	v33 =	vld [tilespmem:s17+$0xFFFFFE50]  }
0x157: {  	v34 =	vld [tilespmem:s17+$0xFFFFFE00];
	v10 =	vmul.f32 v10, v24;
	v11 =	vmul.f32 v11, v24  }
0x158: {  	v51 =	vld [tilespmem:s17+$0xFFFFFE10];
	v12 =	vmul.f32 v12, v25;
	v14 =	vmul.f32 v14, v25  }
0x159: {  	v52 =	vld [tilespmem:s17+$0xFFFFFE20];
	v15 =	vmul.f32 v15, v26;
	v16 =	vmul.f32 v16, v26  }
0x15a: {  	v53 =	vld [tilespmem:s17+$0xFFFFFE30];
	v17 =	vmul.f32 v17, v27;
	v18 =	vmul.f32 v18, v27  }
0x15b: {  	v54 =	vld [tilespmem:s17+$0xFFFFFE60];
	v19 =	vmul.f32 v19, v28;
	v20 =	vmul.f32 v20, v28  }
0x15c: {  	v55 =	vld [tilespmem:s17+$0xFFFFFE70];
	v21 =	vmul.f32 v21, v23;
	v56 =	vmul.f32 v30, v23  }
0x15d: {  	v59 =	vld [tilespmem:s17+$0xFFFFFF20];
	v57 =	vmul.f32 v32, v31;
	v58 =	vmul.f32 v33, v31  }
0x15e: {  	v61 =	vld [tilespmem:s17+$0xFFFFFF30];
	v60 =	vmul.f32 v34, v29;
	v25 =	vmul.f32 v52, v22  }
0x15f: {  	v63 =	vld [tilespmem:s17+$0xFFFFFF60];
	v24 =	vmul.f32 v51, v29;
	v62 =	vmul.f32 v53, v22  }
0x160: {  	v33 =	vld [tilespmem:s17+$0xFFFFFF70];
	v27 =	vmul.f32 v54, v13;
	v6 =	vadd.f32 v60, v6;
	v9 =	vadd.f32 v25, v9  }
0x161: {  	v36 =	vld [tilespmem:s17+$0x20];
	v35 =	vmul.f32 v55, v13;
	v7 =	vadd.f32 v24, v7;
	v8 =	vadd.f32 v62, v8  }
0x162: {  	v38 =	vld [tilespmem:s17+$0x30];
	v37 =	vmul.f32 v59, v5;
	v6 =	vadd.f32 v57, v6;
	v9 =	vadd.f32 v27, v9  }
0x163: {  	v40 =	vld [tilespmem:s17+$0x60];
	v39 =	vmul.f32 v61, v5;
	v7 =	vadd.f32 v58, v7;
	v8 =	vadd.f32 v35, v8  }
0x164: {  	v42 =	vld [tilespmem:s17+$0x70];
	v41 =	vmul.f32 v63, v4;
	v6 =	vadd.f32 v21, v6;
	v9 =	vadd.f32 v37, v9  }
0x165: {  	v44 =	vld [tilespmem:s17+$0x120];
	v43 =	vmul.f32 v33, v4;
	v7 =	vadd.f32 v56, v7;
	v5 =	vadd.f32 v39, v8  }
0x166: {  	v46 =	vld [tilespmem:s17+$0x130];
	v45 =	vmul.f32 v36, v3;
	v6 =	vadd.f32 v19, v6;
	v9 =	vadd.f32 v41, v9  }
0x167: {  	v48 =	vld [tilespmem:s17+$0x160];
	v47 =	vmul.f32 v38, v3;
	v7 =	vadd.f32 v20, v7;
	v4 =	vadd.f32 v43, v5  }
0x168: {  	v49 =	vld [tilespmem:s17+$0x170];
	v13 =	vmul.f32 v40, v2;
	v6 =	vadd.f32 v17, v6;
	v9 =	vadd.f32 v45, v9  }
0x169: {  	v50 =	vmul.f32 v42, v2;
	v7 =	vadd.f32 v18, v7;
	v3 =	vadd.f32 v47, v4  }
0x16a: {  	v52 =	vmul.f32 v44, v1;
	v51 =	vadd.f32 v15, v6;
	v53 =	vadd.f32 v13, v9  }
0x16b: {  	v54 =	vmul.f32 v46, v1;
	v7 =	vadd.f32 v16, v7;
	v2 =	vadd.f32 v50, v3  }
0x16c: {  	v56 =	vmul.f32 v48, v0;
	v55 =	vadd.f32 v12, v51;
	v57 =	vadd.f32 v52, v53  }
0x16d: {  	v59 =	vmul.f32 v49, v0;
	v58 =	vadd.f32 v14, v7;
	v1 =	vadd.f32 v54, v2  }
0x16e: {  	v60 =	vadd.f32 v10, v55;
	v61 =	vadd.f32 v56, v57  }
0x16f: {  	v62 =	vadd.f32 v11, v58;
	v0 =	vadd.f32 v59, v1  }
0x170: {  	v63 =	vadd.f32 v61, v60  }
0x171: {  	s16 =	sadd.s32 $0x1, s16;
	v0 =	vadd.f32 v0, v62  }
0x172: {  	p0 =	sne.s32 s16, s9;
	[tilespmem:$0xCF80] =	vst v63  }
.Ltmp9:
0x173: {  	[tilespmem:$0xCF90] =	vst v0;
	(pc) =	sbr.rel @p0 .LBB2_1-.Ltmp9, $4  }
0x174: {  	[hbm4b:s8+s2] =	stream.linear.scatter [tilespmem:s14], [sflag:$0x4], $0x1000, $0x38;
	[tilespmem:$0xD000] =	vst v63  }
0x175: {  	_ =	swait.ge [sflag:s15], $0x1000  }
0x176: {  	[sflag:s15] =	ssyncset.done $0x0  }
0x177: {  	[sflag:s15] =	ssyncadd.s32 $0xFFFFF000  }
0x178: {  	_ =	sfence.sel $0x180000  }
0x179: {  	[bflag:$0x0] =	sbarrier.arrive $0xFFFF  }
0x17a: {  	p0 =	sne.s32 s1, $0x0;
	_ =	strace $0x90000047  }
0x17b: {  	s0 =	sadd.s32 @!p0 $0x100000, s0;
	[bflag:$0x2] =	sbarrier.arrive $0xFFFF  }
0x17c: {  	[sflag:s0] =	ssyncadd.tile.s32 @!p0 $0x1;
	_ =	shalt  }
.Lfunc_end2:
_tile_overlayer_lowered:
.L_overlay_start_2:
0x17d: {  	(tag) =	ssettag $0x2  }
0x17e: {  	s0 =	rddreg [dreg:$0x0];
	s2 =	stileid.u32  }
0x17f: {  	s1 =	rddreg [dreg:$0x1];
	p0 =	sne.s32 s2, $0x0  }
0x180: {  	s3 =	rddreg [dreg:$0x2];
	[bflag:$0x3] =	sbarrier.arrive $0xFFFF;
	s2 =	simm.s32 @!p0 $0x1C04  }
0x181: {  	[timem:s3], [sflag:s2] =	dma.local @!p0 [hbm:s0], s1  }
0x182: {  	s0 =	simm.s32 @!p0 $0x4  }
0x183: {  	_ =	swait.ge @!p0 [sflag:s0], s1  }
0x184: {  	s1 =	ssub.s32 @!p0 $0x0, s1;
	[sflag:s0] =	ssyncset.done @!p0 $0x0  }
0x185: {  	[sflag:s0] =	ssyncadd.s32 @!p0 s1  }
0x186: {  	[bflag:$0x3] =	sbarrier.arrive $0xFFFF  }
0x187: {  	_ =	shalt  }

</sc_bundles>
